<compile_context>
chip_gen: v7x
topology: tpu7x:2x2x1
jax: 0.10.2.dev20260603
libtpu: 0.0.44.dev20260713+nightly
codegen_flags: <defaults>
</compile_context>

<pallas_src>
import functools

import jax
import jax.numpy as jnp
from jax import lax
from jax.experimental import pallas as pl
from jax.experimental.pallas import tpu as pltpu
from jax.experimental.pallas import tpu_sc as plsc

_N = 10000
_E = 320000
_D = 128
_NC = 2
_NS = 16
_HALF = _D // _NC
_CHUNK = 80
_NCHUNK = 250
_NACC = _N
_RPT = 624
_RREM = _N - _NS * _RPT
_NB = 6
_AHEAD = 3
_BODY = 246
_ZROWS = _NB * _CHUNK


def _sc_body(x2, ep, out, sidx, didx, rows, acc, *sems):
    gsem = sems[:_NB]
    ssem = sems[_NB:]
    c = lax.axis_index("c")
    s = lax.axis_index("s")
    r0 = s * _RPT

    zvec = jnp.zeros((16,), jnp.float32)

    @pl.loop(0, _ZROWS)
    def _zero_rows(i):
        for j in range(_HALF // 16):
            rows[i, pl.ds(j * 16, 16)] = zvec

    for h in range(2):
        pltpu.sync_copy(
            rows.at[pl.ds(0, _RPT // 2)],
            acc.at[pl.ds(r0 + h * (_RPT // 2), _RPT // 2)],
        )

    @pl.when(s == 0)
    def _zero_rem():
        pltpu.sync_copy(
            rows.at[pl.ds(0, _NACC - _NS * _RPT)],
            acc.at[pl.ds(_NS * _RPT, _NACC - _NS * _RPT)],
        )

    plsc.subcore_barrier()

    pltpu.sync_copy(ep.at[s], sidx)

    def rbuf(b):
        return rows.at[pl.ds(b * _CHUNK, _CHUNK)]

    def gather(k, b):
        for j in range(_CHUNK // 16):
            sl = pl.ds(j * 16, 16)
            pk = sidx[k, sl]
            didx[b, sl] = pk & 16383
            sidx[k, sl] = (pk >> 14) * 2 + c
        pltpu.async_copy(x2.at[sidx.at[k]], rbuf(b), gsem[b])

    def gather_wait(k, b):
        pltpu.make_async_copy(x2.at[sidx.at[k]], rbuf(b), gsem[b]).wait()

    def scatter(k, b):
        pltpu.async_copy(rbuf(b), acc.at[didx.at[b]], ssem[b], add=True)

    def scatter_drain(b):
        pltpu.make_async_copy(x2.at[pl.ds(0, _CHUNK)], rbuf(b), ssem[b]).wait()

    for k in range(_AHEAD):
        gather(k, k % _NB)

    @pl.loop(0, _BODY, step=_NB)
    def _chunks(i):
        for b in range(_NB):
            k = i + b
            bg = (b + _AHEAD) % _NB
            if b < _AHEAD:
                @pl.when(k >= _AHEAD)
                def _drain():
                    scatter_drain(bg)

            else:
                scatter_drain(bg)
            gather(k + _AHEAD, bg)
            gather_wait(k, b)
            scatter(k, b)

    for k in range(_BODY, _NCHUNK - _AHEAD):
        b = k % _NB
        bg = (b + _AHEAD) % _NB
        scatter_drain(bg)
        gather(k + _AHEAD, bg)
        gather_wait(k, b)
        scatter(k, b)

    for k in range(_NCHUNK - _AHEAD, _NCHUNK):
        b = k % _NB
        gather_wait(k, b)
        scatter(k, b)

    for k in range(_NCHUNK - _NB, _NCHUNK):
        scatter_drain(k % _NB)

    plsc.subcore_barrier()

    pltpu.sync_copy(
        acc.at[pl.ds(r0, _RPT)],
        out.at[pl.ds(r0, _RPT), pl.ds(c * _HALF, _HALF)],
    )

    @pl.when(s == 0)
    def _write_rem():
        pltpu.sync_copy(
            acc.at[pl.ds(_NS * _RPT, _RREM)],
            out.at[pl.ds(_NS * _RPT, _RREM), pl.ds(c * _HALF, _HALF)],
        )


_mp_kernel = functools.partial(
    pl.kernel,
    out_type=jax.ShapeDtypeStruct((_N, _D), jnp.float32),
    mesh=plsc.VectorSubcoreMesh(core_axis_name="c", subcore_axis_name="s"),
    scratch_types=[
        pltpu.VMEM((_NCHUNK, _CHUNK), jnp.int32),
        pltpu.VMEM((_NB, _CHUNK), jnp.int32),
        pltpu.VMEM((_ZROWS, _HALF), jnp.float32),
        pltpu.VMEM_SHARED((_NACC, _HALF), jnp.float32),
    ]
    + [pltpu.SemaphoreType.DMA] * (2 * _NB),
    compiler_params=pltpu.CompilerParams(use_tc_tiling_on_sc=False),
)(_sc_body)


def kernel(x, edge_index):
    x2 = x.reshape(_N * _NC, _HALF)
    ep = (edge_index[0] * 16384 + edge_index[1]).reshape(_NS, _NCHUNK, _CHUNK)
    return _mp_kernel(x2, ep)

# --- scband reference (transcript-rebuilt; emitter-appended) ---
"""Pipeline reference for scband-message-passing-8735963480380 (READ-ONLY COPY).

The authoritative reference and input builder live on the scoring server;
editing this copy changes nothing except your own understanding.
"""

import jax, jax.numpy as jnp
import numpy as np

N_NODES = 10000
N_EDGES = 320000
D_FEAT = 128


def setup_inputs(seed: int = 0) -> dict:
    key = jax.random.key(seed)
    k1, k2 = jax.random.split(key)
    x = jax.random.normal(k1, (N_NODES, D_FEAT), dtype=jnp.float32)
    edge_index = jax.random.randint(k2, (2, N_EDGES), 0, N_NODES, dtype=jnp.int32)
    return {"x": x, "edge_index": edge_index}


def reference(x, edge_index):
    # MessagePassing with flow='source_to_target': i, j = (1, 0)
    # message(x_j) = x_j  -> gather source node features along edges
    # scatter_('add', out, edge_index[i], dim_size=N) -> segment-sum into target nodes
    # update(aggr_out) = aggr_out (identity)
    src = edge_index[0]
    dst = edge_index[1]
    msgs = jnp.take(x, src, axis=0)  # [E, d] gather (x_j)
    out = jax.ops.segment_sum(msgs, dst, num_segments=x.shape[0])  # scatter-add
    return out

if __name__ == "__main__":
    import jax
    _d = setup_inputs()
    print(jax.jit(kernel)(*tuple(_d.values())))

</pallas_src>

<mosaic_0001>
#map = affine_map<(d0, d1) -> (0, 0)>
#map1 = affine_map<(d0, d1) -> (0, 0, 0)>
module attributes {stable_mosaic.version = 14 : i64} {
  func.func @_sc_body(%arg0: i32, %arg1: i32, %arg2: memref<20000x64xf32, #tpu.memory_space<hbm>>, %arg3: memref<16x250x80xi32, #tpu.memory_space<hbm>>, %arg4: memref<10000x128xf32, #tpu.memory_space<hbm>>, %arg5: memref<250x80xi32, #tpu.memory_space<vmem>>, %arg6: memref<6x80xi32, #tpu.memory_space<vmem>>, %arg7: memref<480x64xf32, #tpu.memory_space<vmem>>, %arg8: memref<10000x64xf32, #tpu.memory_space<vmem_shared>>, %arg9: memref<!tpu.dma_semaphore, #tpu.memory_space<semaphore_mem>>, %arg10: memref<!tpu.dma_semaphore, #tpu.memory_space<semaphore_mem>>, %arg11: memref<!tpu.dma_semaphore, #tpu.memory_space<semaphore_mem>>, %arg12: memref<!tpu.dma_semaphore, #tpu.memory_space<semaphore_mem>>, %arg13: memref<!tpu.dma_semaphore, #tpu.memory_space<semaphore_mem>>, %arg14: memref<!tpu.dma_semaphore, #tpu.memory_space<semaphore_mem>>, %arg15: memref<!tpu.dma_semaphore, #tpu.memory_space<semaphore_mem>>, %arg16: memref<!tpu.dma_semaphore, #tpu.memory_space<semaphore_mem>>, %arg17: memref<!tpu.dma_semaphore, #tpu.memory_space<semaphore_mem>>, %arg18: memref<!tpu.dma_semaphore, #tpu.memory_space<semaphore_mem>>, %arg19: memref<!tpu.dma_semaphore, #tpu.memory_space<semaphore_mem>>, %arg20: memref<!tpu.dma_semaphore, #tpu.memory_space<semaphore_mem>>) attributes {dimension_semantics = [#tpu.dimension_semantics<core_parallel>, #tpu.dimension_semantics<subcore_parallel>], iteration_bounds = array<i64: 2, 16>, scalar_prefetch = 0 : i64, scratch_operands = 16 : i64, tpu.core_type = #tpu.core_type<sc_vector_subcore>, window_params = [{transform_indices = #map}, {transform_indices = #map1}, {transform_indices = #map}]} {
    %mul3A = arith.constant 624 : i32
    %mul3A_0 = arith.muli %arg1, %mul3A : i32
    %broadcast_in_dim3A = arith.constant 0.000000e+00 : f32
    %broadcast_in_dim3A_1 = vector.broadcast %broadcast_in_dim3A : f32 to vector<16xf32>
    %scan3A = arith.constant 0 : i32
    %scan3A_2 = arith.constant 480 : i32
    %scan3A_3 = arith.addi %scan3A, %scan3A_2 : i32
    %scan3A_4 = arith.constant 1 : i32
    scf.for %scan3A_782 = %scan3A to %scan3A_3 step %scan3A_4  : i32 {
      %mul3A_783 = arith.constant 1 : i32
      %mul3A_784 = arith.muli %scan3A_782, %mul3A_783 : i32
      %add3A_785 = arith.constant 0 : i32
      %add3A_786 = arith.addi %add3A_785, %mul3A_784 : i32
      %swap3A_787 = arith.index_cast %add3A_786 : i32 to index
      %swap3A_788 = arith.constant 0 : index
      %swap3A_789 = tpu.vector_load %arg7[%swap3A_787, %swap3A_788] {strides = array<i32>} : memref<480x64xf32, #tpu.memory_space<vmem>>, vector<1x16xf32>,
      %swap3A_790 = vector.shape_cast %swap3A_789 : vector<1x16xf32> to vector<16xf32>
      %swap3A_791 = vector.shape_cast %broadcast_in_dim3A_1 : vector<16xf32> to vector<1x16xf32>
      tpu.vector_store %arg7[%swap3A_787, %swap3A_788], %swap3A_791 {strides = array<i32>} : memref<480x64xf32, #tpu.memory_space<vmem>>, vector<1x16xf32>,
      %swap3A_792 = arith.index_cast %add3A_786 : i32 to index
      %swap3A_793 = arith.constant 16 : index
      %swap3A_794 = tpu.vector_load %arg7[%swap3A_792, %swap3A_793] {strides = array<i32>} : memref<480x64xf32, #tpu.memory_space<vmem>>, vector<1x16xf32>,
      %swap3A_795 = vector.shape_cast %swap3A_794 : vector<1x16xf32> to vector<16xf32>
      %swap3A_796 = vector.shape_cast %broadcast_in_dim3A_1 : vector<16xf32> to vector<1x16xf32>
      tpu.vector_store %arg7[%swap3A_792, %swap3A_793], %swap3A_796 {strides = array<i32>} : memref<480x64xf32, #tpu.memory_space<vmem>>, vector<1x16xf32>,
      %swap3A_797 = arith.index_cast %add3A_786 : i32 to index
      %swap3A_798 = arith.constant 32 : index
      %swap3A_799 = tpu.vector_load %arg7[%swap3A_797, %swap3A_798] {strides = array<i32>} : memref<480x64xf32, #tpu.memory_space<vmem>>, vector<1x16xf32>,
      %swap3A_800 = vector.shape_cast %swap3A_799 : vector<1x16xf32> to vector<16xf32>
      %swap3A_801 = vector.shape_cast %broadcast_in_dim3A_1 : vector<16xf32> to vector<1x16xf32>
      tpu.vector_store %arg7[%swap3A_797, %swap3A_798], %swap3A_801 {strides = array<i32>} : memref<480x64xf32, #tpu.memory_space<vmem>>, vector<1x16xf32>,
      %swap3A_802 = arith.index_cast %add3A_786 : i32 to index
      %swap3A_803 = arith.constant 48 : index
      %swap3A_804 = tpu.vector_load %arg7[%swap3A_802, %swap3A_803] {strides = array<i32>} : memref<480x64xf32, #tpu.memory_space<vmem>>, vector<1x16xf32>,
      %swap3A_805 = vector.shape_cast %swap3A_804 : vector<1x16xf32> to vector<16xf32>
      %swap3A_806 = vector.shape_cast %broadcast_in_dim3A_1 : vector<16xf32> to vector<1x16xf32>
      tpu.vector_store %arg7[%swap3A_802, %swap3A_803], %swap3A_806 {strides = array<i32>} : memref<480x64xf32, #tpu.memory_space<vmem>>, vector<1x16xf32>,
    }
    %scan3A_5 = arith.constant 480 : i32
    %add3A = arith.constant 0 : i32
    %add3A_6 = arith.addi %mul3A_0, %add3A : i32
    "tpu.region"() ({
      %run_scoped3A = tpu.sem_alloc : memref<!tpu.dma_semaphore, #tpu.memory_space<semaphore_mem>>
      %dma_start3A_782 = arith.constant 0 : i32
      %dma_start3A_783 = arith.constant 0 : i32
      %dma_start3A_784 = tpu.memref_slice %arg7[%dma_start3A_782, %dma_start3A_783] : memref<480x64xf32, #tpu.memory_space<vmem>> -> memref<312x64xf32, #tpu.memory_space<vmem>>
      %dma_start3A_785 = arith.constant 0 : i32
      %dma_start3A_786 = tpu.memref_slice %arg8[%add3A_6, %dma_start3A_785] : memref<10000x64xf32, #tpu.memory_space<vmem_shared>> -> memref<312x64xf32, #tpu.memory_space<vmem_shared>>
      %dma_start3A_787 = arith.constant 0 : i32
      %dma_start3A_788 = tpu.memref_slice %arg8[%add3A_6, %dma_start3A_787] : memref<10000x64xf32, #tpu.memory_space<vmem_shared>> -> memref<312x64xf32, #tpu.memory_space<vmem_shared>>
      %dma_start3A_789 = arith.constant 0 : i32
      %dma_start3A_790 = arith.constant 0 : i32
      %dma_start3A_791 = tpu.memref_slice %arg7[%dma_start3A_789, %dma_start3A_790] : memref<480x64xf32, #tpu.memory_space<vmem>> -> memref<312x64xf32, #tpu.memory_space<vmem>>
      tpu.enqueue_dma source(%dma_start3A_791 : memref<312x64xf32, #tpu.memory_space<vmem>>) target(%dma_start3A_788 : memref<312x64xf32, #tpu.memory_space<vmem_shared>>) target_semaphore(%run_scoped3A : memref<!tpu.dma_semaphore, #tpu.memory_space<semaphore_mem>>)
      %dma_wait3A_792 = arith.constant 0 : i32
      %dma_wait3A_793 = arith.constant 0 : i32
      %dma_wait3A_794 = tpu.memref_slice %arg7[%dma_wait3A_792, %dma_wait3A_793] : memref<480x64xf32, #tpu.memory_space<vmem>> -> memref<312x64xf32, #tpu.memory_space<vmem>>
      %dma_wait3A_795 = arith.constant 0 : i32
      %dma_wait3A_796 = tpu.memref_slice %arg8[%add3A_6, %dma_wait3A_795] : memref<10000x64xf32, #tpu.memory_space<vmem_shared>> -> memref<312x64xf32, #tpu.memory_space<vmem_shared>>
      %dma_wait3A_797 = arith.constant 0 : i32
      %dma_wait3A_798 = tpu.memref_slice %arg8[%add3A_6, %dma_wait3A_797] : memref<10000x64xf32, #tpu.memory_space<vmem_shared>> -> memref<312x64xf32, #tpu.memory_space<vmem_shared>>
      %dma_wait3A_799 = arith.constant 0 : i32
      %dma_wait3A_800 = arith.constant 0 : i32
      %dma_wait3A_801 = tpu.memref_slice %arg7[%dma_wait3A_799, %dma_wait3A_800] : memref<480x64xf32, #tpu.memory_space<vmem>> -> memref<312x64xf32, #tpu.memory_space<vmem>>
      tpu.wait_dma2 semaphore(%run_scoped3A : memref<!tpu.dma_semaphore, #tpu.memory_space<semaphore_mem>>) src(%dma_wait3A_801 : memref<312x64xf32, #tpu.memory_space<vmem>>) dst(%dma_wait3A_798 : memref<312x64xf32, #tpu.memory_space<vmem_shared>>)
      tpu.yield
    }) : () -> ()
    %add3A_7 = arith.constant 312 : i32
    %add3A_8 = arith.addi %mul3A_0, %add3A_7 : i32
    "tpu.region"() ({
      %run_scoped3A = tpu.sem_alloc : memref<!tpu.dma_semaphore, #tpu.memory_space<semaphore_mem>>
      %dma_start3A_782 = arith.constant 0 : i32
      %dma_start3A_783 = arith.constant 0 : i32
      %dma_start3A_784 = tpu.memref_slice %arg7[%dma_start3A_782, %dma_start3A_783] : memref<480x64xf32, #tpu.memory_space<vmem>> -> memref<312x64xf32, #tpu.memory_space<vmem>>
      %dma_start3A_785 = arith.constant 0 : i32
      %dma_start3A_786 = tpu.memref_slice %arg8[%add3A_8, %dma_start3A_785] : memref<10000x64xf32, #tpu.memory_space<vmem_shared>> -> memref<312x64xf32, #tpu.memory_space<vmem_shared>>
      %dma_start3A_787 = arith.constant 0 : i32
      %dma_start3A_788 = tpu.memref_slice %arg8[%add3A_8, %dma_start3A_787] : memref<10000x64xf32, #tpu.memory_space<vmem_shared>> -> memref<312x64xf32, #tpu.memory_space<vmem_shared>>
      %dma_start3A_789 = arith.constant 0 : i32
      %dma_start3A_790 = arith.constant 0 : i32
      %dma_start3A_791 = tpu.memref_slice %arg7[%dma_start3A_789, %dma_start3A_790] : memref<480x64xf32, #tpu.memory_space<vmem>> -> memref<312x64xf32, #tpu.memory_space<vmem>>
      tpu.enqueue_dma source(%dma_start3A_791 : memref<312x64xf32, #tpu.memory_space<vmem>>) target(%dma_start3A_788 : memref<312x64xf32, #tpu.memory_space<vmem_shared>>) target_semaphore(%run_scoped3A : memref<!tpu.dma_semaphore, #tpu.memory_space<semaphore_mem>>)
      %dma_wait3A_792 = arith.constant 0 : i32
      %dma_wait3A_793 = arith.constant 0 : i32
      %dma_wait3A_794 = tpu.memref_slice %arg7[%dma_wait3A_792, %dma_wait3A_793] : memref<480x64xf32, #tpu.memory_space<vmem>> -> memref<312x64xf32, #tpu.memory_space<vmem>>
      %dma_wait3A_795 = arith.constant 0 : i32
      %dma_wait3A_796 = tpu.memref_slice %arg8[%add3A_8, %dma_wait3A_795] : memref<10000x64xf32, #tpu.memory_space<vmem_shared>> -> memref<312x64xf32, #tpu.memory_space<vmem_shared>>
      %dma_wait3A_797 = arith.constant 0 : i32
      %dma_wait3A_798 = tpu.memref_slice %arg8[%add3A_8, %dma_wait3A_797] : memref<10000x64xf32, #tpu.memory_space<vmem_shared>> -> memref<312x64xf32, #tpu.memory_space<vmem_shared>>
      %dma_wait3A_799 = arith.constant 0 : i32
      %dma_wait3A_800 = arith.constant 0 : i32
      %dma_wait3A_801 = tpu.memref_slice %arg7[%dma_wait3A_799, %dma_wait3A_800] : memref<480x64xf32, #tpu.memory_space<vmem>> -> memref<312x64xf32, #tpu.memory_space<vmem>>
      tpu.wait_dma2 semaphore(%run_scoped3A : memref<!tpu.dma_semaphore, #tpu.memory_space<semaphore_mem>>) src(%dma_wait3A_801 : memref<312x64xf32, #tpu.memory_space<vmem>>) dst(%dma_wait3A_798 : memref<312x64xf32, #tpu.memory_space<vmem_shared>>)
      tpu.yield
    }) : () -> ()
    %eq3A = arith.constant 0 : i32
    %eq3A_9 = arith.cmpi eq, %arg1, %eq3A : i32
    %convert_element_type3A = arith.extui %eq3A_9 : i1 to i32
    %cond3A = arith.constant 0 : i32
    %cond3A_10 = arith.cmpi ne, %convert_element_type3A, %cond3A : i32
    scf.if %cond3A_10 {
      "tpu.region"() ({
        %run_scoped3A = tpu.sem_alloc : memref<!tpu.dma_semaphore, #tpu.memory_space<semaphore_mem>>
        %dma_start3A_782 = arith.constant 0 : i32
        %dma_start3A_783 = arith.constant 0 : i32
        %dma_start3A_784 = tpu.memref_slice %arg7[%dma_start3A_782, %dma_start3A_783] : memref<480x64xf32, #tpu.memory_space<vmem>> -> memref<16x64xf32, #tpu.memory_space<vmem>>
        %dma_start3A_785 = arith.constant 9984 : i32
        %dma_start3A_786 = arith.constant 0 : i32
        %dma_start3A_787 = tpu.memref_slice %arg8[%dma_start3A_785, %dma_start3A_786] : memref<10000x64xf32, #tpu.memory_space<vmem_shared>> -> memref<16x64xf32, #tpu.memory_space<vmem_shared>>
        %dma_start3A_788 = arith.constant 9984 : i32
        %dma_start3A_789 = arith.constant 0 : i32
        %dma_start3A_790 = tpu.memref_slice %arg8[%dma_start3A_788, %dma_start3A_789] : memref<10000x64xf32, #tpu.memory_space<vmem_shared>> -> memref<16x64xf32, #tpu.memory_space<vmem_shared>>
        %dma_start3A_791 = arith.constant 0 : i32
        %dma_start3A_792 = arith.constant 0 : i32
        %dma_start3A_793 = tpu.memref_slice %arg7[%dma_start3A_791, %dma_start3A_792] : memref<480x64xf32, #tpu.memory_space<vmem>> -> memref<16x64xf32, #tpu.memory_space<vmem>>
        tpu.enqueue_dma source(%dma_start3A_793 : memref<16x64xf32, #tpu.memory_space<vmem>>) target(%dma_start3A_790 : memref<16x64xf32, #tpu.memory_space<vmem_shared>>) target_semaphore(%run_scoped3A : memref<!tpu.dma_semaphore, #tpu.memory_space<semaphore_mem>>)
        %dma_wait3A_794 = arith.constant 0 : i32
        %dma_wait3A_795 = arith.constant 0 : i32
        %dma_wait3A_796 = tpu.memref_slice %arg7[%dma_wait3A_794, %dma_wait3A_795] : memref<480x64xf32, #tpu.memory_space<vmem>> -> memref<16x64xf32, #tpu.memory_space<vmem>>
        %dma_wait3A_797 = arith.constant 9984 : i32
        %dma_wait3A_798 = arith.constant 0 : i32
        %dma_wait3A_799 = tpu.memref_slice %arg8[%dma_wait3A_797, %dma_wait3A_798] : memref<10000x64xf32, #tpu.memory_space<vmem_shared>> -> memref<16x64xf32, #tpu.memory_space<vmem_shared>>
        %dma_wait3A_800 = arith.constant 9984 : i32
        %dma_wait3A_801 = arith.constant 0 : i32
        %dma_wait3A_802 = tpu.memref_slice %arg8[%dma_wait3A_800, %dma_wait3A_801] : memref<10000x64xf32, #tpu.memory_space<vmem_shared>> -> memref<16x64xf32, #tpu.memory_space<vmem_shared>>
        %dma_wait3A_803 = arith.constant 0 : i32
        %dma_wait3A_804 = arith.constant 0 : i32
        %dma_wait3A_805 = tpu.memref_slice %arg7[%dma_wait3A_803, %dma_wait3A_804] : memref<480x64xf32, #tpu.memory_space<vmem>> -> memref<16x64xf32, #tpu.memory_space<vmem>>
        tpu.wait_dma2 semaphore(%run_scoped3A : memref<!tpu.dma_semaphore, #tpu.memory_space<semaphore_mem>>) src(%dma_wait3A_805 : memref<16x64xf32, #tpu.memory_space<vmem>>) dst(%dma_wait3A_802 : memref<16x64xf32, #tpu.memory_space<vmem_shared>>)
        tpu.yield
      }) : () -> ()
    } else {
    }
    %barrier3A = arith.constant 0 : index
    tpu.barrier barrier_id(%barrier3A)
    "tpu.region"() ({
      %run_scoped3A = tpu.sem_alloc : memref<!tpu.dma_semaphore, #tpu.memory_space<semaphore_mem>>
      %dma_start3A_782 = arith.constant 0 : i32
      %dma_start3A_783 = arith.constant 0 : i32
      %dma_start3A_784 = tpu.memref_slice %arg3[%arg1, %dma_start3A_782, %dma_start3A_783] : memref<16x250x80xi32, #tpu.memory_space<hbm>> -> memref<1x250x80xi32, #tpu.memory_space<hbm>>
      %dma_start3A_785 = tpu.memref_squeeze %dma_start3A_784 : memref<1x250x80xi32, #tpu.memory_space<hbm>> -> memref<250x80xi32, #tpu.memory_space<hbm>>
      %dma_start3A_786 = arith.constant 0 : i32
      %dma_start3A_787 = arith.constant 0 : i32
      %dma_start3A_788 = tpu.memref_slice %arg3[%arg1, %dma_start3A_786, %dma_start3A_787] : memref<16x250x80xi32, #tpu.memory_space<hbm>> -> memref<1x250x80xi32, #tpu.memory_space<hbm>>
      %dma_start3A_789 = tpu.memref_squeeze %dma_start3A_788 : memref<1x250x80xi32, #tpu.memory_space<hbm>> -> memref<250x80xi32, #tpu.memory_space<hbm>>
      tpu.enqueue_dma source(%dma_start3A_789 : memref<250x80xi32, #tpu.memory_space<hbm>>) target(%arg5 : memref<250x80xi32, #tpu.memory_space<vmem>>) target_semaphore(%run_scoped3A : memref<!tpu.dma_semaphore, #tpu.memory_space<semaphore_mem>>)
      %dma_wait3A_790 = arith.constant 0 : i32
      %dma_wait3A_791 = arith.constant 0 : i32
      %dma_wait3A_792 = tpu.memref_slice %arg3[%arg1, %dma_wait3A_790, %dma_wait3A_791] : memref<16x250x80xi32, #tpu.memory_space<hbm>> -> memref<1x250x80xi32, #tpu.memory_space<hbm>>
      %dma_wait3A_793 = tpu.memref_squeeze %dma_wait3A_792 : memref<1x250x80xi32, #tpu.memory_space<hbm>> -> memref<250x80xi32, #tpu.memory_space<hbm>>
      %dma_wait3A_794 = arith.constant 0 : i32
      %dma_wait3A_795 = arith.constant 0 : i32
      %dma_wait3A_796 = tpu.memref_slice %arg3[%arg1, %dma_wait3A_794, %dma_wait3A_795] : memref<16x250x80xi32, #tpu.memory_space<hbm>> -> memref<1x250x80xi32, #tpu.memory_space<hbm>>
      %dma_wait3A_797 = tpu.memref_squeeze %dma_wait3A_796 : memref<1x250x80xi32, #tpu.memory_space<hbm>> -> memref<250x80xi32, #tpu.memory_space<hbm>>
      tpu.wait_dma2 semaphore(%run_scoped3A : memref<!tpu.dma_semaphore, #tpu.memory_space<semaphore_mem>>) src(%dma_wait3A_797 : memref<250x80xi32, #tpu.memory_space<hbm>>) dst(%arg5 : memref<250x80xi32, #tpu.memory_space<vmem>>)
      tpu.yield
    }) : () -> ()
    %get3A = arith.constant 0 : i32
    %get3A_11 = arith.index_cast %get3A : i32 to index
    %get3A_12 = arith.constant 0 : index
    %get3A_13 = tpu.vector_load %arg5[%get3A_11, %get3A_12] {strides = array<i32>} : memref<250x80xi32, #tpu.memory_space<vmem>>, vector<1x16xi32>,
    %get3A_14 = vector.shape_cast %get3A_13 : vector<1x16xi32> to vector<16xi32>
    %and3A = arith.constant 16383 : i32
    %and3A_15 = vector.broadcast %and3A : i32 to vector<16xi32>
    %and3A_16 = arith.andi %get3A_14, %and3A_15 : vector<16xi32>
    %swap3A = arith.constant 0 : i32
    %swap3A_17 = arith.index_cast %swap3A : i32 to index
    %swap3A_18 = arith.constant 0 : index
    %swap3A_19 = tpu.vector_load %arg6[%swap3A_17, %swap3A_18] {strides = array<i32>} : memref<6x80xi32, #tpu.memory_space<vmem>>, vector<1x16xi32>,
    %swap3A_20 = vector.shape_cast %swap3A_19 : vector<1x16xi32> to vector<16xi32>
    %swap3A_21 = vector.shape_cast %and3A_16 : vector<16xi32> to vector<1x16xi32>
    tpu.vector_store %arg6[%swap3A_17, %swap3A_18], %swap3A_21 {strides = array<i32>} : memref<6x80xi32, #tpu.memory_space<vmem>>, vector<1x16xi32>,
    %shift_right_arithmetic3A = arith.constant 14 : i32
    %shift_right_arithmetic3A_22 = vector.broadcast %shift_right_arithmetic3A : i32 to vector<16xi32>
    %shift_right_arithmetic3A_23 = arith.shrsi %get3A_14, %shift_right_arithmetic3A_22 : vector<16xi32>
    %mul3A_24 = arith.constant 2 : i32
    %mul3A_25 = vector.broadcast %mul3A_24 : i32 to vector<16xi32>
    %mul3A_26 = arith.muli %shift_right_arithmetic3A_23, %mul3A_25 : vector<16xi32>
    %add3A_27 = vector.broadcast %arg0 : i32 to vector<16xi32>
    %add3A_28 = arith.addi %mul3A_26, %add3A_27 : vector<16xi32>
    %swap3A_29 = arith.constant 0 : i32
    %swap3A_30 = arith.index_cast %swap3A_29 : i32 to index
    %swap3A_31 = arith.constant 0 : index
    %swap3A_32 = tpu.vector_load %arg5[%swap3A_30, %swap3A_31] {strides = array<i32>} : memref<250x80xi32, #tpu.memory_space<vmem>>, vector<1x16xi32>,
    %swap3A_33 = vector.shape_cast %swap3A_32 : vector<1x16xi32> to vector<16xi32>
    %swap3A_34 = vector.shape_cast %add3A_28 : vector<16xi32> to vector<1x16xi32>
    tpu.vector_store %arg5[%swap3A_30, %swap3A_31], %swap3A_34 {strides = array<i32>} : memref<250x80xi32, #tpu.memory_space<vmem>>, vector<1x16xi32>,
    %get3A_35 = arith.constant 0 : i32
    %get3A_36 = arith.index_cast %get3A_35 : i32 to index
    %get3A_37 = arith.constant 16 : index
    %get3A_38 = tpu.vector_load %arg5[%get3A_36, %get3A_37] {strides = array<i32>} : memref<250x80xi32, #tpu.memory_space<vmem>>, vector<1x16xi32>,
    %get3A_39 = vector.shape_cast %get3A_38 : vector<1x16xi32> to vector<16xi32>
    %and3A_40 = arith.constant 16383 : i32
    %and3A_41 = vector.broadcast %and3A_40 : i32 to vector<16xi32>
    %and3A_42 = arith.andi %get3A_39, %and3A_41 : vector<16xi32>
    %swap3A_43 = arith.constant 0 : i32
    %swap3A_44 = arith.index_cast %swap3A_43 : i32 to index
    %swap3A_45 = arith.constant 16 : index
    %swap3A_46 = tpu.vector_load %arg6[%swap3A_44, %swap3A_45] {strides = array<i32>} : memref<6x80xi32, #tpu.memory_space<vmem>>, vector<1x16xi32>,
    %swap3A_47 = vector.shape_cast %swap3A_46 : vector<1x16xi32> to vector<16xi32>
    %swap3A_48 = vector.shape_cast %and3A_42 : vector<16xi32> to vector<1x16xi32>
    tpu.vector_store %arg6[%swap3A_44, %swap3A_45], %swap3A_48 {strides = array<i32>} : memref<6x80xi32, #tpu.memory_space<vmem>>, vector<1x16xi32>,
    %shift_right_arithmetic3A_49 = arith.constant 14 : i32
    %shift_right_arithmetic3A_50 = vector.broadcast %shift_right_arithmetic3A_49 : i32 to vector<16xi32>
    %shift_right_arithmetic3A_51 = arith.shrsi %get3A_39, %shift_right_arithmetic3A_50 : vector<16xi32>
    %mul3A_52 = arith.constant 2 : i32
    %mul3A_53 = vector.broadcast %mul3A_52 : i32 to vector<16xi32>
    %mul3A_54 = arith.muli %shift_right_arithmetic3A_51, %mul3A_53 : vector<16xi32>
    %add3A_55 = vector.broadcast %arg0 : i32 to vector<16xi32>
    %add3A_56 = arith.addi %mul3A_54, %add3A_55 : vector<16xi32>
    %swap3A_57 = arith.constant 0 : i32
    %swap3A_58 = arith.index_cast %swap3A_57 : i32 to index
    %swap3A_59 = arith.constant 16 : index
    %swap3A_60 = tpu.vector_load %arg5[%swap3A_58, %swap3A_59] {strides = array<i32>} : memref<250x80xi32, #tpu.memory_space<vmem>>, vector<1x16xi32>,
    %swap3A_61 = vector.shape_cast %swap3A_60 : vector<1x16xi32> to vector<16xi32>
    %swap3A_62 = vector.shape_cast %add3A_56 : vector<16xi32> to vector<1x16xi32>
    tpu.vector_store %arg5[%swap3A_58, %swap3A_59], %swap3A_62 {strides = array<i32>} : memref<250x80xi32, #tpu.memory_space<vmem>>, vector<1x16xi32>,
    %get3A_63 = arith.constant 0 : i32
    %get3A_64 = arith.index_cast %get3A_63 : i32 to index
    %get3A_65 = arith.constant 32 : index
    %get3A_66 = tpu.vector_load %arg5[%get3A_64, %get3A_65] {strides = array<i32>} : memref<250x80xi32, #tpu.memory_space<vmem>>, vector<1x16xi32>,
    %get3A_67 = vector.shape_cast %get3A_66 : vector<1x16xi32> to vector<16xi32>
    %and3A_68 = arith.constant 16383 : i32
    %and3A_69 = vector.broadcast %and3A_68 : i32 to vector<16xi32>
    %and3A_70 = arith.andi %get3A_67, %and3A_69 : vector<16xi32>
    %swap3A_71 = arith.constant 0 : i32
    %swap3A_72 = arith.index_cast %swap3A_71 : i32 to index
    %swap3A_73 = arith.constant 32 : index
    %swap3A_74 = tpu.vector_load %arg6[%swap3A_72, %swap3A_73] {strides = array<i32>} : memref<6x80xi32, #tpu.memory_space<vmem>>, vector<1x16xi32>,
    %swap3A_75 = vector.shape_cast %swap3A_74 : vector<1x16xi32> to vector<16xi32>
    %swap3A_76 = vector.shape_cast %and3A_70 : vector<16xi32> to vector<1x16xi32>
    tpu.vector_store %arg6[%swap3A_72, %swap3A_73], %swap3A_76 {strides = array<i32>} : memref<6x80xi32, #tpu.memory_space<vmem>>, vector<1x16xi32>,
    %shift_right_arithmetic3A_77 = arith.constant 14 : i32
    %shift_right_arithmetic3A_78 = vector.broadcast %shift_right_arithmetic3A_77 : i32 to vector<16xi32>
    %shift_right_arithmetic3A_79 = arith.shrsi %get3A_67, %shift_right_arithmetic3A_78 : vector<16xi32>
    %mul3A_80 = arith.constant 2 : i32
    %mul3A_81 = vector.broadcast %mul3A_80 : i32 to vector<16xi32>
    %mul3A_82 = arith.muli %shift_right_arithmetic3A_79, %mul3A_81 : vector<16xi32>
    %add3A_83 = vector.broadcast %arg0 : i32 to vector<16xi32>
    %add3A_84 = arith.addi %mul3A_82, %add3A_83 : vector<16xi32>
    %swap3A_85 = arith.constant 0 : i32
    %swap3A_86 = arith.index_cast %swap3A_85 : i32 to index
    %swap3A_87 = arith.constant 32 : index
    %swap3A_88 = tpu.vector_load %arg5[%swap3A_86, %swap3A_87] {strides = array<i32>} : memref<250x80xi32, #tpu.memory_space<vmem>>, vector<1x16xi32>,
    %swap3A_89 = vector.shape_cast %swap3A_88 : vector<1x16xi32> to vector<16xi32>
    %swap3A_90 = vector.shape_cast %add3A_84 : vector<16xi32> to vector<1x16xi32>
    tpu.vector_store %arg5[%swap3A_86, %swap3A_87], %swap3A_90 {strides = array<i32>} : memref<250x80xi32, #tpu.memory_space<vmem>>, vector<1x16xi32>,
    %get3A_91 = arith.constant 0 : i32
    %get3A_92 = arith.index_cast %get3A_91 : i32 to index
    %get3A_93 = arith.constant 48 : index
    %get3A_94 = tpu.vector_load %arg5[%get3A_92, %get3A_93] {strides = array<i32>} : memref<250x80xi32, #tpu.memory_space<vmem>>, vector<1x16xi32>,
    %get3A_95 = vector.shape_cast %get3A_94 : vector<1x16xi32> to vector<16xi32>
    %and3A_96 = arith.constant 16383 : i32
    %and3A_97 = vector.broadcast %and3A_96 : i32 to vector<16xi32>
    %and3A_98 = arith.andi %get3A_95, %and3A_97 : vector<16xi32>
    %swap3A_99 = arith.constant 0 : i32
    %swap3A_100 = arith.index_cast %swap3A_99 : i32 to index
    %swap3A_101 = arith.constant 48 : index
    %swap3A_102 = tpu.vector_load %arg6[%swap3A_100, %swap3A_101] {strides = array<i32>} : memref<6x80xi32, #tpu.memory_space<vmem>>, vector<1x16xi32>,
    %swap3A_103 = vector.shape_cast %swap3A_102 : vector<1x16xi32> to vector<16xi32>
    %swap3A_104 = vector.shape_cast %and3A_98 : vector<16xi32> to vector<1x16xi32>
    tpu.vector_store %arg6[%swap3A_100, %swap3A_101], %swap3A_104 {strides = array<i32>} : memref<6x80xi32, #tpu.memory_space<vmem>>, vector<1x16xi32>,
    %shift_right_arithmetic3A_105 = arith.constant 14 : i32
    %shift_right_arithmetic3A_106 = vector.broadcast %shift_right_arithmetic3A_105 : i32 to vector<16xi32>
    %shift_right_arithmetic3A_107 = arith.shrsi %get3A_95, %shift_right_arithmetic3A_106 : vector<16xi32>
    %mul3A_108 = arith.constant 2 : i32
    %mul3A_109 = vector.broadcast %mul3A_108 : i32 to vector<16xi32>
    %mul3A_110 = arith.muli %shift_right_arithmetic3A_107, %mul3A_109 : vector<16xi32>
    %add3A_111 = vector.broadcast %arg0 : i32 to vector<16xi32>
    %add3A_112 = arith.addi %mul3A_110, %add3A_111 : vector<16xi32>
    %swap3A_113 = arith.constant 0 : i32
    %swap3A_114 = arith.index_cast %swap3A_113 : i32 to index
    %swap3A_115 = arith.constant 48 : index
    %swap3A_116 = tpu.vector_load %arg5[%swap3A_114, %swap3A_115] {strides = array<i32>} : memref<250x80xi32, #tpu.memory_space<vmem>>, vector<1x16xi32>,
    %swap3A_117 = vector.shape_cast %swap3A_116 : vector<1x16xi32> to vector<16xi32>
    %swap3A_118 = vector.shape_cast %add3A_112 : vector<16xi32> to vector<1x16xi32>
    tpu.vector_store %arg5[%swap3A_114, %swap3A_115], %swap3A_118 {strides = array<i32>} : memref<250x80xi32, #tpu.memory_space<vmem>>, vector<1x16xi32>,
    %get3A_119 = arith.constant 0 : i32
    %get3A_120 = arith.index_cast %get3A_119 : i32 to index
    %get3A_121 = arith.constant 64 : index
    %get3A_122 = tpu.vector_load %arg5[%get3A_120, %get3A_121] {strides = array<i32>} : memref<250x80xi32, #tpu.memory_space<vmem>>, vector<1x16xi32>,
    %get3A_123 = vector.shape_cast %get3A_122 : vector<1x16xi32> to vector<16xi32>
    %and3A_124 = arith.constant 16383 : i32
    %and3A_125 = vector.broadcast %and3A_124 : i32 to vector<16xi32>
    %and3A_126 = arith.andi %get3A_123, %and3A_125 : vector<16xi32>
    %swap3A_127 = arith.constant 0 : i32
    %swap3A_128 = arith.index_cast %swap3A_127 : i32 to index
    %swap3A_129 = arith.constant 64 : index
    %swap3A_130 = tpu.vector_load %arg6[%swap3A_128, %swap3A_129] {strides = array<i32>} : memref<6x80xi32, #tpu.memory_space<vmem>>, vector<1x16xi32>,
    %swap3A_131 = vector.shape_cast %swap3A_130 : vector<1x16xi32> to vector<16xi32>
    %swap3A_132 = vector.shape_cast %and3A_126 : vector<16xi32> to vector<1x16xi32>
    tpu.vector_store %arg6[%swap3A_128, %swap3A_129], %swap3A_132 {strides = array<i32>} : memref<6x80xi32, #tpu.memory_space<vmem>>, vector<1x16xi32>,
    %shift_right_arithmetic3A_133 = arith.constant 14 : i32
    %shift_right_arithmetic3A_134 = vector.broadcast %shift_right_arithmetic3A_133 : i32 to vector<16xi32>
    %shift_right_arithmetic3A_135 = arith.shrsi %get3A_123, %shift_right_arithmetic3A_134 : vector<16xi32>
    %mul3A_136 = arith.constant 2 : i32
    %mul3A_137 = vector.broadcast %mul3A_136 : i32 to vector<16xi32>
    %mul3A_138 = arith.muli %shift_right_arithmetic3A_135, %mul3A_137 : vector<16xi32>
    %add3A_139 = vector.broadcast %arg0 : i32 to vector<16xi32>
    %add3A_140 = arith.addi %mul3A_138, %add3A_139 : vector<16xi32>
    %swap3A_141 = arith.constant 0 : i32
    %swap3A_142 = arith.index_cast %swap3A_141 : i32 to index
    %swap3A_143 = arith.constant 64 : index
    %swap3A_144 = tpu.vector_load %arg5[%swap3A_142, %swap3A_143] {strides = array<i32>} : memref<250x80xi32, #tpu.memory_space<vmem>>, vector<1x16xi32>,
    %swap3A_145 = vector.shape_cast %swap3A_144 : vector<1x16xi32> to vector<16xi32>
    %swap3A_146 = vector.shape_cast %add3A_140 : vector<16xi32> to vector<1x16xi32>
    tpu.vector_store %arg5[%swap3A_142, %swap3A_143], %swap3A_146 {strides = array<i32>} : memref<250x80xi32, #tpu.memory_space<vmem>>, vector<1x16xi32>,
    %dma_start3A = arith.constant 0 : i32
    %dma_start3A_147 = arith.constant 0 : i32
    %dma_start3A_148 = arith.constant 0 : i32
    %dma_start3A_149 = tpu.memref_slice %arg7[%dma_start3A_147, %dma_start3A_148] : memref<480x64xf32, #tpu.memory_space<vmem>> -> memref<80x64xf32, #tpu.memory_space<vmem>>
    %dma_start3A_150 = arith.constant 0 : i32
    %dma_start3A_151 = tpu.memref_slice %arg5[%dma_start3A, %dma_start3A_150] : memref<250x80xi32, #tpu.memory_space<vmem>> -> memref<1x80xi32, #tpu.memory_space<vmem>>
    %dma_start3A_152 = tpu.memref_squeeze %dma_start3A_151 : memref<1x80xi32, #tpu.memory_space<vmem>> -> memref<80xi32, #tpu.memory_space<vmem>>
    %dma_start3A_153 = arith.constant 0 : i32
    %dma_start3A_154 = arith.constant 0 : i32
    %dma_start3A_155 = tpu.memref_slice %arg2[%dma_start3A_153, %dma_start3A_154] : memref<20000x64xf32, #tpu.memory_space<hbm>> -> memref<20000x64xf32, #tpu.memory_space<hbm>>
    tpu.enqueue_indirect_dma source(%dma_start3A_155 : memref<20000x64xf32, #tpu.memory_space<hbm>>) target(%dma_start3A_149 : memref<80x64xf32, #tpu.memory_space<vmem>>) offsets(%dma_start3A_152 : memref<80xi32, #tpu.memory_space<vmem>>) semaphore(%arg9 : memref<!tpu.dma_semaphore, #tpu.memory_space<semaphore_mem>>)
    %get3A_156 = arith.constant 1 : i32
    %get3A_157 = arith.index_cast %get3A_156 : i32 to index
    %get3A_158 = arith.constant 0 : index
    %get3A_159 = tpu.vector_load %arg5[%get3A_157, %get3A_158] {strides = array<i32>} : memref<250x80xi32, #tpu.memory_space<vmem>>, vector<1x16xi32>,
    %get3A_160 = vector.shape_cast %get3A_159 : vector<1x16xi32> to vector<16xi32>
    %and3A_161 = arith.constant 16383 : i32
    %and3A_162 = vector.broadcast %and3A_161 : i32 to vector<16xi32>
    %and3A_163 = arith.andi %get3A_160, %and3A_162 : vector<16xi32>
    %swap3A_164 = arith.constant 1 : i32
    %swap3A_165 = arith.index_cast %swap3A_164 : i32 to index
    %swap3A_166 = arith.constant 0 : index
    %swap3A_167 = tpu.vector_load %arg6[%swap3A_165, %swap3A_166] {strides = array<i32>} : memref<6x80xi32, #tpu.memory_space<vmem>>, vector<1x16xi32>,
    %swap3A_168 = vector.shape_cast %swap3A_167 : vector<1x16xi32> to vector<16xi32>
    %swap3A_169 = vector.shape_cast %and3A_163 : vector<16xi32> to vector<1x16xi32>
    tpu.vector_store %arg6[%swap3A_165, %swap3A_166], %swap3A_169 {strides = array<i32>} : memref<6x80xi32, #tpu.memory_space<vmem>>, vector<1x16xi32>,
    %shift_right_arithmetic3A_170 = arith.constant 14 : i32
    %shift_right_arithmetic3A_171 = vector.broadcast %shift_right_arithmetic3A_170 : i32 to vector<16xi32>
    %shift_right_arithmetic3A_172 = arith.shrsi %get3A_160, %shift_right_arithmetic3A_171 : vector<16xi32>
    %mul3A_173 = arith.constant 2 : i32
    %mul3A_174 = vector.broadcast %mul3A_173 : i32 to vector<16xi32>
    %mul3A_175 = arith.muli %shift_right_arithmetic3A_172, %mul3A_174 : vector<16xi32>
    %add3A_176 = vector.broadcast %arg0 : i32 to vector<16xi32>
    %add3A_177 = arith.addi %mul3A_175, %add3A_176 : vector<16xi32>
    %swap3A_178 = arith.constant 1 : i32
    %swap3A_179 = arith.index_cast %swap3A_178 : i32 to index
    %swap3A_180 = arith.constant 0 : index
    %swap3A_181 = tpu.vector_load %arg5[%swap3A_179, %swap3A_180] {strides = array<i32>} : memref<250x80xi32, #tpu.memory_space<vmem>>, vector<1x16xi32>,
    %swap3A_182 = vector.shape_cast %swap3A_181 : vector<1x16xi32> to vector<16xi32>
    %swap3A_183 = vector.shape_cast %add3A_177 : vector<16xi32> to vector<1x16xi32>
    tpu.vector_store %arg5[%swap3A_179, %swap3A_180], %swap3A_183 {strides = array<i32>} : memref<250x80xi32, #tpu.memory_space<vmem>>, vector<1x16xi32>,
    %get3A_184 = arith.constant 1 : i32
    %get3A_185 = arith.index_cast %get3A_184 : i32 to index
    %get3A_186 = arith.constant 16 : index
    %get3A_187 = tpu.vector_load %arg5[%get3A_185, %get3A_186] {strides = array<i32>} : memref<250x80xi32, #tpu.memory_space<vmem>>, vector<1x16xi32>,
    %get3A_188 = vector.shape_cast %get3A_187 : vector<1x16xi32> to vector<16xi32>
    %and3A_189 = arith.constant 16383 : i32
    %and3A_190 = vector.broadcast %and3A_189 : i32 to vector<16xi32>
    %and3A_191 = arith.andi %get3A_188, %and3A_190 : vector<16xi32>
    %swap3A_192 = arith.constant 1 : i32
    %swap3A_193 = arith.index_cast %swap3A_192 : i32 to index
    %swap3A_194 = arith.constant 16 : index
    %swap3A_195 = tpu.vector_load %arg6[%swap3A_193, %swap3A_194] {strides = array<i32>} : memref<6x80xi32, #tpu.memory_space<vmem>>, vector<1x16xi32>,
    %swap3A_196 = vector.shape_cast %swap3A_195 : vector<1x16xi32> to vector<16xi32>
    %swap3A_197 = vector.shape_cast %and3A_191 : vector<16xi32> to vector<1x16xi32>
    tpu.vector_store %arg6[%swap3A_193, %swap3A_194], %swap3A_197 {strides = array<i32>} : memref<6x80xi32, #tpu.memory_space<vmem>>, vector<1x16xi32>,
    %shift_right_arithmetic3A_198 = arith.constant 14 : i32
    %shift_right_arithmetic3A_199 = vector.broadcast %shift_right_arithmetic3A_198 : i32 to vector<16xi32>
    %shift_right_arithmetic3A_200 = arith.shrsi %get3A_188, %shift_right_arithmetic3A_199 : vector<16xi32>
    %mul3A_201 = arith.constant 2 : i32
    %mul3A_202 = vector.broadcast %mul3A_201 : i32 to vector<16xi32>
    %mul3A_203 = arith.muli %shift_right_arithmetic3A_200, %mul3A_202 : vector<16xi32>
    %add3A_204 = vector.broadcast %arg0 : i32 to vector<16xi32>
    %add3A_205 = arith.addi %mul3A_203, %add3A_204 : vector<16xi32>
    %swap3A_206 = arith.constant 1 : i32
    %swap3A_207 = arith.index_cast %swap3A_206 : i32 to index
    %swap3A_208 = arith.constant 16 : index
    %swap3A_209 = tpu.vector_load %arg5[%swap3A_207, %swap3A_208] {strides = array<i32>} : memref<250x80xi32, #tpu.memory_space<vmem>>, vector<1x16xi32>,
    %swap3A_210 = vector.shape_cast %swap3A_209 : vector<1x16xi32> to vector<16xi32>
    %swap3A_211 = vector.shape_cast %add3A_205 : vector<16xi32> to vector<1x16xi32>
    tpu.vector_store %arg5[%swap3A_207, %swap3A_208], %swap3A_211 {strides = array<i32>} : memref<250x80xi32, #tpu.memory_space<vmem>>, vector<1x16xi32>,
    %get3A_212 = arith.constant 1 : i32
    %get3A_213 = arith.index_cast %get3A_212 : i32 to index
    %get3A_214 = arith.constant 32 : index
    %get3A_215 = tpu.vector_load %arg5[%get3A_213, %get3A_214] {strides = array<i32>} : memref<250x80xi32, #tpu.memory_space<vmem>>, vector<1x16xi32>,
    %get3A_216 = vector.shape_cast %get3A_215 : vector<1x16xi32> to vector<16xi32>
    %and3A_217 = arith.constant 16383 : i32
    %and3A_218 = vector.broadcast %and3A_217 : i32 to vector<16xi32>
    %and3A_219 = arith.andi %get3A_216, %and3A_218 : vector<16xi32>
    %swap3A_220 = arith.constant 1 : i32
    %swap3A_221 = arith.index_cast %swap3A_220 : i32 to index
    %swap3A_222 = arith.constant 32 : index
    %swap3A_223 = tpu.vector_load %arg6[%swap3A_221, %swap3A_222] {strides = array<i32>} : memref<6x80xi32, #tpu.memory_space<vmem>>, vector<1x16xi32>,
    %swap3A_224 = vector.shape_cast %swap3A_223 : vector<1x16xi32> to vector<16xi32>
    %swap3A_225 = vector.shape_cast %and3A_219 : vector<16xi32> to vector<1x16xi32>
    tpu.vector_store %arg6[%swap3A_221, %swap3A_222], %swap3A_225 {strides = array<i32>} : memref<6x80xi32, #tpu.memory_space<vmem>>, vector<1x16xi32>,
    %shift_right_arithmetic3A_226 = arith.constant 14 : i32
    %shift_right_arithmetic3A_227 = vector.broadcast %shift_right_arithmetic3A_226 : i32 to vector<16xi32>
    %shift_right_arithmetic3A_228 = arith.shrsi %get3A_216, %shift_right_arithmetic3A_227 : vector<16xi32>
    %mul3A_229 = arith.constant 2 : i32
    %mul3A_230 = vector.broadcast %mul3A_229 : i32 to vector<16xi32>
    %mul3A_231 = arith.muli %shift_right_arithmetic3A_228, %mul3A_230 : vector<16xi32>
    %add3A_232 = vector.broadcast %arg0 : i32 to vector<16xi32>
    %add3A_233 = arith.addi %mul3A_231, %add3A_232 : vector<16xi32>
    %swap3A_234 = arith.constant 1 : i32
    %swap3A_235 = arith.index_cast %swap3A_234 : i32 to index
    %swap3A_236 = arith.constant 32 : index
    %swap3A_237 = tpu.vector_load %arg5[%swap3A_235, %swap3A_236] {strides = array<i32>} : memref<250x80xi32, #tpu.memory_space<vmem>>, vector<1x16xi32>,
    %swap3A_238 = vector.shape_cast %swap3A_237 : vector<1x16xi32> to vector<16xi32>
    %swap3A_239 = vector.shape_cast %add3A_233 : vector<16xi32> to vector<1x16xi32>
    tpu.vector_store %arg5[%swap3A_235, %swap3A_236], %swap3A_239 {strides = array<i32>} : memref<250x80xi32, #tpu.memory_space<vmem>>, vector<1x16xi32>,
    %get3A_240 = arith.constant 1 : i32
    %get3A_241 = arith.index_cast %get3A_240 : i32 to index
    %get3A_242 = arith.constant 48 : index
    %get3A_243 = tpu.vector_load %arg5[%get3A_241, %get3A_242] {strides = array<i32>} : memref<250x80xi32, #tpu.memory_space<vmem>>, vector<1x16xi32>,
    %get3A_244 = vector.shape_cast %get3A_243 : vector<1x16xi32> to vector<16xi32>
    %and3A_245 = arith.constant 16383 : i32
    %and3A_246 = vector.broadcast %and3A_245 : i32 to vector<16xi32>
    %and3A_247 = arith.andi %get3A_244, %and3A_246 : vector<16xi32>
    %swap3A_248 = arith.constant 1 : i32
    %swap3A_249 = arith.index_cast %swap3A_248 : i32 to index
    %swap3A_250 = arith.constant 48 : index
    %swap3A_251 = tpu.vector_load %arg6[%swap3A_249, %swap3A_250] {strides = array<i32>} : memref<6x80xi32, #tpu.memory_space<vmem>>, vector<1x16xi32>,
    %swap3A_252 = vector.shape_cast %swap3A_251 : vector<1x16xi32> to vector<16xi32>
    %swap3A_253 = vector.shape_cast %and3A_247 : vector<16xi32> to vector<1x16xi32>
    tpu.vector_store %arg6[%swap3A_249, %swap3A_250], %swap3A_253 {strides = array<i32>} : memref<6x80xi32, #tpu.memory_space<vmem>>, vector<1x16xi32>,
    %shift_right_arithmetic3A_254 = arith.constant 14 : i32
    %shift_right_arithmetic3A_255 = vector.broadcast %shift_right_arithmetic3A_254 : i32 to vector<16xi32>
    %shift_right_arithmetic3A_256 = arith.shrsi %get3A_244, %shift_right_arithmetic3A_255 : vector<16xi32>
    %mul3A_257 = arith.constant 2 : i32
    %mul3A_258 = vector.broadcast %mul3A_257 : i32 to vector<16xi32>
    %mul3A_259 = arith.muli %shift_right_arithmetic3A_256, %mul3A_258 : vector<16xi32>
    %add3A_260 = vector.broadcast %arg0 : i32 to vector<16xi32>
    %add3A_261 = arith.addi %mul3A_259, %add3A_260 : vector<16xi32>
    %swap3A_262 = arith.constant 1 : i32
    %swap3A_263 = arith.index_cast %swap3A_262 : i32 to index
    %swap3A_264 = arith.constant 48 : index
    %swap3A_265 = tpu.vector_load %arg5[%swap3A_263, %swap3A_264] {strides = array<i32>} : memref<250x80xi32, #tpu.memory_space<vmem>>, vector<1x16xi32>,
    %swap3A_266 = vector.shape_cast %swap3A_265 : vector<1x16xi32> to vector<16xi32>
    %swap3A_267 = vector.shape_cast %add3A_261 : vector<16xi32> to vector<1x16xi32>
    tpu.vector_store %arg5[%swap3A_263, %swap3A_264], %swap3A_267 {strides = array<i32>} : memref<250x80xi32, #tpu.memory_space<vmem>>, vector<1x16xi32>,
    %get3A_268 = arith.constant 1 : i32
    %get3A_269 = arith.index_cast %get3A_268 : i32 to index
    %get3A_270 = arith.constant 64 : index
    %get3A_271 = tpu.vector_load %arg5[%get3A_269, %get3A_270] {strides = array<i32>} : memref<250x80xi32, #tpu.memory_space<vmem>>, vector<1x16xi32>,
    %get3A_272 = vector.shape_cast %get3A_271 : vector<1x16xi32> to vector<16xi32>
    %and3A_273 = arith.constant 16383 : i32
    %and3A_274 = vector.broadcast %and3A_273 : i32 to vector<16xi32>
    %and3A_275 = arith.andi %get3A_272, %and3A_274 : vector<16xi32>
    %swap3A_276 = arith.constant 1 : i32
    %swap3A_277 = arith.index_cast %swap3A_276 : i32 to index
    %swap3A_278 = arith.constant 64 : index
    %swap3A_279 = tpu.vector_load %arg6[%swap3A_277, %swap3A_278] {strides = array<i32>} : memref<6x80xi32, #tpu.memory_space<vmem>>, vector<1x16xi32>,
    %swap3A_280 = vector.shape_cast %swap3A_279 : vector<1x16xi32> to vector<16xi32>
    %swap3A_281 = vector.shape_cast %and3A_275 : vector<16xi32> to vector<1x16xi32>
    tpu.vector_store %arg6[%swap3A_277, %swap3A_278], %swap3A_281 {strides = array<i32>} : memref<6x80xi32, #tpu.memory_space<vmem>>, vector<1x16xi32>,
    %shift_right_arithmetic3A_282 = arith.constant 14 : i32
    %shift_right_arithmetic3A_283 = vector.broadcast %shift_right_arithmetic3A_282 : i32 to vector<16xi32>
    %shift_right_arithmetic3A_284 = arith.shrsi %get3A_272, %shift_right_arithmetic3A_283 : vector<16xi32>
    %mul3A_285 = arith.constant 2 : i32
    %mul3A_286 = vector.broadcast %mul3A_285 : i32 to vector<16xi32>
    %mul3A_287 = arith.muli %shift_right_arithmetic3A_284, %mul3A_286 : vector<16xi32>
    %add3A_288 = vector.broadcast %arg0 : i32 to vector<16xi32>
    %add3A_289 = arith.addi %mul3A_287, %add3A_288 : vector<16xi32>
    %swap3A_290 = arith.constant 1 : i32
    %swap3A_291 = arith.index_cast %swap3A_290 : i32 to index
    %swap3A_292 = arith.constant 64 : index
    %swap3A_293 = tpu.vector_load %arg5[%swap3A_291, %swap3A_292] {strides = array<i32>} : memref<250x80xi32, #tpu.memory_space<vmem>>, vector<1x16xi32>,
    %swap3A_294 = vector.shape_cast %swap3A_293 : vector<1x16xi32> to vector<16xi32>
    %swap3A_295 = vector.shape_cast %add3A_289 : vector<16xi32> to vector<1x16xi32>
    tpu.vector_store %arg5[%swap3A_291, %swap3A_292], %swap3A_295 {strides = array<i32>} : memref<250x80xi32, #tpu.memory_space<vmem>>, vector<1x16xi32>,
    %dma_start3A_296 = arith.constant 1 : i32
    %dma_start3A_297 = arith.constant 80 : i32
    %dma_start3A_298 = arith.constant 0 : i32
    %dma_start3A_299 = tpu.memref_slice %arg7[%dma_start3A_297, %dma_start3A_298] : memref<480x64xf32, #tpu.memory_space<vmem>> -> memref<80x64xf32, #tpu.memory_space<vmem>>
    %dma_start3A_300 = arith.constant 0 : i32
    %dma_start3A_301 = tpu.memref_slice %arg5[%dma_start3A_296, %dma_start3A_300] : memref<250x80xi32, #tpu.memory_space<vmem>> -> memref<1x80xi32, #tpu.memory_space<vmem>>
    %dma_start3A_302 = tpu.memref_squeeze %dma_start3A_301 : memref<1x80xi32, #tpu.memory_space<vmem>> -> memref<80xi32, #tpu.memory_space<vmem>>
    %dma_start3A_303 = arith.constant 0 : i32
    %dma_start3A_304 = arith.constant 0 : i32
    %dma_start3A_305 = tpu.memref_slice %arg2[%dma_start3A_303, %dma_start3A_304] : memref<20000x64xf32, #tpu.memory_space<hbm>> -> memref<20000x64xf32, #tpu.memory_space<hbm>>
    tpu.enqueue_indirect_dma source(%dma_start3A_305 : memref<20000x64xf32, #tpu.memory_space<hbm>>) target(%dma_start3A_299 : memref<80x64xf32, #tpu.memory_space<vmem>>) offsets(%dma_start3A_302 : memref<80xi32, #tpu.memory_space<vmem>>) semaphore(%arg10 : memref<!tpu.dma_semaphore, #tpu.memory_space<semaphore_mem>>)
    %get3A_306 = arith.constant 2 : i32
    %get3A_307 = arith.index_cast %get3A_306 : i32 to index
    %get3A_308 = arith.constant 0 : index
    %get3A_309 = tpu.vector_load %arg5[%get3A_307, %get3A_308] {strides = array<i32>} : memref<250x80xi32, #tpu.memory_space<vmem>>, vector<1x16xi32>,
    %get3A_310 = vector.shape_cast %get3A_309 : vector<1x16xi32> to vector<16xi32>
    %and3A_311 = arith.constant 16383 : i32
    %and3A_312 = vector.broadcast %and3A_311 : i32 to vector<16xi32>
    %and3A_313 = arith.andi %get3A_310, %and3A_312 : vector<16xi32>
    %swap3A_314 = arith.constant 2 : i32
    %swap3A_315 = arith.index_cast %swap3A_314 : i32 to index
    %swap3A_316 = arith.constant 0 : index
    %swap3A_317 = tpu.vector_load %arg6[%swap3A_315, %swap3A_316] {strides = array<i32>} : memref<6x80xi32, #tpu.memory_space<vmem>>, vector<1x16xi32>,
    %swap3A_318 = vector.shape_cast %swap3A_317 : vector<1x16xi32> to vector<16xi32>
    %swap3A_319 = vector.shape_cast %and3A_313 : vector<16xi32> to vector<1x16xi32>
    tpu.vector_store %arg6[%swap3A_315, %swap3A_316], %swap3A_319 {strides = array<i32>} : memref<6x80xi32, #tpu.memory_space<vmem>>, vector<1x16xi32>,
    %shift_right_arithmetic3A_320 = arith.constant 14 : i32
    %shift_right_arithmetic3A_321 = vector.broadcast %shift_right_arithmetic3A_320 : i32 to vector<16xi32>
    %shift_right_arithmetic3A_322 = arith.shrsi %get3A_310, %shift_right_arithmetic3A_321 : vector<16xi32>
    %mul3A_323 = arith.constant 2 : i32
    %mul3A_324 = vector.broadcast %mul3A_323 : i32 to vector<16xi32>
    %mul3A_325 = arith.muli %shift_right_arithmetic3A_322, %mul3A_324 : vector<16xi32>
    %add3A_326 = vector.broadcast %arg0 : i32 to vector<16xi32>
    %add3A_327 = arith.addi %mul3A_325, %add3A_326 : vector<16xi32>
    %swap3A_328 = arith.constant 2 : i32
    %swap3A_329 = arith.index_cast %swap3A_328 : i32 to index
    %swap3A_330 = arith.constant 0 : index
    %swap3A_331 = tpu.vector_load %arg5[%swap3A_329, %swap3A_330] {strides = array<i32>} : memref<250x80xi32, #tpu.memory_space<vmem>>, vector<1x16xi32>,
    %swap3A_332 = vector.shape_cast %swap3A_331 : vector<1x16xi32> to vector<16xi32>
    %swap3A_333 = vector.shape_cast %add3A_327 : vector<16xi32> to vector<1x16xi32>
    tpu.vector_store %arg5[%swap3A_329, %swap3A_330], %swap3A_333 {strides = array<i32>} : memref<250x80xi32, #tpu.memory_space<vmem>>, vector<1x16xi32>,
    %get3A_334 = arith.constant 2 : i32
    %get3A_335 = arith.index_cast %get3A_334 : i32 to index
    %get3A_336 = arith.constant 16 : index
    %get3A_337 = tpu.vector_load %arg5[%get3A_335, %get3A_336] {strides = array<i32>} : memref<250x80xi32, #tpu.memory_space<vmem>>, vector<1x16xi32>,
    %get3A_338 = vector.shape_cast %get3A_337 : vector<1x16xi32> to vector<16xi32>
    %and3A_339 = arith.constant 16383 : i32
    %and3A_340 = vector.broadcast %and3A_339 : i32 to vector<16xi32>
    %and3A_341 = arith.andi %get3A_338, %and3A_340 : vector<16xi32>
    %swap3A_342 = arith.constant 2 : i32
    %swap3A_343 = arith.index_cast %swap3A_342 : i32 to index
    %swap3A_344 = arith.constant 16 : index
    %swap3A_345 = tpu.vector_load %arg6[%swap3A_343, %swap3A_344] {strides = array<i32>} : memref<6x80xi32, #tpu.memory_space<vmem>>, vector<1x16xi32>,
    %swap3A_346 = vector.shape_cast %swap3A_345 : vector<1x16xi32> to vector<16xi32>
    %swap3A_347 = vector.shape_cast %and3A_341 : vector<16xi32> to vector<1x16xi32>
    tpu.vector_store %arg6[%swap3A_343, %swap3A_344], %swap3A_347 {strides = array<i32>} : memref<6x80xi32, #tpu.memory_space<vmem>>, vector<1x16xi32>,
    %shift_right_arithmetic3A_348 = arith.constant 14 : i32
    %shift_right_arithmetic3A_349 = vector.broadcast %shift_right_arithmetic3A_348 : i32 to vector<16xi32>
    %shift_right_arithmetic3A_350 = arith.shrsi %get3A_338, %shift_right_arithmetic3A_349 : vector<16xi32>
    %mul3A_351 = arith.constant 2 : i32
    %mul3A_352 = vector.broadcast %mul3A_351 : i32 to vector<16xi32>
    %mul3A_353 = arith.muli %shift_right_arithmetic3A_350, %mul3A_352 : vector<16xi32>
    %add3A_354 = vector.broadcast %arg0 : i32 to vector<16xi32>
    %add3A_355 = arith.addi %mul3A_353, %add3A_354 : vector<16xi32>
    %swap3A_356 = arith.constant 2 : i32
    %swap3A_357 = arith.index_cast %swap3A_356 : i32 to index
    %swap3A_358 = arith.constant 16 : index
    %swap3A_359 = tpu.vector_load %arg5[%swap3A_357, %swap3A_358] {strides = array<i32>} : memref<250x80xi32, #tpu.memory_space<vmem>>, vector<1x16xi32>,
    %swap3A_360 = vector.shape_cast %swap3A_359 : vector<1x16xi32> to vector<16xi32>
    %swap3A_361 = vector.shape_cast %add3A_355 : vector<16xi32> to vector<1x16xi32>
    tpu.vector_store %arg5[%swap3A_357, %swap3A_358], %swap3A_361 {strides = array<i32>} : memref<250x80xi32, #tpu.memory_space<vmem>>, vector<1x16xi32>,
    %get3A_362 = arith.constant 2 : i32
    %get3A_363 = arith.index_cast %get3A_362 : i32 to index
    %get3A_364 = arith.constant 32 : index
    %get3A_365 = tpu.vector_load %arg5[%get3A_363, %get3A_364] {strides = array<i32>} : memref<250x80xi32, #tpu.memory_space<vmem>>, vector<1x16xi32>,
    %get3A_366 = vector.shape_cast %get3A_365 : vector<1x16xi32> to vector<16xi32>
    %and3A_367 = arith.constant 16383 : i32
    %and3A_368 = vector.broadcast %and3A_367 : i32 to vector<16xi32>
    %and3A_369 = arith.andi %get3A_366, %and3A_368 : vector<16xi32>
    %swap3A_370 = arith.constant 2 : i32
    %swap3A_371 = arith.index_cast %swap3A_370 : i32 to index
    %swap3A_372 = arith.constant 32 : index
    %swap3A_373 = tpu.vector_load %arg6[%swap3A_371, %swap3A_372] {strides = array<i32>} : memref<6x80xi32, #tpu.memory_space<vmem>>, vector<1x16xi32>,
    %swap3A_374 = vector.shape_cast %swap3A_373 : vector<1x16xi32> to vector<16xi32>
    %swap3A_375 = vector.shape_cast %and3A_369 : vector<16xi32> to vector<1x16xi32>
    tpu.vector_store %arg6[%swap3A_371, %swap3A_372], %swap3A_375 {strides = array<i32>} : memref<6x80xi32, #tpu.memory_space<vmem>>, vector<1x16xi32>,
    %shift_right_arithmetic3A_376 = arith.constant 14 : i32
    %shift_right_arithmetic3A_377 = vector.broadcast %shift_right_arithmetic3A_376 : i32 to vector<16xi32>
    %shift_right_arithmetic3A_378 = arith.shrsi %get3A_366, %shift_right_arithmetic3A_377 : vector<16xi32>
    %mul3A_379 = arith.constant 2 : i32
    %mul3A_380 = vector.broadcast %mul3A_379 : i32 to vector<16xi32>
    %mul3A_381 = arith.muli %shift_right_arithmetic3A_378, %mul3A_380 : vector<16xi32>
    %add3A_382 = vector.broadcast %arg0 : i32 to vector<16xi32>
    %add3A_383 = arith.addi %mul3A_381, %add3A_382 : vector<16xi32>
    %swap3A_384 = arith.constant 2 : i32
    %swap3A_385 = arith.index_cast %swap3A_384 : i32 to index
    %swap3A_386 = arith.constant 32 : index
    %swap3A_387 = tpu.vector_load %arg5[%swap3A_385, %swap3A_386] {strides = array<i32>} : memref<250x80xi32, #tpu.memory_space<vmem>>, vector<1x16xi32>,
    %swap3A_388 = vector.shape_cast %swap3A_387 : vector<1x16xi32> to vector<16xi32>
    %swap3A_389 = vector.shape_cast %add3A_383 : vector<16xi32> to vector<1x16xi32>
    tpu.vector_store %arg5[%swap3A_385, %swap3A_386], %swap3A_389 {strides = array<i32>} : memref<250x80xi32, #tpu.memory_space<vmem>>, vector<1x16xi32>,
    %get3A_390 = arith.constant 2 : i32
    %get3A_391 = arith.index_cast %get3A_390 : i32 to index
    %get3A_392 = arith.constant 48 : index
    %get3A_393 = tpu.vector_load %arg5[%get3A_391, %get3A_392] {strides = array<i32>} : memref<250x80xi32, #tpu.memory_space<vmem>>, vector<1x16xi32>,
    %get3A_394 = vector.shape_cast %get3A_393 : vector<1x16xi32> to vector<16xi32>
    %and3A_395 = arith.constant 16383 : i32
    %and3A_396 = vector.broadcast %and3A_395 : i32 to vector<16xi32>
    %and3A_397 = arith.andi %get3A_394, %and3A_396 : vector<16xi32>
    %swap3A_398 = arith.constant 2 : i32
    %swap3A_399 = arith.index_cast %swap3A_398 : i32 to index
    %swap3A_400 = arith.constant 48 : index
    %swap3A_401 = tpu.vector_load %arg6[%swap3A_399, %swap3A_400] {strides = array<i32>} : memref<6x80xi32, #tpu.memory_space<vmem>>, vector<1x16xi32>,
    %swap3A_402 = vector.shape_cast %swap3A_401 : vector<1x16xi32> to vector<16xi32>
    %swap3A_403 = vector.shape_cast %and3A_397 : vector<16xi32> to vector<1x16xi32>
    tpu.vector_store %arg6[%swap3A_399, %swap3A_400], %swap3A_403 {strides = array<i32>} : memref<6x80xi32, #tpu.memory_space<vmem>>, vector<1x16xi32>,
    %shift_right_arithmetic3A_404 = arith.constant 14 : i32
    %shift_right_arithmetic3A_405 = vector.broadcast %shift_right_arithmetic3A_404 : i32 to vector<16xi32>
    %shift_right_arithmetic3A_406 = arith.shrsi %get3A_394, %shift_right_arithmetic3A_405 : vector<16xi32>
    %mul3A_407 = arith.constant 2 : i32
    %mul3A_408 = vector.broadcast %mul3A_407 : i32 to vector<16xi32>
    %mul3A_409 = arith.muli %shift_right_arithmetic3A_406, %mul3A_408 : vector<16xi32>
    %add3A_410 = vector.broadcast %arg0 : i32 to vector<16xi32>
    %add3A_411 = arith.addi %mul3A_409, %add3A_410 : vector<16xi32>
    %swap3A_412 = arith.constant 2 : i32
    %swap3A_413 = arith.index_cast %swap3A_412 : i32 to index
    %swap3A_414 = arith.constant 48 : index
    %swap3A_415 = tpu.vector_load %arg5[%swap3A_413, %swap3A_414] {strides = array<i32>} : memref<250x80xi32, #tpu.memory_space<vmem>>, vector<1x16xi32>,
    %swap3A_416 = vector.shape_cast %swap3A_415 : vector<1x16xi32> to vector<16xi32>
    %swap3A_417 = vector.shape_cast %add3A_411 : vector<16xi32> to vector<1x16xi32>
    tpu.vector_store %arg5[%swap3A_413, %swap3A_414], %swap3A_417 {strides = array<i32>} : memref<250x80xi32, #tpu.memory_space<vmem>>, vector<1x16xi32>,
    %get3A_418 = arith.constant 2 : i32
    %get3A_419 = arith.index_cast %get3A_418 : i32 to index
    %get3A_420 = arith.constant 64 : index
    %get3A_421 = tpu.vector_load %arg5[%get3A_419, %get3A_420] {strides = array<i32>} : memref<250x80xi32, #tpu.memory_space<vmem>>, vector<1x16xi32>,
    %get3A_422 = vector.shape_cast %get3A_421 : vector<1x16xi32> to vector<16xi32>
    %and3A_423 = arith.constant 16383 : i32
    %and3A_424 = vector.broadcast %and3A_423 : i32 to vector<16xi32>
    %and3A_425 = arith.andi %get3A_422, %and3A_424 : vector<16xi32>
    %swap3A_426 = arith.constant 2 : i32
    %swap3A_427 = arith.index_cast %swap3A_426 : i32 to index
    %swap3A_428 = arith.constant 64 : index
    %swap3A_429 = tpu.vector_load %arg6[%swap3A_427, %swap3A_428] {strides = array<i32>} : memref<6x80xi32, #tpu.memory_space<vmem>>, vector<1x16xi32>,
    %swap3A_430 = vector.shape_cast %swap3A_429 : vector<1x16xi32> to vector<16xi32>
    %swap3A_431 = vector.shape_cast %and3A_425 : vector<16xi32> to vector<1x16xi32>
    tpu.vector_store %arg6[%swap3A_427, %swap3A_428], %swap3A_431 {strides = array<i32>} : memref<6x80xi32, #tpu.memory_space<vmem>>, vector<1x16xi32>,
    %shift_right_arithmetic3A_432 = arith.constant 14 : i32
    %shift_right_arithmetic3A_433 = vector.broadcast %shift_right_arithmetic3A_432 : i32 to vector<16xi32>
    %shift_right_arithmetic3A_434 = arith.shrsi %get3A_422, %shift_right_arithmetic3A_433 : vector<16xi32>
    %mul3A_435 = arith.constant 2 : i32
    %mul3A_436 = vector.broadcast %mul3A_435 : i32 to vector<16xi32>
    %mul3A_437 = arith.muli %shift_right_arithmetic3A_434, %mul3A_436 : vector<16xi32>
    %add3A_438 = vector.broadcast %arg0 : i32 to vector<16xi32>
    %add3A_439 = arith.addi %mul3A_437, %add3A_438 : vector<16xi32>
    %swap3A_440 = arith.constant 2 : i32
    %swap3A_441 = arith.index_cast %swap3A_440 : i32 to index
    %swap3A_442 = arith.constant 64 : index
    %swap3A_443 = tpu.vector_load %arg5[%swap3A_441, %swap3A_442] {strides = array<i32>} : memref<250x80xi32, #tpu.memory_space<vmem>>, vector<1x16xi32>,
    %swap3A_444 = vector.shape_cast %swap3A_443 : vector<1x16xi32> to vector<16xi32>
    %swap3A_445 = vector.shape_cast %add3A_439 : vector<16xi32> to vector<1x16xi32>
    tpu.vector_store %arg5[%swap3A_441, %swap3A_442], %swap3A_445 {strides = array<i32>} : memref<250x80xi32, #tpu.memory_space<vmem>>, vector<1x16xi32>,
    %dma_start3A_446 = arith.constant 2 : i32
    %dma_start3A_447 = arith.constant 160 : i32
    %dma_start3A_448 = arith.constant 0 : i32
    %dma_start3A_449 = tpu.memref_slice %arg7[%dma_start3A_447, %dma_start3A_448] : memref<480x64xf32, #tpu.memory_space<vmem>> -> memref<80x64xf32, #tpu.memory_space<vmem>>
    %dma_start3A_450 = arith.constant 0 : i32
    %dma_start3A_451 = tpu.memref_slice %arg5[%dma_start3A_446, %dma_start3A_450] : memref<250x80xi32, #tpu.memory_space<vmem>> -> memref<1x80xi32, #tpu.memory_space<vmem>>
    %dma_start3A_452 = tpu.memref_squeeze %dma_start3A_451 : memref<1x80xi32, #tpu.memory_space<vmem>> -> memref<80xi32, #tpu.memory_space<vmem>>
    %dma_start3A_453 = arith.constant 0 : i32
    %dma_start3A_454 = arith.constant 0 : i32
    %dma_start3A_455 = tpu.memref_slice %arg2[%dma_start3A_453, %dma_start3A_454] : memref<20000x64xf32, #tpu.memory_space<hbm>> -> memref<20000x64xf32, #tpu.memory_space<hbm>>
    tpu.enqueue_indirect_dma source(%dma_start3A_455 : memref<20000x64xf32, #tpu.memory_space<hbm>>) target(%dma_start3A_449 : memref<80x64xf32, #tpu.memory_space<vmem>>) offsets(%dma_start3A_452 : memref<80xi32, #tpu.memory_space<vmem>>) semaphore(%arg11 : memref<!tpu.dma_semaphore, #tpu.memory_space<semaphore_mem>>)
    %scan3A_456 = arith.constant 0 : i32
    %scan3A_457 = arith.constant 41 : i32
    %scan3A_458 = arith.addi %scan3A_456, %scan3A_457 : i32
    %scan3A_459 = arith.constant 1 : i32
    scf.for %scan3A_782 = %scan3A_456 to %scan3A_458 step %scan3A_459  : i32 {
      %mul3A_783 = arith.constant 6 : i32
      %mul3A_784 = arith.muli %scan3A_782, %mul3A_783 : i32
      %add3A_785 = arith.constant 0 : i32
      %add3A_786 = arith.addi %add3A_785, %mul3A_784 : i32
      %add3A_787 = arith.constant 0 : i32
      %add3A_788 = arith.addi %add3A_786, %add3A_787 : i32
      %ge3A = arith.constant 3 : i32
      %ge3A_789 = arith.cmpi sge, %add3A_788, %ge3A : i32
      %convert_element_type3A_790 = arith.extui %ge3A_789 : i1 to i32
      %cond3A_791 = arith.constant 0 : i32
      %cond3A_792 = arith.cmpi ne, %convert_element_type3A_790, %cond3A_791 : i32
      scf.if %cond3A_792 {
        %dma_wait3A_1809 = arith.constant 240 : i32
        %dma_wait3A_1810 = arith.constant 0 : i32
        %dma_wait3A_1811 = tpu.memref_slice %arg7[%dma_wait3A_1809, %dma_wait3A_1810] : memref<480x64xf32, #tpu.memory_space<vmem>> -> memref<80x64xf32, #tpu.memory_space<vmem>>
        %dma_wait3A_1812 = arith.constant 0 : i32
        %dma_wait3A_1813 = arith.constant 0 : i32
        %dma_wait3A_1814 = tpu.memref_slice %arg2[%dma_wait3A_1812, %dma_wait3A_1813] : memref<20000x64xf32, #tpu.memory_space<hbm>> -> memref<80x64xf32, #tpu.memory_space<hbm>>
        %dma_wait3A_1815 = arith.constant 240 : i32
        %dma_wait3A_1816 = arith.constant 0 : i32
        %dma_wait3A_1817 = tpu.memref_slice %arg7[%dma_wait3A_1815, %dma_wait3A_1816] : memref<480x64xf32, #tpu.memory_space<vmem>> -> memref<80x64xf32, #tpu.memory_space<vmem>>
        %dma_wait3A_1818 = arith.constant 0 : i32
        %dma_wait3A_1819 = arith.constant 0 : i32
        %dma_wait3A_1820 = tpu.memref_slice %arg2[%dma_wait3A_1818, %dma_wait3A_1819] : memref<20000x64xf32, #tpu.memory_space<hbm>> -> memref<80x64xf32, #tpu.memory_space<hbm>>
        tpu.wait_dma2 semaphore(%arg18 : memref<!tpu.dma_semaphore, #tpu.memory_space<semaphore_mem>>) src(%dma_wait3A_1820 : memref<80x64xf32, #tpu.memory_space<hbm>>) dst(%dma_wait3A_1817 : memref<80x64xf32, #tpu.memory_space<vmem>>)
      } else {
      }
      %add3A_793 = arith.constant 3 : i32
      %add3A_794 = arith.addi %add3A_788, %add3A_793 : i32
      %get3A_795 = arith.index_cast %add3A_794 : i32 to index
      %get3A_796 = arith.constant 0 : index
      %get3A_797 = tpu.vector_load %arg5[%get3A_795, %get3A_796] {strides = array<i32>} : memref<250x80xi32, #tpu.memory_space<vmem>>, vector<1x16xi32>,
      %get3A_798 = vector.shape_cast %get3A_797 : vector<1x16xi32> to vector<16xi32>
      %and3A_799 = arith.constant 16383 : i32
      %and3A_800 = vector.broadcast %and3A_799 : i32 to vector<16xi32>
      %and3A_801 = arith.andi %get3A_798, %and3A_800 : vector<16xi32>
      %swap3A_802 = arith.constant 3 : i32
      %swap3A_803 = arith.index_cast %swap3A_802 : i32 to index
      %swap3A_804 = arith.constant 0 : index
      %swap3A_805 = tpu.vector_load %arg6[%swap3A_803, %swap3A_804] {strides = array<i32>} : memref<6x80xi32, #tpu.memory_space<vmem>>, vector<1x16xi32>,
      %swap3A_806 = vector.shape_cast %swap3A_805 : vector<1x16xi32> to vector<16xi32>
      %swap3A_807 = vector.shape_cast %and3A_801 : vector<16xi32> to vector<1x16xi32>
      tpu.vector_store %arg6[%swap3A_803, %swap3A_804], %swap3A_807 {strides = array<i32>} : memref<6x80xi32, #tpu.memory_space<vmem>>, vector<1x16xi32>,
      %shift_right_arithmetic3A_808 = arith.constant 14 : i32
      %shift_right_arithmetic3A_809 = vector.broadcast %shift_right_arithmetic3A_808 : i32 to vector<16xi32>
      %shift_right_arithmetic3A_810 = arith.shrsi %get3A_798, %shift_right_arithmetic3A_809 : vector<16xi32>
      %mul3A_811 = arith.constant 2 : i32
      %mul3A_812 = vector.broadcast %mul3A_811 : i32 to vector<16xi32>
      %mul3A_813 = arith.muli %shift_right_arithmetic3A_810, %mul3A_812 : vector<16xi32>
      %add3A_814 = vector.broadcast %arg0 : i32 to vector<16xi32>
      %add3A_815 = arith.addi %mul3A_813, %add3A_814 : vector<16xi32>
      %swap3A_816 = arith.index_cast %add3A_794 : i32 to index
      %swap3A_817 = arith.constant 0 : index
      %swap3A_818 = tpu.vector_load %arg5[%swap3A_816, %swap3A_817] {strides = array<i32>} : memref<250x80xi32, #tpu.memory_space<vmem>>, vector<1x16xi32>,
      %swap3A_819 = vector.shape_cast %swap3A_818 : vector<1x16xi32> to vector<16xi32>
      %swap3A_820 = vector.shape_cast %add3A_815 : vector<16xi32> to vector<1x16xi32>
      tpu.vector_store %arg5[%swap3A_816, %swap3A_817], %swap3A_820 {strides = array<i32>} : memref<250x80xi32, #tpu.memory_space<vmem>>, vector<1x16xi32>,
      %get3A_821 = arith.index_cast %add3A_794 : i32 to index
      %get3A_822 = arith.constant 16 : index
      %get3A_823 = tpu.vector_load %arg5[%get3A_821, %get3A_822] {strides = array<i32>} : memref<250x80xi32, #tpu.memory_space<vmem>>, vector<1x16xi32>,
      %get3A_824 = vector.shape_cast %get3A_823 : vector<1x16xi32> to vector<16xi32>
      %and3A_825 = arith.constant 16383 : i32
      %and3A_826 = vector.broadcast %and3A_825 : i32 to vector<16xi32>
      %and3A_827 = arith.andi %get3A_824, %and3A_826 : vector<16xi32>
      %swap3A_828 = arith.constant 3 : i32
      %swap3A_829 = arith.index_cast %swap3A_828 : i32 to index
      %swap3A_830 = arith.constant 16 : index
      %swap3A_831 = tpu.vector_load %arg6[%swap3A_829, %swap3A_830] {strides = array<i32>} : memref<6x80xi32, #tpu.memory_space<vmem>>, vector<1x16xi32>,
      %swap3A_832 = vector.shape_cast %swap3A_831 : vector<1x16xi32> to vector<16xi32>
      %swap3A_833 = vector.shape_cast %and3A_827 : vector<16xi32> to vector<1x16xi32>
      tpu.vector_store %arg6[%swap3A_829, %swap3A_830], %swap3A_833 {strides = array<i32>} : memref<6x80xi32, #tpu.memory_space<vmem>>, vector<1x16xi32>,
      %shift_right_arithmetic3A_834 = arith.constant 14 : i32
      %shift_right_arithmetic3A_835 = vector.broadcast %shift_right_arithmetic3A_834 : i32 to vector<16xi32>
      %shift_right_arithmetic3A_836 = arith.shrsi %get3A_824, %shift_right_arithmetic3A_835 : vector<16xi32>
      %mul3A_837 = arith.constant 2 : i32
      %mul3A_838 = vector.broadcast %mul3A_837 : i32 to vector<16xi32>
      %mul3A_839 = arith.muli %shift_right_arithmetic3A_836, %mul3A_838 : vector<16xi32>
      %add3A_840 = vector.broadcast %arg0 : i32 to vector<16xi32>
      %add3A_841 = arith.addi %mul3A_839, %add3A_840 : vector<16xi32>
      %swap3A_842 = arith.index_cast %add3A_794 : i32 to index
      %swap3A_843 = arith.constant 16 : index
      %swap3A_844 = tpu.vector_load %arg5[%swap3A_842, %swap3A_843] {strides = array<i32>} : memref<250x80xi32, #tpu.memory_space<vmem>>, vector<1x16xi32>,
      %swap3A_845 = vector.shape_cast %swap3A_844 : vector<1x16xi32> to vector<16xi32>
      %swap3A_846 = vector.shape_cast %add3A_841 : vector<16xi32> to vector<1x16xi32>
      tpu.vector_store %arg5[%swap3A_842, %swap3A_843], %swap3A_846 {strides = array<i32>} : memref<250x80xi32, #tpu.memory_space<vmem>>, vector<1x16xi32>,
      %get3A_847 = arith.index_cast %add3A_794 : i32 to index
      %get3A_848 = arith.constant 32 : index
      %get3A_849 = tpu.vector_load %arg5[%get3A_847, %get3A_848] {strides = array<i32>} : memref<250x80xi32, #tpu.memory_space<vmem>>, vector<1x16xi32>,
      %get3A_850 = vector.shape_cast %get3A_849 : vector<1x16xi32> to vector<16xi32>
      %and3A_851 = arith.constant 16383 : i32
      %and3A_852 = vector.broadcast %and3A_851 : i32 to vector<16xi32>
      %and3A_853 = arith.andi %get3A_850, %and3A_852 : vector<16xi32>
      %swap3A_854 = arith.constant 3 : i32
      %swap3A_855 = arith.index_cast %swap3A_854 : i32 to index
      %swap3A_856 = arith.constant 32 : index
      %swap3A_857 = tpu.vector_load %arg6[%swap3A_855, %swap3A_856] {strides = array<i32>} : memref<6x80xi32, #tpu.memory_space<vmem>>, vector<1x16xi32>,
      %swap3A_858 = vector.shape_cast %swap3A_857 : vector<1x16xi32> to vector<16xi32>
      %swap3A_859 = vector.shape_cast %and3A_853 : vector<16xi32> to vector<1x16xi32>
      tpu.vector_store %arg6[%swap3A_855, %swap3A_856], %swap3A_859 {strides = array<i32>} : memref<6x80xi32, #tpu.memory_space<vmem>>, vector<1x16xi32>,
      %shift_right_arithmetic3A_860 = arith.constant 14 : i32
      %shift_right_arithmetic3A_861 = vector.broadcast %shift_right_arithmetic3A_860 : i32 to vector<16xi32>
      %shift_right_arithmetic3A_862 = arith.shrsi %get3A_850, %shift_right_arithmetic3A_861 : vector<16xi32>
      %mul3A_863 = arith.constant 2 : i32
      %mul3A_864 = vector.broadcast %mul3A_863 : i32 to vector<16xi32>
      %mul3A_865 = arith.muli %shift_right_arithmetic3A_862, %mul3A_864 : vector<16xi32>
      %add3A_866 = vector.broadcast %arg0 : i32 to vector<16xi32>
      %add3A_867 = arith.addi %mul3A_865, %add3A_866 : vector<16xi32>
      %swap3A_868 = arith.index_cast %add3A_794 : i32 to index
      %swap3A_869 = arith.constant 32 : index
      %swap3A_870 = tpu.vector_load %arg5[%swap3A_868, %swap3A_869] {strides = array<i32>} : memref<250x80xi32, #tpu.memory_space<vmem>>, vector<1x16xi32>,
      %swap3A_871 = vector.shape_cast %swap3A_870 : vector<1x16xi32> to vector<16xi32>
      %swap3A_872 = vector.shape_cast %add3A_867 : vector<16xi32> to vector<1x16xi32>
      tpu.vector_store %arg5[%swap3A_868, %swap3A_869], %swap3A_872 {strides = array<i32>} : memref<250x80xi32, #tpu.memory_space<vmem>>, vector<1x16xi32>,
      %get3A_873 = arith.index_cast %add3A_794 : i32 to index
      %get3A_874 = arith.constant 48 : index
      %get3A_875 = tpu.vector_load %arg5[%get3A_873, %get3A_874] {strides = array<i32>} : memref<250x80xi32, #tpu.memory_space<vmem>>, vector<1x16xi32>,
      %get3A_876 = vector.shape_cast %get3A_875 : vector<1x16xi32> to vector<16xi32>
      %and3A_877 = arith.constant 16383 : i32
      %and3A_878 = vector.broadcast %and3A_877 : i32 to vector<16xi32>
      %and3A_879 = arith.andi %get3A_876, %and3A_878 : vector<16xi32>
      %swap3A_880 = arith.constant 3 : i32
      %swap3A_881 = arith.index_cast %swap3A_880 : i32 to index
      %swap3A_882 = arith.constant 48 : index
      %swap3A_883 = tpu.vector_load %arg6[%swap3A_881, %swap3A_882] {strides = array<i32>} : memref<6x80xi32, #tpu.memory_space<vmem>>, vector<1x16xi32>,
      %swap3A_884 = vector.shape_cast %swap3A_883 : vector<1x16xi32> to vector<16xi32>
      %swap3A_885 = vector.shape_cast %and3A_879 : vector<16xi32> to vector<1x16xi32>
      tpu.vector_store %arg6[%swap3A_881, %swap3A_882], %swap3A_885 {strides = array<i32>} : memref<6x80xi32, #tpu.memory_space<vmem>>, vector<1x16xi32>,
      %shift_right_arithmetic3A_886 = arith.constant 14 : i32
      %shift_right_arithmetic3A_887 = vector.broadcast %shift_right_arithmetic3A_886 : i32 to vector<16xi32>
      %shift_right_arithmetic3A_888 = arith.shrsi %get3A_876, %shift_right_arithmetic3A_887 : vector<16xi32>
      %mul3A_889 = arith.constant 2 : i32
      %mul3A_890 = vector.broadcast %mul3A_889 : i32 to vector<16xi32>
      %mul3A_891 = arith.muli %shift_right_arithmetic3A_888, %mul3A_890 : vector<16xi32>
      %add3A_892 = vector.broadcast %arg0 : i32 to vector<16xi32>
      %add3A_893 = arith.addi %mul3A_891, %add3A_892 : vector<16xi32>
      %swap3A_894 = arith.index_cast %add3A_794 : i32 to index
      %swap3A_895 = arith.constant 48 : index
      %swap3A_896 = tpu.vector_load %arg5[%swap3A_894, %swap3A_895] {strides = array<i32>} : memref<250x80xi32, #tpu.memory_space<vmem>>, vector<1x16xi32>,
      %swap3A_897 = vector.shape_cast %swap3A_896 : vector<1x16xi32> to vector<16xi32>
      %swap3A_898 = vector.shape_cast %add3A_893 : vector<16xi32> to vector<1x16xi32>
      tpu.vector_store %arg5[%swap3A_894, %swap3A_895], %swap3A_898 {strides = array<i32>} : memref<250x80xi32, #tpu.memory_space<vmem>>, vector<1x16xi32>,
      %get3A_899 = arith.index_cast %add3A_794 : i32 to index
      %get3A_900 = arith.constant 64 : index
      %get3A_901 = tpu.vector_load %arg5[%get3A_899, %get3A_900] {strides = array<i32>} : memref<250x80xi32, #tpu.memory_space<vmem>>, vector<1x16xi32>,
      %get3A_902 = vector.shape_cast %get3A_901 : vector<1x16xi32> to vector<16xi32>
      %and3A_903 = arith.constant 16383 : i32
      %and3A_904 = vector.broadcast %and3A_903 : i32 to vector<16xi32>
      %and3A_905 = arith.andi %get3A_902, %and3A_904 : vector<16xi32>
      %swap3A_906 = arith.constant 3 : i32
      %swap3A_907 = arith.index_cast %swap3A_906 : i32 to index
      %swap3A_908 = arith.constant 64 : index
      %swap3A_909 = tpu.vector_load %arg6[%swap3A_907, %swap3A_908] {strides = array<i32>} : memref<6x80xi32, #tpu.memory_space<vmem>>, vector<1x16xi32>,
      %swap3A_910 = vector.shape_cast %swap3A_909 : vector<1x16xi32> to vector<16xi32>
      %swap3A_911 = vector.shape_cast %and3A_905 : vector<16xi32> to vector<1x16xi32>
      tpu.vector_store %arg6[%swap3A_907, %swap3A_908], %swap3A_911 {strides = array<i32>} : memref<6x80xi32, #tpu.memory_space<vmem>>, vector<1x16xi32>,
      %shift_right_arithmetic3A_912 = arith.constant 14 : i32
      %shift_right_arithmetic3A_913 = vector.broadcast %shift_right_arithmetic3A_912 : i32 to vector<16xi32>
      %shift_right_arithmetic3A_914 = arith.shrsi %get3A_902, %shift_right_arithmetic3A_913 : vector<16xi32>
      %mul3A_915 = arith.constant 2 : i32
      %mul3A_916 = vector.broadcast %mul3A_915 : i32 to vector<16xi32>
      %mul3A_917 = arith.muli %shift_right_arithmetic3A_914, %mul3A_916 : vector<16xi32>
      %add3A_918 = vector.broadcast %arg0 : i32 to vector<16xi32>
      %add3A_919 = arith.addi %mul3A_917, %add3A_918 : vector<16xi32>
      %swap3A_920 = arith.index_cast %add3A_794 : i32 to index
      %swap3A_921 = arith.constant 64 : index
      %swap3A_922 = tpu.vector_load %arg5[%swap3A_920, %swap3A_921] {strides = array<i32>} : memref<250x80xi32, #tpu.memory_space<vmem>>, vector<1x16xi32>,
      %swap3A_923 = vector.shape_cast %swap3A_922 : vector<1x16xi32> to vector<16xi32>
      %swap3A_924 = vector.shape_cast %add3A_919 : vector<16xi32> to vector<1x16xi32>
      tpu.vector_store %arg5[%swap3A_920, %swap3A_921], %swap3A_924 {strides = array<i32>} : memref<250x80xi32, #tpu.memory_space<vmem>>, vector<1x16xi32>,
      %dma_start3A_925 = arith.constant 240 : i32
      %dma_start3A_926 = arith.constant 0 : i32
      %dma_start3A_927 = tpu.memref_slice %arg7[%dma_start3A_925, %dma_start3A_926] : memref<480x64xf32, #tpu.memory_space<vmem>> -> memref<80x64xf32, #tpu.memory_space<vmem>>
      %dma_start3A_928 = arith.constant 0 : i32
      %dma_start3A_929 = tpu.memref_slice %arg5[%add3A_794, %dma_start3A_928] : memref<250x80xi32, #tpu.memory_space<vmem>> -> memref<1x80xi32, #tpu.memory_space<vmem>>
      %dma_start3A_930 = tpu.memref_squeeze %dma_start3A_929 : memref<1x80xi32, #tpu.memory_space<vmem>> -> memref<80xi32, #tpu.memory_space<vmem>>
      %dma_start3A_931 = arith.constant 0 : i32
      %dma_start3A_932 = arith.constant 0 : i32
      %dma_start3A_933 = tpu.memref_slice %arg2[%dma_start3A_931, %dma_start3A_932] : memref<20000x64xf32, #tpu.memory_space<hbm>> -> memref<20000x64xf32, #tpu.memory_space<hbm>>
      tpu.enqueue_indirect_dma source(%dma_start3A_933 : memref<20000x64xf32, #tpu.memory_space<hbm>>) target(%dma_start3A_927 : memref<80x64xf32, #tpu.memory_space<vmem>>) offsets(%dma_start3A_930 : memref<80xi32, #tpu.memory_space<vmem>>) semaphore(%arg12 : memref<!tpu.dma_semaphore, #tpu.memory_space<semaphore_mem>>)
      %dma_wait3A_934 = arith.constant 0 : i32
      %dma_wait3A_935 = arith.constant 0 : i32
      %dma_wait3A_936 = tpu.memref_slice %arg7[%dma_wait3A_934, %dma_wait3A_935] : memref<480x64xf32, #tpu.memory_space<vmem>> -> memref<80x64xf32, #tpu.memory_space<vmem>>
      %dma_wait3A_937 = arith.constant 0 : i32
      %dma_wait3A_938 = tpu.memref_slice %arg5[%add3A_788, %dma_wait3A_937] : memref<250x80xi32, #tpu.memory_space<vmem>> -> memref<1x80xi32, #tpu.memory_space<vmem>>
      %dma_wait3A_939 = tpu.memref_squeeze %dma_wait3A_938 : memref<1x80xi32, #tpu.memory_space<vmem>> -> memref<80xi32, #tpu.memory_space<vmem>>
      %dma_wait3A_940 = arith.constant 0 : i32
      %dma_wait3A_941 = arith.constant 0 : i32
      %dma_wait3A_942 = tpu.memref_slice %arg2[%dma_wait3A_940, %dma_wait3A_941] : memref<20000x64xf32, #tpu.memory_space<hbm>> -> memref<20000x64xf32, #tpu.memory_space<hbm>>
      tpu.wait_indirect_dma semaphore(%arg9 : memref<!tpu.dma_semaphore, #tpu.memory_space<semaphore_mem>>) src(%dma_wait3A_942 : memref<20000x64xf32, #tpu.memory_space<hbm>>) dst(%dma_wait3A_936 : memref<80x64xf32, #tpu.memory_space<vmem>>)
      %dma_start3A_943 = arith.constant 0 : i32
      %dma_start3A_944 = arith.constant 0 : i32
      %dma_start3A_945 = arith.constant 0 : i32
      %dma_start3A_946 = tpu.memref_slice %arg7[%dma_start3A_944, %dma_start3A_945] : memref<480x64xf32, #tpu.memory_space<vmem>> -> memref<80x64xf32, #tpu.memory_space<vmem>>
      %dma_start3A_947 = arith.constant 0 : i32
      %dma_start3A_948 = tpu.memref_slice %arg6[%dma_start3A_943, %dma_start3A_947] : memref<6x80xi32, #tpu.memory_space<vmem>> -> memref<1x80xi32, #tpu.memory_space<vmem>>
      %dma_start3A_949 = tpu.memref_squeeze %dma_start3A_948 : memref<1x80xi32, #tpu.memory_space<vmem>> -> memref<80xi32, #tpu.memory_space<vmem>>
      %dma_start3A_950 = arith.constant 0 : i32
      %dma_start3A_951 = arith.constant 0 : i32
      %dma_start3A_952 = tpu.memref_slice %arg8[%dma_start3A_950, %dma_start3A_951] : memref<10000x64xf32, #tpu.memory_space<vmem_shared>> -> memref<10000x64xf32, #tpu.memory_space<vmem_shared>>
      tpu.enqueue_indirect_dma source(%dma_start3A_946 : memref<80x64xf32, #tpu.memory_space<vmem>>) target(%dma_start3A_952 : memref<10000x64xf32, #tpu.memory_space<vmem_shared>>) offsets(%dma_start3A_949 : memref<80xi32, #tpu.memory_space<vmem>>) semaphore(%arg15 : memref<!tpu.dma_semaphore, #tpu.memory_space<semaphore_mem>>) {add = true}
      %add3A_953 = arith.constant 1 : i32
      %add3A_954 = arith.addi %add3A_786, %add3A_953 : i32
      %ge3A_955 = arith.constant 3 : i32
      %ge3A_956 = arith.cmpi sge, %add3A_954, %ge3A_955 : i32
      %convert_element_type3A_957 = arith.extui %ge3A_956 : i1 to i32
      %cond3A_958 = arith.constant 0 : i32
      %cond3A_959 = arith.cmpi ne, %convert_element_type3A_957, %cond3A_958 : i32
      scf.if %cond3A_959 {
        %dma_wait3A_1809 = arith.constant 320 : i32
        %dma_wait3A_1810 = arith.constant 0 : i32
        %dma_wait3A_1811 = tpu.memref_slice %arg7[%dma_wait3A_1809, %dma_wait3A_1810] : memref<480x64xf32, #tpu.memory_space<vmem>> -> memref<80x64xf32, #tpu.memory_space<vmem>>
        %dma_wait3A_1812 = arith.constant 0 : i32
        %dma_wait3A_1813 = arith.constant 0 : i32
        %dma_wait3A_1814 = tpu.memref_slice %arg2[%dma_wait3A_1812, %dma_wait3A_1813] : memref<20000x64xf32, #tpu.memory_space<hbm>> -> memref<80x64xf32, #tpu.memory_space<hbm>>
        %dma_wait3A_1815 = arith.constant 320 : i32
        %dma_wait3A_1816 = arith.constant 0 : i32
        %dma_wait3A_1817 = tpu.memref_slice %arg7[%dma_wait3A_1815, %dma_wait3A_1816] : memref<480x64xf32, #tpu.memory_space<vmem>> -> memref<80x64xf32, #tpu.memory_space<vmem>>
        %dma_wait3A_1818 = arith.constant 0 : i32
        %dma_wait3A_1819 = arith.constant 0 : i32
        %dma_wait3A_1820 = tpu.memref_slice %arg2[%dma_wait3A_1818, %dma_wait3A_1819] : memref<20000x64xf32, #tpu.memory_space<hbm>> -> memref<80x64xf32, #tpu.memory_space<hbm>>
        tpu.wait_dma2 semaphore(%arg19 : memref<!tpu.dma_semaphore, #tpu.memory_space<semaphore_mem>>) src(%dma_wait3A_1820 : memref<80x64xf32, #tpu.memory_space<hbm>>) dst(%dma_wait3A_1817 : memref<80x64xf32, #tpu.memory_space<vmem>>)
      } else {
      }
      %add3A_960 = arith.constant 3 : i32
      %add3A_961 = arith.addi %add3A_954, %add3A_960 : i32
      %get3A_962 = arith.index_cast %add3A_961 : i32 to index
      %get3A_963 = arith.constant 0 : index
      %get3A_964 = tpu.vector_load %arg5[%get3A_962, %get3A_963] {strides = array<i32>} : memref<250x80xi32, #tpu.memory_space<vmem>>, vector<1x16xi32>,
      %get3A_965 = vector.shape_cast %get3A_964 : vector<1x16xi32> to vector<16xi32>
      %and3A_966 = arith.constant 16383 : i32
      %and3A_967 = vector.broadcast %and3A_966 : i32 to vector<16xi32>
      %and3A_968 = arith.andi %get3A_965, %and3A_967 : vector<16xi32>
      %swap3A_969 = arith.constant 4 : i32
      %swap3A_970 = arith.index_cast %swap3A_969 : i32 to index
      %swap3A_971 = arith.constant 0 : index
      %swap3A_972 = tpu.vector_load %arg6[%swap3A_970, %swap3A_971] {strides = array<i32>} : memref<6x80xi32, #tpu.memory_space<vmem>>, vector<1x16xi32>,
      %swap3A_973 = vector.shape_cast %swap3A_972 : vector<1x16xi32> to vector<16xi32>
      %swap3A_974 = vector.shape_cast %and3A_968 : vector<16xi32> to vector<1x16xi32>
      tpu.vector_store %arg6[%swap3A_970, %swap3A_971], %swap3A_974 {strides = array<i32>} : memref<6x80xi32, #tpu.memory_space<vmem>>, vector<1x16xi32>,
      %shift_right_arithmetic3A_975 = arith.constant 14 : i32
      %shift_right_arithmetic3A_976 = vector.broadcast %shift_right_arithmetic3A_975 : i32 to vector<16xi32>
      %shift_right_arithmetic3A_977 = arith.shrsi %get3A_965, %shift_right_arithmetic3A_976 : vector<16xi32>
      %mul3A_978 = arith.constant 2 : i32
      %mul3A_979 = vector.broadcast %mul3A_978 : i32 to vector<16xi32>
      %mul3A_980 = arith.muli %shift_right_arithmetic3A_977, %mul3A_979 : vector<16xi32>
      %add3A_981 = vector.broadcast %arg0 : i32 to vector<16xi32>
      %add3A_982 = arith.addi %mul3A_980, %add3A_981 : vector<16xi32>
      %swap3A_983 = arith.index_cast %add3A_961 : i32 to index
      %swap3A_984 = arith.constant 0 : index
      %swap3A_985 = tpu.vector_load %arg5[%swap3A_983, %swap3A_984] {strides = array<i32>} : memref<250x80xi32, #tpu.memory_space<vmem>>, vector<1x16xi32>,
      %swap3A_986 = vector.shape_cast %swap3A_985 : vector<1x16xi32> to vector<16xi32>
      %swap3A_987 = vector.shape_cast %add3A_982 : vector<16xi32> to vector<1x16xi32>
      tpu.vector_store %arg5[%swap3A_983, %swap3A_984], %swap3A_987 {strides = array<i32>} : memref<250x80xi32, #tpu.memory_space<vmem>>, vector<1x16xi32>,
      %get3A_988 = arith.index_cast %add3A_961 : i32 to index
      %get3A_989 = arith.constant 16 : index
      %get3A_990 = tpu.vector_load %arg5[%get3A_988, %get3A_989] {strides = array<i32>} : memref<250x80xi32, #tpu.memory_space<vmem>>, vector<1x16xi32>,
      %get3A_991 = vector.shape_cast %get3A_990 : vector<1x16xi32> to vector<16xi32>
      %and3A_992 = arith.constant 16383 : i32
      %and3A_993 = vector.broadcast %and3A_992 : i32 to vector<16xi32>
      %and3A_994 = arith.andi %get3A_991, %and3A_993 : vector<16xi32>
      %swap3A_995 = arith.constant 4 : i32
      %swap3A_996 = arith.index_cast %swap3A_995 : i32 to index
      %swap3A_997 = arith.constant 16 : index
      %swap3A_998 = tpu.vector_load %arg6[%swap3A_996, %swap3A_997] {strides = array<i32>} : memref<6x80xi32, #tpu.memory_space<vmem>>, vector<1x16xi32>,
      %swap3A_999 = vector.shape_cast %swap3A_998 : vector<1x16xi32> to vector<16xi32>
      %swap3A_1000 = vector.shape_cast %and3A_994 : vector<16xi32> to vector<1x16xi32>
      tpu.vector_store %arg6[%swap3A_996, %swap3A_997], %swap3A_1000 {strides = array<i32>} : memref<6x80xi32, #tpu.memory_space<vmem>>, vector<1x16xi32>,
      %shift_right_arithmetic3A_1001 = arith.constant 14 : i32
      %shift_right_arithmetic3A_1002 = vector.broadcast %shift_right_arithmetic3A_1001 : i32 to vector<16xi32>
      %shift_right_arithmetic3A_1003 = arith.shrsi %get3A_991, %shift_right_arithmetic3A_1002 : vector<16xi32>
      %mul3A_1004 = arith.constant 2 : i32
      %mul3A_1005 = vector.broadcast %mul3A_1004 : i32 to vector<16xi32>
      %mul3A_1006 = arith.muli %shift_right_arithmetic3A_1003, %mul3A_1005 : vector<16xi32>
      %add3A_1007 = vector.broadcast %arg0 : i32 to vector<16xi32>
      %add3A_1008 = arith.addi %mul3A_1006, %add3A_1007 : vector<16xi32>
      %swap3A_1009 = arith.index_cast %add3A_961 : i32 to index
      %swap3A_1010 = arith.constant 16 : index
      %swap3A_1011 = tpu.vector_load %arg5[%swap3A_1009, %swap3A_1010] {strides = array<i32>} : memref<250x80xi32, #tpu.memory_space<vmem>>, vector<1x16xi32>,
      %swap3A_1012 = vector.shape_cast %swap3A_1011 : vector<1x16xi32> to vector<16xi32>
      %swap3A_1013 = vector.shape_cast %add3A_1008 : vector<16xi32> to vector<1x16xi32>
      tpu.vector_store %arg5[%swap3A_1009, %swap3A_1010], %swap3A_1013 {strides = array<i32>} : memref<250x80xi32, #tpu.memory_space<vmem>>, vector<1x16xi32>,
      %get3A_1014 = arith.index_cast %add3A_961 : i32 to index
      %get3A_1015 = arith.constant 32 : index
      %get3A_1016 = tpu.vector_load %arg5[%get3A_1014, %get3A_1015] {strides = array<i32>} : memref<250x80xi32, #tpu.memory_space<vmem>>, vector<1x16xi32>,
      %get3A_1017 = vector.shape_cast %get3A_1016 : vector<1x16xi32> to vector<16xi32>
      %and3A_1018 = arith.constant 16383 : i32
      %and3A_1019 = vector.broadcast %and3A_1018 : i32 to vector<16xi32>
      %and3A_1020 = arith.andi %get3A_1017, %and3A_1019 : vector<16xi32>
      %swap3A_1021 = arith.constant 4 : i32
      %swap3A_1022 = arith.index_cast %swap3A_1021 : i32 to index
      %swap3A_1023 = arith.constant 32 : index
      %swap3A_1024 = tpu.vector_load %arg6[%swap3A_1022, %swap3A_1023] {strides = array<i32>} : memref<6x80xi32, #tpu.memory_space<vmem>>, vector<1x16xi32>,
      %swap3A_1025 = vector.shape_cast %swap3A_1024 : vector<1x16xi32> to vector<16xi32>
      %swap3A_1026 = vector.shape_cast %and3A_1020 : vector<16xi32> to vector<1x16xi32>
      tpu.vector_store %arg6[%swap3A_1022, %swap3A_1023], %swap3A_1026 {strides = array<i32>} : memref<6x80xi32, #tpu.memory_space<vmem>>, vector<1x16xi32>,
      %shift_right_arithmetic3A_1027 = arith.constant 14 : i32
      %shift_right_arithmetic3A_1028 = vector.broadcast %shift_right_arithmetic3A_1027 : i32 to vector<16xi32>
      %shift_right_arithmetic3A_1029 = arith.shrsi %get3A_1017, %shift_right_arithmetic3A_1028 : vector<16xi32>
      %mul3A_1030 = arith.constant 2 : i32
      %mul3A_1031 = vector.broadcast %mul3A_1030 : i32 to vector<16xi32>
      %mul3A_1032 = arith.muli %shift_right_arithmetic3A_1029, %mul3A_1031 : vector<16xi32>
      %add3A_1033 = vector.broadcast %arg0 : i32 to vector<16xi32>
      %add3A_1034 = arith.addi %mul3A_1032, %add3A_1033 : vector<16xi32>
      %swap3A_1035 = arith.index_cast %add3A_961 : i32 to index
      %swap3A_1036 = arith.constant 32 : index
      %swap3A_1037 = tpu.vector_load %arg5[%swap3A_1035, %swap3A_1036] {strides = array<i32>} : memref<250x80xi32, #tpu.memory_space<vmem>>, vector<1x16xi32>,
      %swap3A_1038 = vector.shape_cast %swap3A_1037 : vector<1x16xi32> to vector<16xi32>
      %swap3A_1039 = vector.shape_cast %add3A_1034 : vector<16xi32> to vector<1x16xi32>
      tpu.vector_store %arg5[%swap3A_1035, %swap3A_1036], %swap3A_1039 {strides = array<i32>} : memref<250x80xi32, #tpu.memory_space<vmem>>, vector<1x16xi32>,
      %get3A_1040 = arith.index_cast %add3A_961 : i32 to index
      %get3A_1041 = arith.constant 48 : index
      %get3A_1042 = tpu.vector_load %arg5[%get3A_1040, %get3A_1041] {strides = array<i32>} : memref<250x80xi32, #tpu.memory_space<vmem>>, vector<1x16xi32>,
      %get3A_1043 = vector.shape_cast %get3A_1042 : vector<1x16xi32> to vector<16xi32>
      %and3A_1044 = arith.constant 16383 : i32
      %and3A_1045 = vector.broadcast %and3A_1044 : i32 to vector<16xi32>
      %and3A_1046 = arith.andi %get3A_1043, %and3A_1045 : vector<16xi32>
      %swap3A_1047 = arith.constant 4 : i32
      %swap3A_1048 = arith.index_cast %swap3A_1047 : i32 to index
      %swap3A_1049 = arith.constant 48 : index
      %swap3A_1050 = tpu.vector_load %arg6[%swap3A_1048, %swap3A_1049] {strides = array<i32>} : memref<6x80xi32, #tpu.memory_space<vmem>>, vector<1x16xi32>,
      %swap3A_1051 = vector.shape_cast %swap3A_1050 : vector<1x16xi32> to vector<16xi32>
      %swap3A_1052 = vector.shape_cast %and3A_1046 : vector<16xi32> to vector<1x16xi32>
      tpu.vector_store %arg6[%swap3A_1048, %swap3A_1049], %swap3A_1052 {strides = array<i32>} : memref<6x80xi32, #tpu.memory_space<vmem>>, vector<1x16xi32>,
      %shift_right_arithmetic3A_1053 = arith.constant 14 : i32
      %shift_right_arithmetic3A_1054 = vector.broadcast %shift_right_arithmetic3A_1053 : i32 to vector<16xi32>
      %shift_right_arithmetic3A_1055 = arith.shrsi %get3A_1043, %shift_right_arithmetic3A_1054 : vector<16xi32>
      %mul3A_1056 = arith.constant 2 : i32
      %mul3A_1057 = vector.broadcast %mul3A_1056 : i32 to vector<16xi32>
      %mul3A_1058 = arith.muli %shift_right_arithmetic3A_1055, %mul3A_1057 : vector<16xi32>
      %add3A_1059 = vector.broadcast %arg0 : i32 to vector<16xi32>
      %add3A_1060 = arith.addi %mul3A_1058, %add3A_1059 : vector<16xi32>
      %swap3A_1061 = arith.index_cast %add3A_961 : i32 to index
      %swap3A_1062 = arith.constant 48 : index
      %swap3A_1063 = tpu.vector_load %arg5[%swap3A_1061, %swap3A_1062] {strides = array<i32>} : memref<250x80xi32, #tpu.memory_space<vmem>>, vector<1x16xi32>,
      %swap3A_1064 = vector.shape_cast %swap3A_1063 : vector<1x16xi32> to vector<16xi32>
      %swap3A_1065 = vector.shape_cast %add3A_1060 : vector<16xi32> to vector<1x16xi32>
      tpu.vector_store %arg5[%swap3A_1061, %swap3A_1062], %swap3A_1065 {strides = array<i32>} : memref<250x80xi32, #tpu.memory_space<vmem>>, vector<1x16xi32>,
      %get3A_1066 = arith.index_cast %add3A_961 : i32 to index
      %get3A_1067 = arith.constant 64 : index
      %get3A_1068 = tpu.vector_load %arg5[%get3A_1066, %get3A_1067] {strides = array<i32>} : memref<250x80xi32, #tpu.memory_space<vmem>>, vector<1x16xi32>,
      %get3A_1069 = vector.shape_cast %get3A_1068 : vector<1x16xi32> to vector<16xi32>
      %and3A_1070 = arith.constant 16383 : i32
      %and3A_1071 = vector.broadcast %and3A_1070 : i32 to vector<16xi32>
      %and3A_1072 = arith.andi %get3A_1069, %and3A_1071 : vector<16xi32>
      %swap3A_1073 = arith.constant 4 : i32
      %swap3A_1074 = arith.index_cast %swap3A_1073 : i32 to index
      %swap3A_1075 = arith.constant 64 : index
      %swap3A_1076 = tpu.vector_load %arg6[%swap3A_1074, %swap3A_1075] {strides = array<i32>} : memref<6x80xi32, #tpu.memory_space<vmem>>, vector<1x16xi32>,
      %swap3A_1077 = vector.shape_cast %swap3A_1076 : vector<1x16xi32> to vector<16xi32>
      %swap3A_1078 = vector.shape_cast %and3A_1072 : vector<16xi32> to vector<1x16xi32>
      tpu.vector_store %arg6[%swap3A_1074, %swap3A_1075], %swap3A_1078 {strides = array<i32>} : memref<6x80xi32, #tpu.memory_space<vmem>>, vector<1x16xi32>,
      %shift_right_arithmetic3A_1079 = arith.constant 14 : i32
      %shift_right_arithmetic3A_1080 = vector.broadcast %shift_right_arithmetic3A_1079 : i32 to vector<16xi32>
      %shift_right_arithmetic3A_1081 = arith.shrsi %get3A_1069, %shift_right_arithmetic3A_1080 : vector<16xi32>
      %mul3A_1082 = arith.constant 2 : i32
      %mul3A_1083 = vector.broadcast %mul3A_1082 : i32 to vector<16xi32>
      %mul3A_1084 = arith.muli %shift_right_arithmetic3A_1081, %mul3A_1083 : vector<16xi32>
      %add3A_1085 = vector.broadcast %arg0 : i32 to vector<16xi32>
      %add3A_1086 = arith.addi %mul3A_1084, %add3A_1085 : vector<16xi32>
      %swap3A_1087 = arith.index_cast %add3A_961 : i32 to index
      %swap3A_1088 = arith.constant 64 : index
      %swap3A_1089 = tpu.vector_load %arg5[%swap3A_1087, %swap3A_1088] {strides = array<i32>} : memref<250x80xi32, #tpu.memory_space<vmem>>, vector<1x16xi32>,
      %swap3A_1090 = vector.shape_cast %swap3A_1089 : vector<1x16xi32> to vector<16xi32>
      %swap3A_1091 = vector.shape_cast %add3A_1086 : vector<16xi32> to vector<1x16xi32>
      tpu.vector_store %arg5[%swap3A_1087, %swap3A_1088], %swap3A_1091 {strides = array<i32>} : memref<250x80xi32, #tpu.memory_space<vmem>>, vector<1x16xi32>,
      %dma_start3A_1092 = arith.constant 320 : i32
      %dma_start3A_1093 = arith.constant 0 : i32
      %dma_start3A_1094 = tpu.memref_slice %arg7[%dma_start3A_1092, %dma_start3A_1093] : memref<480x64xf32, #tpu.memory_space<vmem>> -> memref<80x64xf32, #tpu.memory_space<vmem>>
      %dma_start3A_1095 = arith.constant 0 : i32
      %dma_start3A_1096 = tpu.memref_slice %arg5[%add3A_961, %dma_start3A_1095] : memref<250x80xi32, #tpu.memory_space<vmem>> -> memref<1x80xi32, #tpu.memory_space<vmem>>
      %dma_start3A_1097 = tpu.memref_squeeze %dma_start3A_1096 : memref<1x80xi32, #tpu.memory_space<vmem>> -> memref<80xi32, #tpu.memory_space<vmem>>
      %dma_start3A_1098 = arith.constant 0 : i32
      %dma_start3A_1099 = arith.constant 0 : i32
      %dma_start3A_1100 = tpu.memref_slice %arg2[%dma_start3A_1098, %dma_start3A_1099] : memref<20000x64xf32, #tpu.memory_space<hbm>> -> memref<20000x64xf32, #tpu.memory_space<hbm>>
      tpu.enqueue_indirect_dma source(%dma_start3A_1100 : memref<20000x64xf32, #tpu.memory_space<hbm>>) target(%dma_start3A_1094 : memref<80x64xf32, #tpu.memory_space<vmem>>) offsets(%dma_start3A_1097 : memref<80xi32, #tpu.memory_space<vmem>>) semaphore(%arg13 : memref<!tpu.dma_semaphore, #tpu.memory_space<semaphore_mem>>)
      %dma_wait3A_1101 = arith.constant 80 : i32
      %dma_wait3A_1102 = arith.constant 0 : i32
      %dma_wait3A_1103 = tpu.memref_slice %arg7[%dma_wait3A_1101, %dma_wait3A_1102] : memref<480x64xf32, #tpu.memory_space<vmem>> -> memref<80x64xf32, #tpu.memory_space<vmem>>
      %dma_wait3A_1104 = arith.constant 0 : i32
      %dma_wait3A_1105 = tpu.memref_slice %arg5[%add3A_954, %dma_wait3A_1104] : memref<250x80xi32, #tpu.memory_space<vmem>> -> memref<1x80xi32, #tpu.memory_space<vmem>>
      %dma_wait3A_1106 = tpu.memref_squeeze %dma_wait3A_1105 : memref<1x80xi32, #tpu.memory_space<vmem>> -> memref<80xi32, #tpu.memory_space<vmem>>
      %dma_wait3A_1107 = arith.constant 0 : i32
      %dma_wait3A_1108 = arith.constant 0 : i32
      %dma_wait3A_1109 = tpu.memref_slice %arg2[%dma_wait3A_1107, %dma_wait3A_1108] : memref<20000x64xf32, #tpu.memory_space<hbm>> -> memref<20000x64xf32, #tpu.memory_space<hbm>>
      tpu.wait_indirect_dma semaphore(%arg10 : memref<!tpu.dma_semaphore, #tpu.memory_space<semaphore_mem>>) src(%dma_wait3A_1109 : memref<20000x64xf32, #tpu.memory_space<hbm>>) dst(%dma_wait3A_1103 : memref<80x64xf32, #tpu.memory_space<vmem>>)
      %dma_start3A_1110 = arith.constant 1 : i32
      %dma_start3A_1111 = arith.constant 80 : i32
      %dma_start3A_1112 = arith.constant 0 : i32
      %dma_start3A_1113 = tpu.memref_slice %arg7[%dma_start3A_1111, %dma_start3A_1112] : memref<480x64xf32, #tpu.memory_space<vmem>> -> memref<80x64xf32, #tpu.memory_space<vmem>>
      %dma_start3A_1114 = arith.constant 0 : i32
      %dma_start3A_1115 = tpu.memref_slice %arg6[%dma_start3A_1110, %dma_start3A_1114] : memref<6x80xi32, #tpu.memory_space<vmem>> -> memref<1x80xi32, #tpu.memory_space<vmem>>
      %dma_start3A_1116 = tpu.memref_squeeze %dma_start3A_1115 : memref<1x80xi32, #tpu.memory_space<vmem>> -> memref<80xi32, #tpu.memory_space<vmem>>
      %dma_start3A_1117 = arith.constant 0 : i32
      %dma_start3A_1118 = arith.constant 0 : i32
      %dma_start3A_1119 = tpu.memref_slice %arg8[%dma_start3A_1117, %dma_start3A_1118] : memref<10000x64xf32, #tpu.memory_space<vmem_shared>> -> memref<10000x64xf32, #tpu.memory_space<vmem_shared>>
      tpu.enqueue_indirect_dma source(%dma_start3A_1113 : memref<80x64xf32, #tpu.memory_space<vmem>>) target(%dma_start3A_1119 : memref<10000x64xf32, #tpu.memory_space<vmem_shared>>) offsets(%dma_start3A_1116 : memref<80xi32, #tpu.memory_space<vmem>>) semaphore(%arg16 : memref<!tpu.dma_semaphore, #tpu.memory_space<semaphore_mem>>) {add = true}
      %add3A_1120 = arith.constant 2 : i32
      %add3A_1121 = arith.addi %add3A_786, %add3A_1120 : i32
      %ge3A_1122 = arith.constant 3 : i32
      %ge3A_1123 = arith.cmpi sge, %add3A_1121, %ge3A_1122 : i32
      %convert_element_type3A_1124 = arith.extui %ge3A_1123 : i1 to i32
      %cond3A_1125 = arith.constant 0 : i32
      %cond3A_1126 = arith.cmpi ne, %convert_element_type3A_1124, %cond3A_1125 : i32
      scf.if %cond3A_1126 {
        %dma_wait3A_1809 = arith.constant 400 : i32
        %dma_wait3A_1810 = arith.constant 0 : i32
        %dma_wait3A_1811 = tpu.memref_slice %arg7[%dma_wait3A_1809, %dma_wait3A_1810] : memref<480x64xf32, #tpu.memory_space<vmem>> -> memref<80x64xf32, #tpu.memory_space<vmem>>
        %dma_wait3A_1812 = arith.constant 0 : i32
        %dma_wait3A_1813 = arith.constant 0 : i32
        %dma_wait3A_1814 = tpu.memref_slice %arg2[%dma_wait3A_1812, %dma_wait3A_1813] : memref<20000x64xf32, #tpu.memory_space<hbm>> -> memref<80x64xf32, #tpu.memory_space<hbm>>
        %dma_wait3A_1815 = arith.constant 400 : i32
        %dma_wait3A_1816 = arith.constant 0 : i32
        %dma_wait3A_1817 = tpu.memref_slice %arg7[%dma_wait3A_1815, %dma_wait3A_1816] : memref<480x64xf32, #tpu.memory_space<vmem>> -> memref<80x64xf32, #tpu.memory_space<vmem>>
        %dma_wait3A_1818 = arith.constant 0 : i32
        %dma_wait3A_1819 = arith.constant 0 : i32
        %dma_wait3A_1820 = tpu.memref_slice %arg2[%dma_wait3A_1818, %dma_wait3A_1819] : memref<20000x64xf32, #tpu.memory_space<hbm>> -> memref<80x64xf32, #tpu.memory_space<hbm>>
        tpu.wait_dma2 semaphore(%arg20 : memref<!tpu.dma_semaphore, #tpu.memory_space<semaphore_mem>>) src(%dma_wait3A_1820 : memref<80x64xf32, #tpu.memory_space<hbm>>) dst(%dma_wait3A_1817 : memref<80x64xf32, #tpu.memory_space<vmem>>)
      } else {
      }
      %add3A_1127 = arith.constant 3 : i32
      %add3A_1128 = arith.addi %add3A_1121, %add3A_1127 : i32
      %get3A_1129 = arith.index_cast %add3A_1128 : i32 to index
      %get3A_1130 = arith.constant 0 : index
      %get3A_1131 = tpu.vector_load %arg5[%get3A_1129, %get3A_1130] {strides = array<i32>} : memref<250x80xi32, #tpu.memory_space<vmem>>, vector<1x16xi32>,
      %get3A_1132 = vector.shape_cast %get3A_1131 : vector<1x16xi32> to vector<16xi32>
      %and3A_1133 = arith.constant 16383 : i32
      %and3A_1134 = vector.broadcast %and3A_1133 : i32 to vector<16xi32>
      %and3A_1135 = arith.andi %get3A_1132, %and3A_1134 : vector<16xi32>
      %swap3A_1136 = arith.constant 5 : i32
      %swap3A_1137 = arith.index_cast %swap3A_1136 : i32 to index
      %swap3A_1138 = arith.constant 0 : index
      %swap3A_1139 = tpu.vector_load %arg6[%swap3A_1137, %swap3A_1138] {strides = array<i32>} : memref<6x80xi32, #tpu.memory_space<vmem>>, vector<1x16xi32>,
      %swap3A_1140 = vector.shape_cast %swap3A_1139 : vector<1x16xi32> to vector<16xi32>
      %swap3A_1141 = vector.shape_cast %and3A_1135 : vector<16xi32> to vector<1x16xi32>
      tpu.vector_store %arg6[%swap3A_1137, %swap3A_1138], %swap3A_1141 {strides = array<i32>} : memref<6x80xi32, #tpu.memory_space<vmem>>, vector<1x16xi32>,
      %shift_right_arithmetic3A_1142 = arith.constant 14 : i32
      %shift_right_arithmetic3A_1143 = vector.broadcast %shift_right_arithmetic3A_1142 : i32 to vector<16xi32>
      %shift_right_arithmetic3A_1144 = arith.shrsi %get3A_1132, %shift_right_arithmetic3A_1143 : vector<16xi32>
      %mul3A_1145 = arith.constant 2 : i32
      %mul3A_1146 = vector.broadcast %mul3A_1145 : i32 to vector<16xi32>
      %mul3A_1147 = arith.muli %shift_right_arithmetic3A_1144, %mul3A_1146 : vector<16xi32>
      %add3A_1148 = vector.broadcast %arg0 : i32 to vector<16xi32>
      %add3A_1149 = arith.addi %mul3A_1147, %add3A_1148 : vector<16xi32>
      %swap3A_1150 = arith.index_cast %add3A_1128 : i32 to index
      %swap3A_1151 = arith.constant 0 : index
      %swap3A_1152 = tpu.vector_load %arg5[%swap3A_1150, %swap3A_1151] {strides = array<i32>} : memref<250x80xi32, #tpu.memory_space<vmem>>, vector<1x16xi32>,
      %swap3A_1153 = vector.shape_cast %swap3A_1152 : vector<1x16xi32> to vector<16xi32>
      %swap3A_1154 = vector.shape_cast %add3A_1149 : vector<16xi32> to vector<1x16xi32>
      tpu.vector_store %arg5[%swap3A_1150, %swap3A_1151], %swap3A_1154 {strides = array<i32>} : memref<250x80xi32, #tpu.memory_space<vmem>>, vector<1x16xi32>,
      %get3A_1155 = arith.index_cast %add3A_1128 : i32 to index
      %get3A_1156 = arith.constant 16 : index
      %get3A_1157 = tpu.vector_load %arg5[%get3A_1155, %get3A_1156] {strides = array<i32>} : memref<250x80xi32, #tpu.memory_space<vmem>>, vector<1x16xi32>,
      %get3A_1158 = vector.shape_cast %get3A_1157 : vector<1x16xi32> to vector<16xi32>
      %and3A_1159 = arith.constant 16383 : i32
      %and3A_1160 = vector.broadcast %and3A_1159 : i32 to vector<16xi32>
      %and3A_1161 = arith.andi %get3A_1158, %and3A_1160 : vector<16xi32>
      %swap3A_1162 = arith.constant 5 : i32
      %swap3A_1163 = arith.index_cast %swap3A_1162 : i32 to index
      %swap3A_1164 = arith.constant 16 : index
      %swap3A_1165 = tpu.vector_load %arg6[%swap3A_1163, %swap3A_1164] {strides = array<i32>} : memref<6x80xi32, #tpu.memory_space<vmem>>, vector<1x16xi32>,
      %swap3A_1166 = vector.shape_cast %swap3A_1165 : vector<1x16xi32> to vector<16xi32>
      %swap3A_1167 = vector.shape_cast %and3A_1161 : vector<16xi32> to vector<1x16xi32>
      tpu.vector_store %arg6[%swap3A_1163, %swap3A_1164], %swap3A_1167 {strides = array<i32>} : memref<6x80xi32, #tpu.memory_space<vmem>>, vector<1x16xi32>,
      %shift_right_arithmetic3A_1168 = arith.constant 14 : i32
      %shift_right_arithmetic3A_1169 = vector.broadcast %shift_right_arithmetic3A_1168 : i32 to vector<16xi32>
      %shift_right_arithmetic3A_1170 = arith.shrsi %get3A_1158, %shift_right_arithmetic3A_1169 : vector<16xi32>
      %mul3A_1171 = arith.constant 2 : i32
      %mul3A_1172 = vector.broadcast %mul3A_1171 : i32 to vector<16xi32>
      %mul3A_1173 = arith.muli %shift_right_arithmetic3A_1170, %mul3A_1172 : vector<16xi32>
      %add3A_1174 = vector.broadcast %arg0 : i32 to vector<16xi32>
      %add3A_1175 = arith.addi %mul3A_1173, %add3A_1174 : vector<16xi32>
      %swap3A_1176 = arith.index_cast %add3A_1128 : i32 to index
      %swap3A_1177 = arith.constant 16 : index
      %swap3A_1178 = tpu.vector_load %arg5[%swap3A_1176, %swap3A_1177] {strides = array<i32>} : memref<250x80xi32, #tpu.memory_space<vmem>>, vector<1x16xi32>,
      %swap3A_1179 = vector.shape_cast %swap3A_1178 : vector<1x16xi32> to vector<16xi32>
      %swap3A_1180 = vector.shape_cast %add3A_1175 : vector<16xi32> to vector<1x16xi32>
      tpu.vector_store %arg5[%swap3A_1176, %swap3A_1177], %swap3A_1180 {strides = array<i32>} : memref<250x80xi32, #tpu.memory_space<vmem>>, vector<1x16xi32>,
      %get3A_1181 = arith.index_cast %add3A_1128 : i32 to index
      %get3A_1182 = arith.constant 32 : index
      %get3A_1183 = tpu.vector_load %arg5[%get3A_1181, %get3A_1182] {strides = array<i32>} : memref<250x80xi32, #tpu.memory_space<vmem>>, vector<1x16xi32>,
      %get3A_1184 = vector.shape_cast %get3A_1183 : vector<1x16xi32> to vector<16xi32>
      %and3A_1185 = arith.constant 16383 : i32
      %and3A_1186 = vector.broadcast %and3A_1185 : i32 to vector<16xi32>
      %and3A_1187 = arith.andi %get3A_1184, %and3A_1186 : vector<16xi32>
      %swap3A_1188 = arith.constant 5 : i32
      %swap3A_1189 = arith.index_cast %swap3A_1188 : i32 to index
      %swap3A_1190 = arith.constant 32 : index
      %swap3A_1191 = tpu.vector_load %arg6[%swap3A_1189, %swap3A_1190] {strides = array<i32>} : memref<6x80xi32, #tpu.memory_space<vmem>>, vector<1x16xi32>,
      %swap3A_1192 = vector.shape_cast %swap3A_1191 : vector<1x16xi32> to vector<16xi32>
      %swap3A_1193 = vector.shape_cast %and3A_1187 : vector<16xi32> to vector<1x16xi32>
      tpu.vector_store %arg6[%swap3A_1189, %swap3A_1190], %swap3A_1193 {strides = array<i32>} : memref<6x80xi32, #tpu.memory_space<vmem>>, vector<1x16xi32>,
      %shift_right_arithmetic3A_1194 = arith.constant 14 : i32
      %shift_right_arithmetic3A_1195 = vector.broadcast %shift_right_arithmetic3A_1194 : i32 to vector<16xi32>
      %shift_right_arithmetic3A_1196 = arith.shrsi %get3A_1184, %shift_right_arithmetic3A_1195 : vector<16xi32>
      %mul3A_1197 = arith.constant 2 : i32
      %mul3A_1198 = vector.broadcast %mul3A_1197 : i32 to vector<16xi32>
      %mul3A_1199 = arith.muli %shift_right_arithmetic3A_1196, %mul3A_1198 : vector<16xi32>
      %add3A_1200 = vector.broadcast %arg0 : i32 to vector<16xi32>
      %add3A_1201 = arith.addi %mul3A_1199, %add3A_1200 : vector<16xi32>
      %swap3A_1202 = arith.index_cast %add3A_1128 : i32 to index
      %swap3A_1203 = arith.constant 32 : index
      %swap3A_1204 = tpu.vector_load %arg5[%swap3A_1202, %swap3A_1203] {strides = array<i32>} : memref<250x80xi32, #tpu.memory_space<vmem>>, vector<1x16xi32>,
      %swap3A_1205 = vector.shape_cast %swap3A_1204 : vector<1x16xi32> to vector<16xi32>
      %swap3A_1206 = vector.shape_cast %add3A_1201 : vector<16xi32> to vector<1x16xi32>
      tpu.vector_store %arg5[%swap3A_1202, %swap3A_1203], %swap3A_1206 {strides = array<i32>} : memref<250x80xi32, #tpu.memory_space<vmem>>, vector<1x16xi32>,
      %get3A_1207 = arith.index_cast %add3A_1128 : i32 to index
      %get3A_1208 = arith.constant 48 : index
      %get3A_1209 = tpu.vector_load %arg5[%get3A_1207, %get3A_1208] {strides = array<i32>} : memref<250x80xi32, #tpu.memory_space<vmem>>, vector<1x16xi32>,
      %get3A_1210 = vector.shape_cast %get3A_1209 : vector<1x16xi32> to vector<16xi32>
      %and3A_1211 = arith.constant 16383 : i32
      %and3A_1212 = vector.broadcast %and3A_1211 : i32 to vector<16xi32>
      %and3A_1213 = arith.andi %get3A_1210, %and3A_1212 : vector<16xi32>
      %swap3A_1214 = arith.constant 5 : i32
      %swap3A_1215 = arith.index_cast %swap3A_1214 : i32 to index
      %swap3A_1216 = arith.constant 48 : index
      %swap3A_1217 = tpu.vector_load %arg6[%swap3A_1215, %swap3A_1216] {strides = array<i32>} : memref<6x80xi32, #tpu.memory_space<vmem>>, vector<1x16xi32>,
      %swap3A_1218 = vector.shape_cast %swap3A_1217 : vector<1x16xi32> to vector<16xi32>
      %swap3A_1219 = vector.shape_cast %and3A_1213 : vector<16xi32> to vector<1x16xi32>
      tpu.vector_store %arg6[%swap3A_1215, %swap3A_1216], %swap3A_1219 {strides = array<i32>} : memref<6x80xi32, #tpu.memory_space<vmem>>, vector<1x16xi32>,
      %shift_right_arithmetic3A_1220 = arith.constant 14 : i32
      %shift_right_arithmetic3A_1221 = vector.broadcast %shift_right_arithmetic3A_1220 : i32 to vector<16xi32>
      %shift_right_arithmetic3A_1222 = arith.shrsi %get3A_1210, %shift_right_arithmetic3A_1221 : vector<16xi32>
      %mul3A_1223 = arith.constant 2 : i32
      %mul3A_1224 = vector.broadcast %mul3A_1223 : i32 to vector<16xi32>
      %mul3A_1225 = arith.muli %shift_right_arithmetic3A_1222, %mul3A_1224 : vector<16xi32>
      %add3A_1226 = vector.broadcast %arg0 : i32 to vector<16xi32>
      %add3A_1227 = arith.addi %mul3A_1225, %add3A_1226 : vector<16xi32>
      %swap3A_1228 = arith.index_cast %add3A_1128 : i32 to index
      %swap3A_1229 = arith.constant 48 : index
      %swap3A_1230 = tpu.vector_load %arg5[%swap3A_1228, %swap3A_1229] {strides = array<i32>} : memref<250x80xi32, #tpu.memory_space<vmem>>, vector<1x16xi32>,
      %swap3A_1231 = vector.shape_cast %swap3A_1230 : vector<1x16xi32> to vector<16xi32>
      %swap3A_1232 = vector.shape_cast %add3A_1227 : vector<16xi32> to vector<1x16xi32>
      tpu.vector_store %arg5[%swap3A_1228, %swap3A_1229], %swap3A_1232 {strides = array<i32>} : memref<250x80xi32, #tpu.memory_space<vmem>>, vector<1x16xi32>,
      %get3A_1233 = arith.index_cast %add3A_1128 : i32 to index
      %get3A_1234 = arith.constant 64 : index
      %get3A_1235 = tpu.vector_load %arg5[%get3A_1233, %get3A_1234] {strides = array<i32>} : memref<250x80xi32, #tpu.memory_space<vmem>>, vector<1x16xi32>,
      %get3A_1236 = vector.shape_cast %get3A_1235 : vector<1x16xi32> to vector<16xi32>
      %and3A_1237 = arith.constant 16383 : i32
      %and3A_1238 = vector.broadcast %and3A_1237 : i32 to vector<16xi32>
      %and3A_1239 = arith.andi %get3A_1236, %and3A_1238 : vector<16xi32>
      %swap3A_1240 = arith.constant 5 : i32
      %swap3A_1241 = arith.index_cast %swap3A_1240 : i32 to index
      %swap3A_1242 = arith.constant 64 : index
      %swap3A_1243 = tpu.vector_load %arg6[%swap3A_1241, %swap3A_1242] {strides = array<i32>} : memref<6x80xi32, #tpu.memory_space<vmem>>, vector<1x16xi32>,
      %swap3A_1244 = vector.shape_cast %swap3A_1243 : vector<1x16xi32> to vector<16xi32>
      %swap3A_1245 = vector.shape_cast %and3A_1239 : vector<16xi32> to vector<1x16xi32>
      tpu.vector_store %arg6[%swap3A_1241, %swap3A_1242], %swap3A_1245 {strides = array<i32>} : memref<6x80xi32, #tpu.memory_space<vmem>>, vector<1x16xi32>,
      %shift_right_arithmetic3A_1246 = arith.constant 14 : i32
      %shift_right_arithmetic3A_1247 = vector.broadcast %shift_right_arithmetic3A_1246 : i32 to vector<16xi32>
      %shift_right_arithmetic3A_1248 = arith.shrsi %get3A_1236, %shift_right_arithmetic3A_1247 : vector<16xi32>
      %mul3A_1249 = arith.constant 2 : i32
      %mul3A_1250 = vector.broadcast %mul3A_1249 : i32 to vector<16xi32>
      %mul3A_1251 = arith.muli %shift_right_arithmetic3A_1248, %mul3A_1250 : vector<16xi32>
      %add3A_1252 = vector.broadcast %arg0 : i32 to vector<16xi32>
      %add3A_1253 = arith.addi %mul3A_1251, %add3A_1252 : vector<16xi32>
      %swap3A_1254 = arith.index_cast %add3A_1128 : i32 to index
      %swap3A_1255 = arith.constant 64 : index
      %swap3A_1256 = tpu.vector_load %arg5[%swap3A_1254, %swap3A_1255] {strides = array<i32>} : memref<250x80xi32, #tpu.memory_space<vmem>>, vector<1x16xi32>,
      %swap3A_1257 = vector.shape_cast %swap3A_1256 : vector<1x16xi32> to vector<16xi32>
      %swap3A_1258 = vector.shape_cast %add3A_1253 : vector<16xi32> to vector<1x16xi32>
      tpu.vector_store %arg5[%swap3A_1254, %swap3A_1255], %swap3A_1258 {strides = array<i32>} : memref<250x80xi32, #tpu.memory_space<vmem>>, vector<1x16xi32>,
      %dma_start3A_1259 = arith.constant 400 : i32
      %dma_start3A_1260 = arith.constant 0 : i32
      %dma_start3A_1261 = tpu.memref_slice %arg7[%dma_start3A_1259, %dma_start3A_1260] : memref<480x64xf32, #tpu.memory_space<vmem>> -> memref<80x64xf32, #tpu.memory_space<vmem>>
      %dma_start3A_1262 = arith.constant 0 : i32
      %dma_start3A_1263 = tpu.memref_slice %arg5[%add3A_1128, %dma_start3A_1262] : memref<250x80xi32, #tpu.memory_space<vmem>> -> memref<1x80xi32, #tpu.memory_space<vmem>>
      %dma_start3A_1264 = tpu.memref_squeeze %dma_start3A_1263 : memref<1x80xi32, #tpu.memory_space<vmem>> -> memref<80xi32, #tpu.memory_space<vmem>>
      %dma_start3A_1265 = arith.constant 0 : i32
      %dma_start3A_1266 = arith.constant 0 : i32
      %dma_start3A_1267 = tpu.memref_slice %arg2[%dma_start3A_1265, %dma_start3A_1266] : memref<20000x64xf32, #tpu.memory_space<hbm>> -> memref<20000x64xf32, #tpu.memory_space<hbm>>
      tpu.enqueue_indirect_dma source(%dma_start3A_1267 : memref<20000x64xf32, #tpu.memory_space<hbm>>) target(%dma_start3A_1261 : memref<80x64xf32, #tpu.memory_space<vmem>>) offsets(%dma_start3A_1264 : memref<80xi32, #tpu.memory_space<vmem>>) semaphore(%arg14 : memref<!tpu.dma_semaphore, #tpu.memory_space<semaphore_mem>>)
      %dma_wait3A_1268 = arith.constant 160 : i32
      %dma_wait3A_1269 = arith.constant 0 : i32
      %dma_wait3A_1270 = tpu.memref_slice %arg7[%dma_wait3A_1268, %dma_wait3A_1269] : memref<480x64xf32, #tpu.memory_space<vmem>> -> memref<80x64xf32, #tpu.memory_space<vmem>>
      %dma_wait3A_1271 = arith.constant 0 : i32
      %dma_wait3A_1272 = tpu.memref_slice %arg5[%add3A_1121, %dma_wait3A_1271] : memref<250x80xi32, #tpu.memory_space<vmem>> -> memref<1x80xi32, #tpu.memory_space<vmem>>
      %dma_wait3A_1273 = tpu.memref_squeeze %dma_wait3A_1272 : memref<1x80xi32, #tpu.memory_space<vmem>> -> memref<80xi32, #tpu.memory_space<vmem>>
      %dma_wait3A_1274 = arith.constant 0 : i32
      %dma_wait3A_1275 = arith.constant 0 : i32
      %dma_wait3A_1276 = tpu.memref_slice %arg2[%dma_wait3A_1274, %dma_wait3A_1275] : memref<20000x64xf32, #tpu.memory_space<hbm>> -> memref<20000x64xf32, #tpu.memory_space<hbm>>
      tpu.wait_indirect_dma semaphore(%arg11 : memref<!tpu.dma_semaphore, #tpu.memory_space<semaphore_mem>>) src(%dma_wait3A_1276 : memref<20000x64xf32, #tpu.memory_space<hbm>>) dst(%dma_wait3A_1270 : memref<80x64xf32, #tpu.memory_space<vmem>>)
      %dma_start3A_1277 = arith.constant 2 : i32
      %dma_start3A_1278 = arith.constant 160 : i32
      %dma_start3A_1279 = arith.constant 0 : i32
      %dma_start3A_1280 = tpu.memref_slice %arg7[%dma_start3A_1278, %dma_start3A_1279] : memref<480x64xf32, #tpu.memory_space<vmem>> -> memref<80x64xf32, #tpu.memory_space<vmem>>
      %dma_start3A_1281 = arith.constant 0 : i32
      %dma_start3A_1282 = tpu.memref_slice %arg6[%dma_start3A_1277, %dma_start3A_1281] : memref<6x80xi32, #tpu.memory_space<vmem>> -> memref<1x80xi32, #tpu.memory_space<vmem>>
      %dma_start3A_1283 = tpu.memref_squeeze %dma_start3A_1282 : memref<1x80xi32, #tpu.memory_space<vmem>> -> memref<80xi32, #tpu.memory_space<vmem>>
      %dma_start3A_1284 = arith.constant 0 : i32
      %dma_start3A_1285 = arith.constant 0 : i32
      %dma_start3A_1286 = tpu.memref_slice %arg8[%dma_start3A_1284, %dma_start3A_1285] : memref<10000x64xf32, #tpu.memory_space<vmem_shared>> -> memref<10000x64xf32, #tpu.memory_space<vmem_shared>>
      tpu.enqueue_indirect_dma source(%dma_start3A_1280 : memref<80x64xf32, #tpu.memory_space<vmem>>) target(%dma_start3A_1286 : memref<10000x64xf32, #tpu.memory_space<vmem_shared>>) offsets(%dma_start3A_1283 : memref<80xi32, #tpu.memory_space<vmem>>) semaphore(%arg17 : memref<!tpu.dma_semaphore, #tpu.memory_space<semaphore_mem>>) {add = true}
      %add3A_1287 = arith.constant 3 : i32
      %add3A_1288 = arith.addi %add3A_786, %add3A_1287 : i32
      %dma_wait3A_1289 = arith.constant 0 : i32
      %dma_wait3A_1290 = arith.constant 0 : i32
      %dma_wait3A_1291 = tpu.memref_slice %arg7[%dma_wait3A_1289, %dma_wait3A_1290] : memref<480x64xf32, #tpu.memory_space<vmem>> -> memref<80x64xf32, #tpu.memory_space<vmem>>
      %dma_wait3A_1292 = arith.constant 0 : i32
      %dma_wait3A_1293 = arith.constant 0 : i32
      %dma_wait3A_1294 = tpu.memref_slice %arg2[%dma_wait3A_1292, %dma_wait3A_1293] : memref<20000x64xf32, #tpu.memory_space<hbm>> -> memref<80x64xf32, #tpu.memory_space<hbm>>
      %dma_wait3A_1295 = arith.constant 0 : i32
      %dma_wait3A_1296 = arith.constant 0 : i32
      %dma_wait3A_1297 = tpu.memref_slice %arg7[%dma_wait3A_1295, %dma_wait3A_1296] : memref<480x64xf32, #tpu.memory_space<vmem>> -> memref<80x64xf32, #tpu.memory_space<vmem>>
      %dma_wait3A_1298 = arith.constant 0 : i32
      %dma_wait3A_1299 = arith.constant 0 : i32
      %dma_wait3A_1300 = tpu.memref_slice %arg2[%dma_wait3A_1298, %dma_wait3A_1299] : memref<20000x64xf32, #tpu.memory_space<hbm>> -> memref<80x64xf32, #tpu.memory_space<hbm>>
      tpu.wait_dma2 semaphore(%arg15 : memref<!tpu.dma_semaphore, #tpu.memory_space<semaphore_mem>>) src(%dma_wait3A_1300 : memref<80x64xf32, #tpu.memory_space<hbm>>) dst(%dma_wait3A_1297 : memref<80x64xf32, #tpu.memory_space<vmem>>)
      %add3A_1301 = arith.constant 3 : i32
      %add3A_1302 = arith.addi %add3A_1288, %add3A_1301 : i32
      %get3A_1303 = arith.index_cast %add3A_1302 : i32 to index
      %get3A_1304 = arith.constant 0 : index
      %get3A_1305 = tpu.vector_load %arg5[%get3A_1303, %get3A_1304] {strides = array<i32>} : memref<250x80xi32, #tpu.memory_space<vmem>>, vector<1x16xi32>,
      %get3A_1306 = vector.shape_cast %get3A_1305 : vector<1x16xi32> to vector<16xi32>
      %and3A_1307 = arith.constant 16383 : i32
      %and3A_1308 = vector.broadcast %and3A_1307 : i32 to vector<16xi32>
      %and3A_1309 = arith.andi %get3A_1306, %and3A_1308 : vector<16xi32>
      %swap3A_1310 = arith.constant 0 : i32
      %swap3A_1311 = arith.index_cast %swap3A_1310 : i32 to index
      %swap3A_1312 = arith.constant 0 : index
      %swap3A_1313 = tpu.vector_load %arg6[%swap3A_1311, %swap3A_1312] {strides = array<i32>} : memref<6x80xi32, #tpu.memory_space<vmem>>, vector<1x16xi32>,
      %swap3A_1314 = vector.shape_cast %swap3A_1313 : vector<1x16xi32> to vector<16xi32>
      %swap3A_1315 = vector.shape_cast %and3A_1309 : vector<16xi32> to vector<1x16xi32>
      tpu.vector_store %arg6[%swap3A_1311, %swap3A_1312], %swap3A_1315 {strides = array<i32>} : memref<6x80xi32, #tpu.memory_space<vmem>>, vector<1x16xi32>,
      %shift_right_arithmetic3A_1316 = arith.constant 14 : i32
      %shift_right_arithmetic3A_1317 = vector.broadcast %shift_right_arithmetic3A_1316 : i32 to vector<16xi32>
      %shift_right_arithmetic3A_1318 = arith.shrsi %get3A_1306, %shift_right_arithmetic3A_1317 : vector<16xi32>
      %mul3A_1319 = arith.constant 2 : i32
      %mul3A_1320 = vector.broadcast %mul3A_1319 : i32 to vector<16xi32>
      %mul3A_1321 = arith.muli %shift_right_arithmetic3A_1318, %mul3A_1320 : vector<16xi32>
      %add3A_1322 = vector.broadcast %arg0 : i32 to vector<16xi32>
      %add3A_1323 = arith.addi %mul3A_1321, %add3A_1322 : vector<16xi32>
      %swap3A_1324 = arith.index_cast %add3A_1302 : i32 to index
      %swap3A_1325 = arith.constant 0 : index
      %swap3A_1326 = tpu.vector_load %arg5[%swap3A_1324, %swap3A_1325] {strides = array<i32>} : memref<250x80xi32, #tpu.memory_space<vmem>>, vector<1x16xi32>,
      %swap3A_1327 = vector.shape_cast %swap3A_1326 : vector<1x16xi32> to vector<16xi32>
      %swap3A_1328 = vector.shape_cast %add3A_1323 : vector<16xi32> to vector<1x16xi32>
      tpu.vector_store %arg5[%swap3A_1324, %swap3A_1325], %swap3A_1328 {strides = array<i32>} : memref<250x80xi32, #tpu.memory_space<vmem>>, vector<1x16xi32>,
      %get3A_1329 = arith.index_cast %add3A_1302 : i32 to index
      %get3A_1330 = arith.constant 16 : index
      %get3A_1331 = tpu.vector_load %arg5[%get3A_1329, %get3A_1330] {strides = array<i32>} : memref<250x80xi32, #tpu.memory_space<vmem>>, vector<1x16xi32>,
      %get3A_1332 = vector.shape_cast %get3A_1331 : vector<1x16xi32> to vector<16xi32>
      %and3A_1333 = arith.constant 16383 : i32
      %and3A_1334 = vector.broadcast %and3A_1333 : i32 to vector<16xi32>
      %and3A_1335 = arith.andi %get3A_1332, %and3A_1334 : vector<16xi32>
      %swap3A_1336 = arith.constant 0 : i32
      %swap3A_1337 = arith.index_cast %swap3A_1336 : i32 to index
      %swap3A_1338 = arith.constant 16 : index
      %swap3A_1339 = tpu.vector_load %arg6[%swap3A_1337, %swap3A_1338] {strides = array<i32>} : memref<6x80xi32, #tpu.memory_space<vmem>>, vector<1x16xi32>,
      %swap3A_1340 = vector.shape_cast %swap3A_1339 : vector<1x16xi32> to vector<16xi32>
      %swap3A_1341 = vector.shape_cast %and3A_1335 : vector<16xi32> to vector<1x16xi32>
      tpu.vector_store %arg6[%swap3A_1337, %swap3A_1338], %swap3A_1341 {strides = array<i32>} : memref<6x80xi32, #tpu.memory_space<vmem>>, vector<1x16xi32>,
      %shift_right_arithmetic3A_1342 = arith.constant 14 : i32
      %shift_right_arithmetic3A_1343 = vector.broadcast %shift_right_arithmetic3A_1342 : i32 to vector<16xi32>
      %shift_right_arithmetic3A_1344 = arith.shrsi %get3A_1332, %shift_right_arithmetic3A_1343 : vector<16xi32>
      %mul3A_1345 = arith.constant 2 : i32
      %mul3A_1346 = vector.broadcast %mul3A_1345 : i32 to vector<16xi32>
      %mul3A_1347 = arith.muli %shift_right_arithmetic3A_1344, %mul3A_1346 : vector<16xi32>
      %add3A_1348 = vector.broadcast %arg0 : i32 to vector<16xi32>
      %add3A_1349 = arith.addi %mul3A_1347, %add3A_1348 : vector<16xi32>
      %swap3A_1350 = arith.index_cast %add3A_1302 : i32 to index
      %swap3A_1351 = arith.constant 16 : index
      %swap3A_1352 = tpu.vector_load %arg5[%swap3A_1350, %swap3A_1351] {strides = array<i32>} : memref<250x80xi32, #tpu.memory_space<vmem>>, vector<1x16xi32>,
      %swap3A_1353 = vector.shape_cast %swap3A_1352 : vector<1x16xi32> to vector<16xi32>
      %swap3A_1354 = vector.shape_cast %add3A_1349 : vector<16xi32> to vector<1x16xi32>
      tpu.vector_store %arg5[%swap3A_1350, %swap3A_1351], %swap3A_1354 {strides = array<i32>} : memref<250x80xi32, #tpu.memory_space<vmem>>, vector<1x16xi32>,
      %get3A_1355 = arith.index_cast %add3A_1302 : i32 to index
      %get3A_1356 = arith.constant 32 : index
      %get3A_1357 = tpu.vector_load %arg5[%get3A_1355, %get3A_1356] {strides = array<i32>} : memref<250x80xi32, #tpu.memory_space<vmem>>, vector<1x16xi32>,
      %get3A_1358 = vector.shape_cast %get3A_1357 : vector<1x16xi32> to vector<16xi32>
      %and3A_1359 = arith.constant 16383 : i32
      %and3A_1360 = vector.broadcast %and3A_1359 : i32 to vector<16xi32>
      %and3A_1361 = arith.andi %get3A_1358, %and3A_1360 : vector<16xi32>
      %swap3A_1362 = arith.constant 0 : i32
      %swap3A_1363 = arith.index_cast %swap3A_1362 : i32 to index
      %swap3A_1364 = arith.constant 32 : index
      %swap3A_1365 = tpu.vector_load %arg6[%swap3A_1363, %swap3A_1364] {strides = array<i32>} : memref<6x80xi32, #tpu.memory_space<vmem>>, vector<1x16xi32>,
      %swap3A_1366 = vector.shape_cast %swap3A_1365 : vector<1x16xi32> to vector<16xi32>
      %swap3A_1367 = vector.shape_cast %and3A_1361 : vector<16xi32> to vector<1x16xi32>
      tpu.vector_store %arg6[%swap3A_1363, %swap3A_1364], %swap3A_1367 {strides = array<i32>} : memref<6x80xi32, #tpu.memory_space<vmem>>, vector<1x16xi32>,
      %shift_right_arithmetic3A_1368 = arith.constant 14 : i32
      %shift_right_arithmetic3A_1369 = vector.broadcast %shift_right_arithmetic3A_1368 : i32 to vector<16xi32>
      %shift_right_arithmetic3A_1370 = arith.shrsi %get3A_1358, %shift_right_arithmetic3A_1369 : vector<16xi32>
      %mul3A_1371 = arith.constant 2 : i32
      %mul3A_1372 = vector.broadcast %mul3A_1371 : i32 to vector<16xi32>
      %mul3A_1373 = arith.muli %shift_right_arithmetic3A_1370, %mul3A_1372 : vector<16xi32>
      %add3A_1374 = vector.broadcast %arg0 : i32 to vector<16xi32>
      %add3A_1375 = arith.addi %mul3A_1373, %add3A_1374 : vector<16xi32>
      %swap3A_1376 = arith.index_cast %add3A_1302 : i32 to index
      %swap3A_1377 = arith.constant 32 : index
      %swap3A_1378 = tpu.vector_load %arg5[%swap3A_1376, %swap3A_1377] {strides = array<i32>} : memref<250x80xi32, #tpu.memory_space<vmem>>, vector<1x16xi32>,
      %swap3A_1379 = vector.shape_cast %swap3A_1378 : vector<1x16xi32> to vector<16xi32>
      %swap3A_1380 = vector.shape_cast %add3A_1375 : vector<16xi32> to vector<1x16xi32>
      tpu.vector_store %arg5[%swap3A_1376, %swap3A_1377], %swap3A_1380 {strides = array<i32>} : memref<250x80xi32, #tpu.memory_space<vmem>>, vector<1x16xi32>,
      %get3A_1381 = arith.index_cast %add3A_1302 : i32 to index
      %get3A_1382 = arith.constant 48 : index
      %get3A_1383 = tpu.vector_load %arg5[%get3A_1381, %get3A_1382] {strides = array<i32>} : memref<250x80xi32, #tpu.memory_space<vmem>>, vector<1x16xi32>,
      %get3A_1384 = vector.shape_cast %get3A_1383 : vector<1x16xi32> to vector<16xi32>
      %and3A_1385 = arith.constant 16383 : i32
      %and3A_1386 = vector.broadcast %and3A_1385 : i32 to vector<16xi32>
      %and3A_1387 = arith.andi %get3A_1384, %and3A_1386 : vector<16xi32>
      %swap3A_1388 = arith.constant 0 : i32
      %swap3A_1389 = arith.index_cast %swap3A_1388 : i32 to index
      %swap3A_1390 = arith.constant 48 : index
      %swap3A_1391 = tpu.vector_load %arg6[%swap3A_1389, %swap3A_1390] {strides = array<i32>} : memref<6x80xi32, #tpu.memory_space<vmem>>, vector<1x16xi32>,
      %swap3A_1392 = vector.shape_cast %swap3A_1391 : vector<1x16xi32> to vector<16xi32>
      %swap3A_1393 = vector.shape_cast %and3A_1387 : vector<16xi32> to vector<1x16xi32>
      tpu.vector_store %arg6[%swap3A_1389, %swap3A_1390], %swap3A_1393 {strides = array<i32>} : memref<6x80xi32, #tpu.memory_space<vmem>>, vector<1x16xi32>,
      %shift_right_arithmetic3A_1394 = arith.constant 14 : i32
      %shift_right_arithmetic3A_1395 = vector.broadcast %shift_right_arithmetic3A_1394 : i32 to vector<16xi32>
      %shift_right_arithmetic3A_1396 = arith.shrsi %get3A_1384, %shift_right_arithmetic3A_1395 : vector<16xi32>
      %mul3A_1397 = arith.constant 2 : i32
      %mul3A_1398 = vector.broadcast %mul3A_1397 : i32 to vector<16xi32>
      %mul3A_1399 = arith.muli %shift_right_arithmetic3A_1396, %mul3A_1398 : vector<16xi32>
      %add3A_1400 = vector.broadcast %arg0 : i32 to vector<16xi32>
      %add3A_1401 = arith.addi %mul3A_1399, %add3A_1400 : vector<16xi32>
      %swap3A_1402 = arith.index_cast %add3A_1302 : i32 to index
      %swap3A_1403 = arith.constant 48 : index
      %swap3A_1404 = tpu.vector_load %arg5[%swap3A_1402, %swap3A_1403] {strides = array<i32>} : memref<250x80xi32, #tpu.memory_space<vmem>>, vector<1x16xi32>,
      %swap3A_1405 = vector.shape_cast %swap3A_1404 : vector<1x16xi32> to vector<16xi32>
      %swap3A_1406 = vector.shape_cast %add3A_1401 : vector<16xi32> to vector<1x16xi32>
      tpu.vector_store %arg5[%swap3A_1402, %swap3A_1403], %swap3A_1406 {strides = array<i32>} : memref<250x80xi32, #tpu.memory_space<vmem>>, vector<1x16xi32>,
      %get3A_1407 = arith.index_cast %add3A_1302 : i32 to index
      %get3A_1408 = arith.constant 64 : index
      %get3A_1409 = tpu.vector_load %arg5[%get3A_1407, %get3A_1408] {strides = array<i32>} : memref<250x80xi32, #tpu.memory_space<vmem>>, vector<1x16xi32>,
      %get3A_1410 = vector.shape_cast %get3A_1409 : vector<1x16xi32> to vector<16xi32>
      %and3A_1411 = arith.constant 16383 : i32
      %and3A_1412 = vector.broadcast %and3A_1411 : i32 to vector<16xi32>
      %and3A_1413 = arith.andi %get3A_1410, %and3A_1412 : vector<16xi32>
      %swap3A_1414 = arith.constant 0 : i32
      %swap3A_1415 = arith.index_cast %swap3A_1414 : i32 to index
      %swap3A_1416 = arith.constant 64 : index
      %swap3A_1417 = tpu.vector_load %arg6[%swap3A_1415, %swap3A_1416] {strides = array<i32>} : memref<6x80xi32, #tpu.memory_space<vmem>>, vector<1x16xi32>,
      %swap3A_1418 = vector.shape_cast %swap3A_1417 : vector<1x16xi32> to vector<16xi32>
      %swap3A_1419 = vector.shape_cast %and3A_1413 : vector<16xi32> to vector<1x16xi32>
      tpu.vector_store %arg6[%swap3A_1415, %swap3A_1416], %swap3A_1419 {strides = array<i32>} : memref<6x80xi32, #tpu.memory_space<vmem>>, vector<1x16xi32>,
      %shift_right_arithmetic3A_1420 = arith.constant 14 : i32
      %shift_right_arithmetic3A_1421 = vector.broadcast %shift_right_arithmetic3A_1420 : i32 to vector<16xi32>
      %shift_right_arithmetic3A_1422 = arith.shrsi %get3A_1410, %shift_right_arithmetic3A_1421 : vector<16xi32>
      %mul3A_1423 = arith.constant 2 : i32
      %mul3A_1424 = vector.broadcast %mul3A_1423 : i32 to vector<16xi32>
      %mul3A_1425 = arith.muli %shift_right_arithmetic3A_1422, %mul3A_1424 : vector<16xi32>
      %add3A_1426 = vector.broadcast %arg0 : i32 to vector<16xi32>
      %add3A_1427 = arith.addi %mul3A_1425, %add3A_1426 : vector<16xi32>
      %swap3A_1428 = arith.index_cast %add3A_1302 : i32 to index
      %swap3A_1429 = arith.constant 64 : index
      %swap3A_1430 = tpu.vector_load %arg5[%swap3A_1428, %swap3A_1429] {strides = array<i32>} : memref<250x80xi32, #tpu.memory_space<vmem>>, vector<1x16xi32>,
      %swap3A_1431 = vector.shape_cast %swap3A_1430 : vector<1x16xi32> to vector<16xi32>
      %swap3A_1432 = vector.shape_cast %add3A_1427 : vector<16xi32> to vector<1x16xi32>
      tpu.vector_store %arg5[%swap3A_1428, %swap3A_1429], %swap3A_1432 {strides = array<i32>} : memref<250x80xi32, #tpu.memory_space<vmem>>, vector<1x16xi32>,
      %dma_start3A_1433 = arith.constant 0 : i32
      %dma_start3A_1434 = arith.constant 0 : i32
      %dma_start3A_1435 = tpu.memref_slice %arg7[%dma_start3A_1433, %dma_start3A_1434] : memref<480x64xf32, #tpu.memory_space<vmem>> -> memref<80x64xf32, #tpu.memory_space<vmem>>
      %dma_start3A_1436 = arith.constant 0 : i32
      %dma_start3A_1437 = tpu.memref_slice %arg5[%add3A_1302, %dma_start3A_1436] : memref<250x80xi32, #tpu.memory_space<vmem>> -> memref<1x80xi32, #tpu.memory_space<vmem>>
      %dma_start3A_1438 = tpu.memref_squeeze %dma_start3A_1437 : memref<1x80xi32, #tpu.memory_space<vmem>> -> memref<80xi32, #tpu.memory_space<vmem>>
      %dma_start3A_1439 = arith.constant 0 : i32
      %dma_start3A_1440 = arith.constant 0 : i32
      %dma_start3A_1441 = tpu.memref_slice %arg2[%dma_start3A_1439, %dma_start3A_1440] : memref<20000x64xf32, #tpu.memory_space<hbm>> -> memref<20000x64xf32, #tpu.memory_space<hbm>>
      tpu.enqueue_indirect_dma source(%dma_start3A_1441 : memref<20000x64xf32, #tpu.memory_space<hbm>>) target(%dma_start3A_1435 : memref<80x64xf32, #tpu.memory_space<vmem>>) offsets(%dma_start3A_1438 : memref<80xi32, #tpu.memory_space<vmem>>) semaphore(%arg9 : memref<!tpu.dma_semaphore, #tpu.memory_space<semaphore_mem>>)
      %dma_wait3A_1442 = arith.constant 240 : i32
      %dma_wait3A_1443 = arith.constant 0 : i32
      %dma_wait3A_1444 = tpu.memref_slice %arg7[%dma_wait3A_1442, %dma_wait3A_1443] : memref<480x64xf32, #tpu.memory_space<vmem>> -> memref<80x64xf32, #tpu.memory_space<vmem>>
      %dma_wait3A_1445 = arith.constant 0 : i32
      %dma_wait3A_1446 = tpu.memref_slice %arg5[%add3A_1288, %dma_wait3A_1445] : memref<250x80xi32, #tpu.memory_space<vmem>> -> memref<1x80xi32, #tpu.memory_space<vmem>>
      %dma_wait3A_1447 = tpu.memref_squeeze %dma_wait3A_1446 : memref<1x80xi32, #tpu.memory_space<vmem>> -> memref<80xi32, #tpu.memory_space<vmem>>
      %dma_wait3A_1448 = arith.constant 0 : i32
      %dma_wait3A_1449 = arith.constant 0 : i32
      %dma_wait3A_1450 = tpu.memref_slice %arg2[%dma_wait3A_1448, %dma_wait3A_1449] : memref<20000x64xf32, #tpu.memory_space<hbm>> -> memref<20000x64xf32, #tpu.memory_space<hbm>>
      tpu.wait_indirect_dma semaphore(%arg12 : memref<!tpu.dma_semaphore, #tpu.memory_space<semaphore_mem>>) src(%dma_wait3A_1450 : memref<20000x64xf32, #tpu.memory_space<hbm>>) dst(%dma_wait3A_1444 : memref<80x64xf32, #tpu.memory_space<vmem>>)
      %dma_start3A_1451 = arith.constant 3 : i32
      %dma_start3A_1452 = arith.constant 240 : i32
      %dma_start3A_1453 = arith.constant 0 : i32
      %dma_start3A_1454 = tpu.memref_slice %arg7[%dma_start3A_1452, %dma_start3A_1453] : memref<480x64xf32, #tpu.memory_space<vmem>> -> memref<80x64xf32, #tpu.memory_space<vmem>>
      %dma_start3A_1455 = arith.constant 0 : i32
      %dma_start3A_1456 = tpu.memref_slice %arg6[%dma_start3A_1451, %dma_start3A_1455] : memref<6x80xi32, #tpu.memory_space<vmem>> -> memref<1x80xi32, #tpu.memory_space<vmem>>
      %dma_start3A_1457 = tpu.memref_squeeze %dma_start3A_1456 : memref<1x80xi32, #tpu.memory_space<vmem>> -> memref<80xi32, #tpu.memory_space<vmem>>
      %dma_start3A_1458 = arith.constant 0 : i32
      %dma_start3A_1459 = arith.constant 0 : i32
      %dma_start3A_1460 = tpu.memref_slice %arg8[%dma_start3A_1458, %dma_start3A_1459] : memref<10000x64xf32, #tpu.memory_space<vmem_shared>> -> memref<10000x64xf32, #tpu.memory_space<vmem_shared>>
      tpu.enqueue_indirect_dma source(%dma_start3A_1454 : memref<80x64xf32, #tpu.memory_space<vmem>>) target(%dma_start3A_1460 : memref<10000x64xf32, #tpu.memory_space<vmem_shared>>) offsets(%dma_start3A_1457 : memref<80xi32, #tpu.memory_space<vmem>>) semaphore(%arg18 : memref<!tpu.dma_semaphore, #tpu.memory_space<semaphore_mem>>) {add = true}
      %add3A_1461 = arith.constant 4 : i32
      %add3A_1462 = arith.addi %add3A_786, %add3A_1461 : i32
      %dma_wait3A_1463 = arith.constant 80 : i32
      %dma_wait3A_1464 = arith.constant 0 : i32
      %dma_wait3A_1465 = tpu.memref_slice %arg7[%dma_wait3A_1463, %dma_wait3A_1464] : memref<480x64xf32, #tpu.memory_space<vmem>> -> memref<80x64xf32, #tpu.memory_space<vmem>>
      %dma_wait3A_1466 = arith.constant 0 : i32
      %dma_wait3A_1467 = arith.constant 0 : i32
      %dma_wait3A_1468 = tpu.memref_slice %arg2[%dma_wait3A_1466, %dma_wait3A_1467] : memref<20000x64xf32, #tpu.memory_space<hbm>> -> memref<80x64xf32, #tpu.memory_space<hbm>>
      %dma_wait3A_1469 = arith.constant 80 : i32
      %dma_wait3A_1470 = arith.constant 0 : i32
      %dma_wait3A_1471 = tpu.memref_slice %arg7[%dma_wait3A_1469, %dma_wait3A_1470] : memref<480x64xf32, #tpu.memory_space<vmem>> -> memref<80x64xf32, #tpu.memory_space<vmem>>
      %dma_wait3A_1472 = arith.constant 0 : i32
      %dma_wait3A_1473 = arith.constant 0 : i32
      %dma_wait3A_1474 = tpu.memref_slice %arg2[%dma_wait3A_1472, %dma_wait3A_1473] : memref<20000x64xf32, #tpu.memory_space<hbm>> -> memref<80x64xf32, #tpu.memory_space<hbm>>
      tpu.wait_dma2 semaphore(%arg16 : memref<!tpu.dma_semaphore, #tpu.memory_space<semaphore_mem>>) src(%dma_wait3A_1474 : memref<80x64xf32, #tpu.memory_space<hbm>>) dst(%dma_wait3A_1471 : memref<80x64xf32, #tpu.memory_space<vmem>>)
      %add3A_1475 = arith.constant 3 : i32
      %add3A_1476 = arith.addi %add3A_1462, %add3A_1475 : i32
      %get3A_1477 = arith.index_cast %add3A_1476 : i32 to index
      %get3A_1478 = arith.constant 0 : index
      %get3A_1479 = tpu.vector_load %arg5[%get3A_1477, %get3A_1478] {strides = array<i32>} : memref<250x80xi32, #tpu.memory_space<vmem>>, vector<1x16xi32>,
      %get3A_1480 = vector.shape_cast %get3A_1479 : vector<1x16xi32> to vector<16xi32>
      %and3A_1481 = arith.constant 16383 : i32
      %and3A_1482 = vector.broadcast %and3A_1481 : i32 to vector<16xi32>
      %and3A_1483 = arith.andi %get3A_1480, %and3A_1482 : vector<16xi32>
      %swap3A_1484 = arith.constant 1 : i32
      %swap3A_1485 = arith.index_cast %swap3A_1484 : i32 to index
      %swap3A_1486 = arith.constant 0 : index
      %swap3A_1487 = tpu.vector_load %arg6[%swap3A_1485, %swap3A_1486] {strides = array<i32>} : memref<6x80xi32, #tpu.memory_space<vmem>>, vector<1x16xi32>,
      %swap3A_1488 = vector.shape_cast %swap3A_1487 : vector<1x16xi32> to vector<16xi32>
      %swap3A_1489 = vector.shape_cast %and3A_1483 : vector<16xi32> to vector<1x16xi32>
      tpu.vector_store %arg6[%swap3A_1485, %swap3A_1486], %swap3A_1489 {strides = array<i32>} : memref<6x80xi32, #tpu.memory_space<vmem>>, vector<1x16xi32>,
      %shift_right_arithmetic3A_1490 = arith.constant 14 : i32
      %shift_right_arithmetic3A_1491 = vector.broadcast %shift_right_arithmetic3A_1490 : i32 to vector<16xi32>
      %shift_right_arithmetic3A_1492 = arith.shrsi %get3A_1480, %shift_right_arithmetic3A_1491 : vector<16xi32>
      %mul3A_1493 = arith.constant 2 : i32
      %mul3A_1494 = vector.broadcast %mul3A_1493 : i32 to vector<16xi32>
      %mul3A_1495 = arith.muli %shift_right_arithmetic3A_1492, %mul3A_1494 : vector<16xi32>
      %add3A_1496 = vector.broadcast %arg0 : i32 to vector<16xi32>
      %add3A_1497 = arith.addi %mul3A_1495, %add3A_1496 : vector<16xi32>
      %swap3A_1498 = arith.index_cast %add3A_1476 : i32 to index
      %swap3A_1499 = arith.constant 0 : index
      %swap3A_1500 = tpu.vector_load %arg5[%swap3A_1498, %swap3A_1499] {strides = array<i32>} : memref<250x80xi32, #tpu.memory_space<vmem>>, vector<1x16xi32>,
      %swap3A_1501 = vector.shape_cast %swap3A_1500 : vector<1x16xi32> to vector<16xi32>
      %swap3A_1502 = vector.shape_cast %add3A_1497 : vector<16xi32> to vector<1x16xi32>
      tpu.vector_store %arg5[%swap3A_1498, %swap3A_1499], %swap3A_1502 {strides = array<i32>} : memref<250x80xi32, #tpu.memory_space<vmem>>, vector<1x16xi32>,
      %get3A_1503 = arith.index_cast %add3A_1476 : i32 to index
      %get3A_1504 = arith.constant 16 : index
      %get3A_1505 = tpu.vector_load %arg5[%get3A_1503, %get3A_1504] {strides = array<i32>} : memref<250x80xi32, #tpu.memory_space<vmem>>, vector<1x16xi32>,
      %get3A_1506 = vector.shape_cast %get3A_1505 : vector<1x16xi32> to vector<16xi32>
      %and3A_1507 = arith.constant 16383 : i32
      %and3A_1508 = vector.broadcast %and3A_1507 : i32 to vector<16xi32>
      %and3A_1509 = arith.andi %get3A_1506, %and3A_1508 : vector<16xi32>
      %swap3A_1510 = arith.constant 1 : i32
      %swap3A_1511 = arith.index_cast %swap3A_1510 : i32 to index
      %swap3A_1512 = arith.constant 16 : index
      %swap3A_1513 = tpu.vector_load %arg6[%swap3A_1511, %swap3A_1512] {strides = array<i32>} : memref<6x80xi32, #tpu.memory_space<vmem>>, vector<1x16xi32>,
      %swap3A_1514 = vector.shape_cast %swap3A_1513 : vector<1x16xi32> to vector<16xi32>
      %swap3A_1515 = vector.shape_cast %and3A_1509 : vector<16xi32> to vector<1x16xi32>
      tpu.vector_store %arg6[%swap3A_1511, %swap3A_1512], %swap3A_1515 {strides = array<i32>} : memref<6x80xi32, #tpu.memory_space<vmem>>, vector<1x16xi32>,
      %shift_right_arithmetic3A_1516 = arith.constant 14 : i32
      %shift_right_arithmetic3A_1517 = vector.broadcast %shift_right_arithmetic3A_1516 : i32 to vector<16xi32>
      %shift_right_arithmetic3A_1518 = arith.shrsi %get3A_1506, %shift_right_arithmetic3A_1517 : vector<16xi32>
      %mul3A_1519 = arith.constant 2 : i32
      %mul3A_1520 = vector.broadcast %mul3A_1519 : i32 to vector<16xi32>
      %mul3A_1521 = arith.muli %shift_right_arithmetic3A_1518, %mul3A_1520 : vector<16xi32>
      %add3A_1522 = vector.broadcast %arg0 : i32 to vector<16xi32>
      %add3A_1523 = arith.addi %mul3A_1521, %add3A_1522 : vector<16xi32>
      %swap3A_1524 = arith.index_cast %add3A_1476 : i32 to index
      %swap3A_1525 = arith.constant 16 : index
      %swap3A_1526 = tpu.vector_load %arg5[%swap3A_1524, %swap3A_1525] {strides = array<i32>} : memref<250x80xi32, #tpu.memory_space<vmem>>, vector<1x16xi32>,
      %swap3A_1527 = vector.shape_cast %swap3A_1526 : vector<1x16xi32> to vector<16xi32>
      %swap3A_1528 = vector.shape_cast %add3A_1523 : vector<16xi32> to vector<1x16xi32>
      tpu.vector_store %arg5[%swap3A_1524, %swap3A_1525], %swap3A_1528 {strides = array<i32>} : memref<250x80xi32, #tpu.memory_space<vmem>>, vector<1x16xi32>,
      %get3A_1529 = arith.index_cast %add3A_1476 : i32 to index
      %get3A_1530 = arith.constant 32 : index
      %get3A_1531 = tpu.vector_load %arg5[%get3A_1529, %get3A_1530] {strides = array<i32>} : memref<250x80xi32, #tpu.memory_space<vmem>>, vector<1x16xi32>,
      %get3A_1532 = vector.shape_cast %get3A_1531 : vector<1x16xi32> to vector<16xi32>
      %and3A_1533 = arith.constant 16383 : i32
      %and3A_1534 = vector.broadcast %and3A_1533 : i32 to vector<16xi32>
      %and3A_1535 = arith.andi %get3A_1532, %and3A_1534 : vector<16xi32>
      %swap3A_1536 = arith.constant 1 : i32
      %swap3A_1537 = arith.index_cast %swap3A_1536 : i32 to index
      %swap3A_1538 = arith.constant 32 : index
      %swap3A_1539 = tpu.vector_load %arg6[%swap3A_1537, %swap3A_1538] {strides = array<i32>} : memref<6x80xi32, #tpu.memory_space<vmem>>, vector<1x16xi32>,
      %swap3A_1540 = vector.shape_cast %swap3A_1539 : vector<1x16xi32> to vector<16xi32>
      %swap3A_1541 = vector.shape_cast %and3A_1535 : vector<16xi32> to vector<1x16xi32>
      tpu.vector_store %arg6[%swap3A_1537, %swap3A_1538], %swap3A_1541 {strides = array<i32>} : memref<6x80xi32, #tpu.memory_space<vmem>>, vector<1x16xi32>,
      %shift_right_arithmetic3A_1542 = arith.constant 14 : i32
      %shift_right_arithmetic3A_1543 = vector.broadcast %shift_right_arithmetic3A_1542 : i32 to vector<16xi32>
      %shift_right_arithmetic3A_1544 = arith.shrsi %get3A_1532, %shift_right_arithmetic3A_1543 : vector<16xi32>
      %mul3A_1545 = arith.constant 2 : i32
      %mul3A_1546 = vector.broadcast %mul3A_1545 : i32 to vector<16xi32>
      %mul3A_1547 = arith.muli %shift_right_arithmetic3A_1544, %mul3A_1546 : vector<16xi32>
      %add3A_1548 = vector.broadcast %arg0 : i32 to vector<16xi32>
      %add3A_1549 = arith.addi %mul3A_1547, %add3A_1548 : vector<16xi32>
      %swap3A_1550 = arith.index_cast %add3A_1476 : i32 to index
      %swap3A_1551 = arith.constant 32 : index
      %swap3A_1552 = tpu.vector_load %arg5[%swap3A_1550, %swap3A_1551] {strides = array<i32>} : memref<250x80xi32, #tpu.memory_space<vmem>>, vector<1x16xi32>,
      %swap3A_1553 = vector.shape_cast %swap3A_1552 : vector<1x16xi32> to vector<16xi32>
      %swap3A_1554 = vector.shape_cast %add3A_1549 : vector<16xi32> to vector<1x16xi32>
      tpu.vector_store %arg5[%swap3A_1550, %swap3A_1551], %swap3A_1554 {strides = array<i32>} : memref<250x80xi32, #tpu.memory_space<vmem>>, vector<1x16xi32>,
      %get3A_1555 = arith.index_cast %add3A_1476 : i32 to index
      %get3A_1556 = arith.constant 48 : index
      %get3A_1557 = tpu.vector_load %arg5[%get3A_1555, %get3A_1556] {strides = array<i32>} : memref<250x80xi32, #tpu.memory_space<vmem>>, vector<1x16xi32>,
      %get3A_1558 = vector.shape_cast %get3A_1557 : vector<1x16xi32> to vector<16xi32>
      %and3A_1559 = arith.constant 16383 : i32
      %and3A_1560 = vector.broadcast %and3A_1559 : i32 to vector<16xi32>
      %and3A_1561 = arith.andi %get3A_1558, %and3A_1560 : vector<16xi32>
      %swap3A_1562 = arith.constant 1 : i32
      %swap3A_1563 = arith.index_cast %swap3A_1562 : i32 to index
      %swap3A_1564 = arith.constant 48 : index
      %swap3A_1565 = tpu.vector_load %arg6[%swap3A_1563, %swap3A_1564] {strides = array<i32>} : memref<6x80xi32, #tpu.memory_space<vmem>>, vector<1x16xi32>,
      %swap3A_1566 = vector.shape_cast %swap3A_1565 : vector<1x16xi32> to vector<16xi32>
      %swap3A_1567 = vector.shape_cast %and3A_1561 : vector<16xi32> to vector<1x16xi32>
      tpu.vector_store %arg6[%swap3A_1563, %swap3A_1564], %swap3A_1567 {strides = array<i32>} : memref<6x80xi32, #tpu.memory_space<vmem>>, vector<1x16xi32>,
      %shift_right_arithmetic3A_1568 = arith.constant 14 : i32
      %shift_right_arithmetic3A_1569 = vector.broadcast %shift_right_arithmetic3A_1568 : i32 to vector<16xi32>
      %shift_right_arithmetic3A_1570 = arith.shrsi %get3A_1558, %shift_right_arithmetic3A_1569 : vector<16xi32>
      %mul3A_1571 = arith.constant 2 : i32
      %mul3A_1572 = vector.broadcast %mul3A_1571 : i32 to vector<16xi32>
      %mul3A_1573 = arith.muli %shift_right_arithmetic3A_1570, %mul3A_1572 : vector<16xi32>
      %add3A_1574 = vector.broadcast %arg0 : i32 to vector<16xi32>
      %add3A_1575 = arith.addi %mul3A_1573, %add3A_1574 : vector<16xi32>
      %swap3A_1576 = arith.index_cast %add3A_1476 : i32 to index
      %swap3A_1577 = arith.constant 48 : index
      %swap3A_1578 = tpu.vector_load %arg5[%swap3A_1576, %swap3A_1577] {strides = array<i32>} : memref<250x80xi32, #tpu.memory_space<vmem>>, vector<1x16xi32>,
      %swap3A_1579 = vector.shape_cast %swap3A_1578 : vector<1x16xi32> to vector<16xi32>
      %swap3A_1580 = vector.shape_cast %add3A_1575 : vector<16xi32> to vector<1x16xi32>
      tpu.vector_store %arg5[%swap3A_1576, %swap3A_1577], %swap3A_1580 {strides = array<i32>} : memref<250x80xi32, #tpu.memory_space<vmem>>, vector<1x16xi32>,
      %get3A_1581 = arith.index_cast %add3A_1476 : i32 to index
      %get3A_1582 = arith.constant 64 : index
      %get3A_1583 = tpu.vector_load %arg5[%get3A_1581, %get3A_1582] {strides = array<i32>} : memref<250x80xi32, #tpu.memory_space<vmem>>, vector<1x16xi32>,
      %get3A_1584 = vector.shape_cast %get3A_1583 : vector<1x16xi32> to vector<16xi32>
      %and3A_1585 = arith.constant 16383 : i32
      %and3A_1586 = vector.broadcast %and3A_1585 : i32 to vector<16xi32>
      %and3A_1587 = arith.andi %get3A_1584, %and3A_1586 : vector<16xi32>
      %swap3A_1588 = arith.constant 1 : i32
      %swap3A_1589 = arith.index_cast %swap3A_1588 : i32 to index
      %swap3A_1590 = arith.constant 64 : index
      %swap3A_1591 = tpu.vector_load %arg6[%swap3A_1589, %swap3A_1590] {strides = array<i32>} : memref<6x80xi32, #tpu.memory_space<vmem>>, vector<1x16xi32>,
      %swap3A_1592 = vector.shape_cast %swap3A_1591 : vector<1x16xi32> to vector<16xi32>
      %swap3A_1593 = vector.shape_cast %and3A_1587 : vector<16xi32> to vector<1x16xi32>
      tpu.vector_store %arg6[%swap3A_1589, %swap3A_1590], %swap3A_1593 {strides = array<i32>} : memref<6x80xi32, #tpu.memory_space<vmem>>, vector<1x16xi32>,
      %shift_right_arithmetic3A_1594 = arith.constant 14 : i32
      %shift_right_arithmetic3A_1595 = vector.broadcast %shift_right_arithmetic3A_1594 : i32 to vector<16xi32>
      %shift_right_arithmetic3A_1596 = arith.shrsi %get3A_1584, %shift_right_arithmetic3A_1595 : vector<16xi32>
      %mul3A_1597 = arith.constant 2 : i32
      %mul3A_1598 = vector.broadcast %mul3A_1597 : i32 to vector<16xi32>
      %mul3A_1599 = arith.muli %shift_right_arithmetic3A_1596, %mul3A_1598 : vector<16xi32>
      %add3A_1600 = vector.broadcast %arg0 : i32 to vector<16xi32>
      %add3A_1601 = arith.addi %mul3A_1599, %add3A_1600 : vector<16xi32>
      %swap3A_1602 = arith.index_cast %add3A_1476 : i32 to index
      %swap3A_1603 = arith.constant 64 : index
      %swap3A_1604 = tpu.vector_load %arg5[%swap3A_1602, %swap3A_1603] {strides = array<i32>} : memref<250x80xi32, #tpu.memory_space<vmem>>, vector<1x16xi32>,
      %swap3A_1605 = vector.shape_cast %swap3A_1604 : vector<1x16xi32> to vector<16xi32>
      %swap3A_1606 = vector.shape_cast %add3A_1601 : vector<16xi32> to vector<1x16xi32>
      tpu.vector_store %arg5[%swap3A_1602, %swap3A_1603], %swap3A_1606 {strides = array<i32>} : memref<250x80xi32, #tpu.memory_space<vmem>>, vector<1x16xi32>,
      %dma_start3A_1607 = arith.constant 80 : i32
      %dma_start3A_1608 = arith.constant 0 : i32
      %dma_start3A_1609 = tpu.memref_slice %arg7[%dma_start3A_1607, %dma_start3A_1608] : memref<480x64xf32, #tpu.memory_space<vmem>> -> memref<80x64xf32, #tpu.memory_space<vmem>>
      %dma_start3A_1610 = arith.constant 0 : i32
      %dma_start3A_1611 = tpu.memref_slice %arg5[%add3A_1476, %dma_start3A_1610] : memref<250x80xi32, #tpu.memory_space<vmem>> -> memref<1x80xi32, #tpu.memory_space<vmem>>
      %dma_start3A_1612 = tpu.memref_squeeze %dma_start3A_1611 : memref<1x80xi32, #tpu.memory_space<vmem>> -> memref<80xi32, #tpu.memory_space<vmem>>
      %dma_start3A_1613 = arith.constant 0 : i32
      %dma_start3A_1614 = arith.constant 0 : i32
      %dma_start3A_1615 = tpu.memref_slice %arg2[%dma_start3A_1613, %dma_start3A_1614] : memref<20000x64xf32, #tpu.memory_space<hbm>> -> memref<20000x64xf32, #tpu.memory_space<hbm>>
      tpu.enqueue_indirect_dma source(%dma_start3A_1615 : memref<20000x64xf32, #tpu.memory_space<hbm>>) target(%dma_start3A_1609 : memref<80x64xf32, #tpu.memory_space<vmem>>) offsets(%dma_start3A_1612 : memref<80xi32, #tpu.memory_space<vmem>>) semaphore(%arg10 : memref<!tpu.dma_semaphore, #tpu.memory_space<semaphore_mem>>)
      %dma_wait3A_1616 = arith.constant 320 : i32
      %dma_wait3A_1617 = arith.constant 0 : i32
      %dma_wait3A_1618 = tpu.memref_slice %arg7[%dma_wait3A_1616, %dma_wait3A_1617] : memref<480x64xf32, #tpu.memory_space<vmem>> -> memref<80x64xf32, #tpu.memory_space<vmem>>
      %dma_wait3A_1619 = arith.constant 0 : i32
      %dma_wait3A_1620 = tpu.memref_slice %arg5[%add3A_1462, %dma_wait3A_1619] : memref<250x80xi32, #tpu.memory_space<vmem>> -> memref<1x80xi32, #tpu.memory_space<vmem>>
      %dma_wait3A_1621 = tpu.memref_squeeze %dma_wait3A_1620 : memref<1x80xi32, #tpu.memory_space<vmem>> -> memref<80xi32, #tpu.memory_space<vmem>>
      %dma_wait3A_1622 = arith.constant 0 : i32
      %dma_wait3A_1623 = arith.constant 0 : i32
      %dma_wait3A_1624 = tpu.memref_slice %arg2[%dma_wait3A_1622, %dma_wait3A_1623] : memref<20000x64xf32, #tpu.memory_space<hbm>> -> memref<20000x64xf32, #tpu.memory_space<hbm>>
      tpu.wait_indirect_dma semaphore(%arg13 : memref<!tpu.dma_semaphore, #tpu.memory_space<semaphore_mem>>) src(%dma_wait3A_1624 : memref<20000x64xf32, #tpu.memory_space<hbm>>) dst(%dma_wait3A_1618 : memref<80x64xf32, #tpu.memory_space<vmem>>)
      %dma_start3A_1625 = arith.constant 4 : i32
      %dma_start3A_1626 = arith.constant 320 : i32
      %dma_start3A_1627 = arith.constant 0 : i32
      %dma_start3A_1628 = tpu.memref_slice %arg7[%dma_start3A_1626, %dma_start3A_1627] : memref<480x64xf32, #tpu.memory_space<vmem>> -> memref<80x64xf32, #tpu.memory_space<vmem>>
      %dma_start3A_1629 = arith.constant 0 : i32
      %dma_start3A_1630 = tpu.memref_slice %arg6[%dma_start3A_1625, %dma_start3A_1629] : memref<6x80xi32, #tpu.memory_space<vmem>> -> memref<1x80xi32, #tpu.memory_space<vmem>>
      %dma_start3A_1631 = tpu.memref_squeeze %dma_start3A_1630 : memref<1x80xi32, #tpu.memory_space<vmem>> -> memref<80xi32, #tpu.memory_space<vmem>>
      %dma_start3A_1632 = arith.constant 0 : i32
      %dma_start3A_1633 = arith.constant 0 : i32
      %dma_start3A_1634 = tpu.memref_slice %arg8[%dma_start3A_1632, %dma_start3A_1633] : memref<10000x64xf32, #tpu.memory_space<vmem_shared>> -> memref<10000x64xf32, #tpu.memory_space<vmem_shared>>
      tpu.enqueue_indirect_dma source(%dma_start3A_1628 : memref<80x64xf32, #tpu.memory_space<vmem>>) target(%dma_start3A_1634 : memref<10000x64xf32, #tpu.memory_space<vmem_shared>>) offsets(%dma_start3A_1631 : memref<80xi32, #tpu.memory_space<vmem>>) semaphore(%arg19 : memref<!tpu.dma_semaphore, #tpu.memory_space<semaphore_mem>>) {add = true}
      %add3A_1635 = arith.constant 5 : i32
      %add3A_1636 = arith.addi %add3A_786, %add3A_1635 : i32
      %dma_wait3A_1637 = arith.constant 160 : i32
      %dma_wait3A_1638 = arith.constant 0 : i32
      %dma_wait3A_1639 = tpu.memref_slice %arg7[%dma_wait3A_1637, %dma_wait3A_1638] : memref<480x64xf32, #tpu.memory_space<vmem>> -> memref<80x64xf32, #tpu.memory_space<vmem>>
      %dma_wait3A_1640 = arith.constant 0 : i32
      %dma_wait3A_1641 = arith.constant 0 : i32
      %dma_wait3A_1642 = tpu.memref_slice %arg2[%dma_wait3A_1640, %dma_wait3A_1641] : memref<20000x64xf32, #tpu.memory_space<hbm>> -> memref<80x64xf32, #tpu.memory_space<hbm>>
      %dma_wait3A_1643 = arith.constant 160 : i32
      %dma_wait3A_1644 = arith.constant 0 : i32
      %dma_wait3A_1645 = tpu.memref_slice %arg7[%dma_wait3A_1643, %dma_wait3A_1644] : memref<480x64xf32, #tpu.memory_space<vmem>> -> memref<80x64xf32, #tpu.memory_space<vmem>>
      %dma_wait3A_1646 = arith.constant 0 : i32
      %dma_wait3A_1647 = arith.constant 0 : i32
      %dma_wait3A_1648 = tpu.memref_slice %arg2[%dma_wait3A_1646, %dma_wait3A_1647] : memref<20000x64xf32, #tpu.memory_space<hbm>> -> memref<80x64xf32, #tpu.memory_space<hbm>>
      tpu.wait_dma2 semaphore(%arg17 : memref<!tpu.dma_semaphore, #tpu.memory_space<semaphore_mem>>) src(%dma_wait3A_1648 : memref<80x64xf32, #tpu.memory_space<hbm>>) dst(%dma_wait3A_1645 : memref<80x64xf32, #tpu.memory_space<vmem>>)
      %add3A_1649 = arith.constant 3 : i32
      %add3A_1650 = arith.addi %add3A_1636, %add3A_1649 : i32
      %get3A_1651 = arith.index_cast %add3A_1650 : i32 to index
      %get3A_1652 = arith.constant 0 : index
      %get3A_1653 = tpu.vector_load %arg5[%get3A_1651, %get3A_1652] {strides = array<i32>} : memref<250x80xi32, #tpu.memory_space<vmem>>, vector<1x16xi32>,
      %get3A_1654 = vector.shape_cast %get3A_1653 : vector<1x16xi32> to vector<16xi32>
      %and3A_1655 = arith.constant 16383 : i32
      %and3A_1656 = vector.broadcast %and3A_1655 : i32 to vector<16xi32>
      %and3A_1657 = arith.andi %get3A_1654, %and3A_1656 : vector<16xi32>
      %swap3A_1658 = arith.constant 2 : i32
      %swap3A_1659 = arith.index_cast %swap3A_1658 : i32 to index
      %swap3A_1660 = arith.constant 0 : index
      %swap3A_1661 = tpu.vector_load %arg6[%swap3A_1659, %swap3A_1660] {strides = array<i32>} : memref<6x80xi32, #tpu.memory_space<vmem>>, vector<1x16xi32>,
      %swap3A_1662 = vector.shape_cast %swap3A_1661 : vector<1x16xi32> to vector<16xi32>
      %swap3A_1663 = vector.shape_cast %and3A_1657 : vector<16xi32> to vector<1x16xi32>
      tpu.vector_store %arg6[%swap3A_1659, %swap3A_1660], %swap3A_1663 {strides = array<i32>} : memref<6x80xi32, #tpu.memory_space<vmem>>, vector<1x16xi32>,
      %shift_right_arithmetic3A_1664 = arith.constant 14 : i32
      %shift_right_arithmetic3A_1665 = vector.broadcast %shift_right_arithmetic3A_1664 : i32 to vector<16xi32>
      %shift_right_arithmetic3A_1666 = arith.shrsi %get3A_1654, %shift_right_arithmetic3A_1665 : vector<16xi32>
      %mul3A_1667 = arith.constant 2 : i32
      %mul3A_1668 = vector.broadcast %mul3A_1667 : i32 to vector<16xi32>
      %mul3A_1669 = arith.muli %shift_right_arithmetic3A_1666, %mul3A_1668 : vector<16xi32>
      %add3A_1670 = vector.broadcast %arg0 : i32 to vector<16xi32>
      %add3A_1671 = arith.addi %mul3A_1669, %add3A_1670 : vector<16xi32>
      %swap3A_1672 = arith.index_cast %add3A_1650 : i32 to index
      %swap3A_1673 = arith.constant 0 : index
      %swap3A_1674 = tpu.vector_load %arg5[%swap3A_1672, %swap3A_1673] {strides = array<i32>} : memref<250x80xi32, #tpu.memory_space<vmem>>, vector<1x16xi32>,
      %swap3A_1675 = vector.shape_cast %swap3A_1674 : vector<1x16xi32> to vector<16xi32>
      %swap3A_1676 = vector.shape_cast %add3A_1671 : vector<16xi32> to vector<1x16xi32>
      tpu.vector_store %arg5[%swap3A_1672, %swap3A_1673], %swap3A_1676 {strides = array<i32>} : memref<250x80xi32, #tpu.memory_space<vmem>>, vector<1x16xi32>,
      %get3A_1677 = arith.index_cast %add3A_1650 : i32 to index
      %get3A_1678 = arith.constant 16 : index
      %get3A_1679 = tpu.vector_load %arg5[%get3A_1677, %get3A_1678] {strides = array<i32>} : memref<250x80xi32, #tpu.memory_space<vmem>>, vector<1x16xi32>,
      %get3A_1680 = vector.shape_cast %get3A_1679 : vector<1x16xi32> to vector<16xi32>
      %and3A_1681 = arith.constant 16383 : i32
      %and3A_1682 = vector.broadcast %and3A_1681 : i32 to vector<16xi32>
      %and3A_1683 = arith.andi %get3A_1680, %and3A_1682 : vector<16xi32>
      %swap3A_1684 = arith.constant 2 : i32
      %swap3A_1685 = arith.index_cast %swap3A_1684 : i32 to index
      %swap3A_1686 = arith.constant 16 : index
      %swap3A_1687 = tpu.vector_load %arg6[%swap3A_1685, %swap3A_1686] {strides = array<i32>} : memref<6x80xi32, #tpu.memory_space<vmem>>, vector<1x16xi32>,
      %swap3A_1688 = vector.shape_cast %swap3A_1687 : vector<1x16xi32> to vector<16xi32>
      %swap3A_1689 = vector.shape_cast %and3A_1683 : vector<16xi32> to vector<1x16xi32>
      tpu.vector_store %arg6[%swap3A_1685, %swap3A_1686], %swap3A_1689 {strides = array<i32>} : memref<6x80xi32, #tpu.memory_space<vmem>>, vector<1x16xi32>,
      %shift_right_arithmetic3A_1690 = arith.constant 14 : i32
      %shift_right_arithmetic3A_1691 = vector.broadcast %shift_right_arithmetic3A_1690 : i32 to vector<16xi32>
      %shift_right_arithmetic3A_1692 = arith.shrsi %get3A_1680, %shift_right_arithmetic3A_1691 : vector<16xi32>
      %mul3A_1693 = arith.constant 2 : i32
      %mul3A_1694 = vector.broadcast %mul3A_1693 : i32 to vector<16xi32>
      %mul3A_1695 = arith.muli %shift_right_arithmetic3A_1692, %mul3A_1694 : vector<16xi32>
      %add3A_1696 = vector.broadcast %arg0 : i32 to vector<16xi32>
      %add3A_1697 = arith.addi %mul3A_1695, %add3A_1696 : vector<16xi32>
      %swap3A_1698 = arith.index_cast %add3A_1650 : i32 to index
      %swap3A_1699 = arith.constant 16 : index
      %swap3A_1700 = tpu.vector_load %arg5[%swap3A_1698, %swap3A_1699] {strides = array<i32>} : memref<250x80xi32, #tpu.memory_space<vmem>>, vector<1x16xi32>,
      %swap3A_1701 = vector.shape_cast %swap3A_1700 : vector<1x16xi32> to vector<16xi32>
      %swap3A_1702 = vector.shape_cast %add3A_1697 : vector<16xi32> to vector<1x16xi32>
      tpu.vector_store %arg5[%swap3A_1698, %swap3A_1699], %swap3A_1702 {strides = array<i32>} : memref<250x80xi32, #tpu.memory_space<vmem>>, vector<1x16xi32>,
      %get3A_1703 = arith.index_cast %add3A_1650 : i32 to index
      %get3A_1704 = arith.constant 32 : index
      %get3A_1705 = tpu.vector_load %arg5[%get3A_1703, %get3A_1704] {strides = array<i32>} : memref<250x80xi32, #tpu.memory_space<vmem>>, vector<1x16xi32>,
      %get3A_1706 = vector.shape_cast %get3A_1705 : vector<1x16xi32> to vector<16xi32>
      %and3A_1707 = arith.constant 16383 : i32
      %and3A_1708 = vector.broadcast %and3A_1707 : i32 to vector<16xi32>
      %and3A_1709 = arith.andi %get3A_1706, %and3A_1708 : vector<16xi32>
      %swap3A_1710 = arith.constant 2 : i32
      %swap3A_1711 = arith.index_cast %swap3A_1710 : i32 to index
      %swap3A_1712 = arith.constant 32 : index
      %swap3A_1713 = tpu.vector_load %arg6[%swap3A_1711, %swap3A_1712] {strides = array<i32>} : memref<6x80xi32, #tpu.memory_space<vmem>>, vector<1x16xi32>,
      %swap3A_1714 = vector.shape_cast %swap3A_1713 : vector<1x16xi32> to vector<16xi32>
      %swap3A_1715 = vector.shape_cast %and3A_1709 : vector<16xi32> to vector<1x16xi32>
      tpu.vector_store %arg6[%swap3A_1711, %swap3A_1712], %swap3A_1715 {strides = array<i32>} : memref<6x80xi32, #tpu.memory_space<vmem>>, vector<1x16xi32>,
      %shift_right_arithmetic3A_1716 = arith.constant 14 : i32
      %shift_right_arithmetic3A_1717 = vector.broadcast %shift_right_arithmetic3A_1716 : i32 to vector<16xi32>
      %shift_right_arithmetic3A_1718 = arith.shrsi %get3A_1706, %shift_right_arithmetic3A_1717 : vector<16xi32>
      %mul3A_1719 = arith.constant 2 : i32
      %mul3A_1720 = vector.broadcast %mul3A_1719 : i32 to vector<16xi32>
      %mul3A_1721 = arith.muli %shift_right_arithmetic3A_1718, %mul3A_1720 : vector<16xi32>
      %add3A_1722 = vector.broadcast %arg0 : i32 to vector<16xi32>
      %add3A_1723 = arith.addi %mul3A_1721, %add3A_1722 : vector<16xi32>
      %swap3A_1724 = arith.index_cast %add3A_1650 : i32 to index
      %swap3A_1725 = arith.constant 32 : index
      %swap3A_1726 = tpu.vector_load %arg5[%swap3A_1724, %swap3A_1725] {strides = array<i32>} : memref<250x80xi32, #tpu.memory_space<vmem>>, vector<1x16xi32>,
      %swap3A_1727 = vector.shape_cast %swap3A_1726 : vector<1x16xi32> to vector<16xi32>
      %swap3A_1728 = vector.shape_cast %add3A_1723 : vector<16xi32> to vector<1x16xi32>
      tpu.vector_store %arg5[%swap3A_1724, %swap3A_1725], %swap3A_1728 {strides = array<i32>} : memref<250x80xi32, #tpu.memory_space<vmem>>, vector<1x16xi32>,
      %get3A_1729 = arith.index_cast %add3A_1650 : i32 to index
      %get3A_1730 = arith.constant 48 : index
      %get3A_1731 = tpu.vector_load %arg5[%get3A_1729, %get3A_1730] {strides = array<i32>} : memref<250x80xi32, #tpu.memory_space<vmem>>, vector<1x16xi32>,
      %get3A_1732 = vector.shape_cast %get3A_1731 : vector<1x16xi32> to vector<16xi32>
      %and3A_1733 = arith.constant 16383 : i32
      %and3A_1734 = vector.broadcast %and3A_1733 : i32 to vector<16xi32>
      %and3A_1735 = arith.andi %get3A_1732, %and3A_1734 : vector<16xi32>
      %swap3A_1736 = arith.constant 2 : i32
      %swap3A_1737 = arith.index_cast %swap3A_1736 : i32 to index
      %swap3A_1738 = arith.constant 48 : index
      %swap3A_1739 = tpu.vector_load %arg6[%swap3A_1737, %swap3A_1738] {strides = array<i32>} : memref<6x80xi32, #tpu.memory_space<vmem>>, vector<1x16xi32>,
      %swap3A_1740 = vector.shape_cast %swap3A_1739 : vector<1x16xi32> to vector<16xi32>
      %swap3A_1741 = vector.shape_cast %and3A_1735 : vector<16xi32> to vector<1x16xi32>
      tpu.vector_store %arg6[%swap3A_1737, %swap3A_1738], %swap3A_1741 {strides = array<i32>} : memref<6x80xi32, #tpu.memory_space<vmem>>, vector<1x16xi32>,
      %shift_right_arithmetic3A_1742 = arith.constant 14 : i32
      %shift_right_arithmetic3A_1743 = vector.broadcast %shift_right_arithmetic3A_1742 : i32 to vector<16xi32>
      %shift_right_arithmetic3A_1744 = arith.shrsi %get3A_1732, %shift_right_arithmetic3A_1743 : vector<16xi32>
      %mul3A_1745 = arith.constant 2 : i32
      %mul3A_1746 = vector.broadcast %mul3A_1745 : i32 to vector<16xi32>
      %mul3A_1747 = arith.muli %shift_right_arithmetic3A_1744, %mul3A_1746 : vector<16xi32>
      %add3A_1748 = vector.broadcast %arg0 : i32 to vector<16xi32>
      %add3A_1749 = arith.addi %mul3A_1747, %add3A_1748 : vector<16xi32>
      %swap3A_1750 = arith.index_cast %add3A_1650 : i32 to index
      %swap3A_1751 = arith.constant 48 : index
      %swap3A_1752 = tpu.vector_load %arg5[%swap3A_1750, %swap3A_1751] {strides = array<i32>} : memref<250x80xi32, #tpu.memory_space<vmem>>, vector<1x16xi32>,
      %swap3A_1753 = vector.shape_cast %swap3A_1752 : vector<1x16xi32> to vector<16xi32>
      %swap3A_1754 = vector.shape_cast %add3A_1749 : vector<16xi32> to vector<1x16xi32>
      tpu.vector_store %arg5[%swap3A_1750, %swap3A_1751], %swap3A_1754 {strides = array<i32>} : memref<250x80xi32, #tpu.memory_space<vmem>>, vector<1x16xi32>,
      %get3A_1755 = arith.index_cast %add3A_1650 : i32 to index
      %get3A_1756 = arith.constant 64 : index
      %get3A_1757 = tpu.vector_load %arg5[%get3A_1755, %get3A_1756] {strides = array<i32>} : memref<250x80xi32, #tpu.memory_space<vmem>>, vector<1x16xi32>,
      %get3A_1758 = vector.shape_cast %get3A_1757 : vector<1x16xi32> to vector<16xi32>
      %and3A_1759 = arith.constant 16383 : i32
      %and3A_1760 = vector.broadcast %and3A_1759 : i32 to vector<16xi32>
      %and3A_1761 = arith.andi %get3A_1758, %and3A_1760 : vector<16xi32>
      %swap3A_1762 = arith.constant 2 : i32
      %swap3A_1763 = arith.index_cast %swap3A_1762 : i32 to index
      %swap3A_1764 = arith.constant 64 : index
      %swap3A_1765 = tpu.vector_load %arg6[%swap3A_1763, %swap3A_1764] {strides = array<i32>} : memref<6x80xi32, #tpu.memory_space<vmem>>, vector<1x16xi32>,
      %swap3A_1766 = vector.shape_cast %swap3A_1765 : vector<1x16xi32> to vector<16xi32>
      %swap3A_1767 = vector.shape_cast %and3A_1761 : vector<16xi32> to vector<1x16xi32>
      tpu.vector_store %arg6[%swap3A_1763, %swap3A_1764], %swap3A_1767 {strides = array<i32>} : memref<6x80xi32, #tpu.memory_space<vmem>>, vector<1x16xi32>,
      %shift_right_arithmetic3A_1768 = arith.constant 14 : i32
      %shift_right_arithmetic3A_1769 = vector.broadcast %shift_right_arithmetic3A_1768 : i32 to vector<16xi32>
      %shift_right_arithmetic3A_1770 = arith.shrsi %get3A_1758, %shift_right_arithmetic3A_1769 : vector<16xi32>
      %mul3A_1771 = arith.constant 2 : i32
      %mul3A_1772 = vector.broadcast %mul3A_1771 : i32 to vector<16xi32>
      %mul3A_1773 = arith.muli %shift_right_arithmetic3A_1770, %mul3A_1772 : vector<16xi32>
      %add3A_1774 = vector.broadcast %arg0 : i32 to vector<16xi32>
      %add3A_1775 = arith.addi %mul3A_1773, %add3A_1774 : vector<16xi32>
      %swap3A_1776 = arith.index_cast %add3A_1650 : i32 to index
      %swap3A_1777 = arith.constant 64 : index
      %swap3A_1778 = tpu.vector_load %arg5[%swap3A_1776, %swap3A_1777] {strides = array<i32>} : memref<250x80xi32, #tpu.memory_space<vmem>>, vector<1x16xi32>,
      %swap3A_1779 = vector.shape_cast %swap3A_1778 : vector<1x16xi32> to vector<16xi32>
      %swap3A_1780 = vector.shape_cast %add3A_1775 : vector<16xi32> to vector<1x16xi32>
      tpu.vector_store %arg5[%swap3A_1776, %swap3A_1777], %swap3A_1780 {strides = array<i32>} : memref<250x80xi32, #tpu.memory_space<vmem>>, vector<1x16xi32>,
      %dma_start3A_1781 = arith.constant 160 : i32
      %dma_start3A_1782 = arith.constant 0 : i32
      %dma_start3A_1783 = tpu.memref_slice %arg7[%dma_start3A_1781, %dma_start3A_1782] : memref<480x64xf32, #tpu.memory_space<vmem>> -> memref<80x64xf32, #tpu.memory_space<vmem>>
      %dma_start3A_1784 = arith.constant 0 : i32
      %dma_start3A_1785 = tpu.memref_slice %arg5[%add3A_1650, %dma_start3A_1784] : memref<250x80xi32, #tpu.memory_space<vmem>> -> memref<1x80xi32, #tpu.memory_space<vmem>>
      %dma_start3A_1786 = tpu.memref_squeeze %dma_start3A_1785 : memref<1x80xi32, #tpu.memory_space<vmem>> -> memref<80xi32, #tpu.memory_space<vmem>>
      %dma_start3A_1787 = arith.constant 0 : i32
      %dma_start3A_1788 = arith.constant 0 : i32
      %dma_start3A_1789 = tpu.memref_slice %arg2[%dma_start3A_1787, %dma_start3A_1788] : memref<20000x64xf32, #tpu.memory_space<hbm>> -> memref<20000x64xf32, #tpu.memory_space<hbm>>
      tpu.enqueue_indirect_dma source(%dma_start3A_1789 : memref<20000x64xf32, #tpu.memory_space<hbm>>) target(%dma_start3A_1783 : memref<80x64xf32, #tpu.memory_space<vmem>>) offsets(%dma_start3A_1786 : memref<80xi32, #tpu.memory_space<vmem>>) semaphore(%arg11 : memref<!tpu.dma_semaphore, #tpu.memory_space<semaphore_mem>>)
      %dma_wait3A_1790 = arith.constant 400 : i32
      %dma_wait3A_1791 = arith.constant 0 : i32
      %dma_wait3A_1792 = tpu.memref_slice %arg7[%dma_wait3A_1790, %dma_wait3A_1791] : memref<480x64xf32, #tpu.memory_space<vmem>> -> memref<80x64xf32, #tpu.memory_space<vmem>>
      %dma_wait3A_1793 = arith.constant 0 : i32
      %dma_wait3A_1794 = tpu.memref_slice %arg5[%add3A_1636, %dma_wait3A_1793] : memref<250x80xi32, #tpu.memory_space<vmem>> -> memref<1x80xi32, #tpu.memory_space<vmem>>
      %dma_wait3A_1795 = tpu.memref_squeeze %dma_wait3A_1794 : memref<1x80xi32, #tpu.memory_space<vmem>> -> memref<80xi32, #tpu.memory_space<vmem>>
      %dma_wait3A_1796 = arith.constant 0 : i32
      %dma_wait3A_1797 = arith.constant 0 : i32
      %dma_wait3A_1798 = tpu.memref_slice %arg2[%dma_wait3A_1796, %dma_wait3A_1797] : memref<20000x64xf32, #tpu.memory_space<hbm>> -> memref<20000x64xf32, #tpu.memory_space<hbm>>
      tpu.wait_indirect_dma semaphore(%arg14 : memref<!tpu.dma_semaphore, #tpu.memory_space<semaphore_mem>>) src(%dma_wait3A_1798 : memref<20000x64xf32, #tpu.memory_space<hbm>>) dst(%dma_wait3A_1792 : memref<80x64xf32, #tpu.memory_space<vmem>>)
      %dma_start3A_1799 = arith.constant 5 : i32
      %dma_start3A_1800 = arith.constant 400 : i32
      %dma_start3A_1801 = arith.constant 0 : i32
      %dma_start3A_1802 = tpu.memref_slice %arg7[%dma_start3A_1800, %dma_start3A_1801] : memref<480x64xf32, #tpu.memory_space<vmem>> -> memref<80x64xf32, #tpu.memory_space<vmem>>
      %dma_start3A_1803 = arith.constant 0 : i32
      %dma_start3A_1804 = tpu.memref_slice %arg6[%dma_start3A_1799, %dma_start3A_1803] : memref<6x80xi32, #tpu.memory_space<vmem>> -> memref<1x80xi32, #tpu.memory_space<vmem>>
      %dma_start3A_1805 = tpu.memref_squeeze %dma_start3A_1804 : memref<1x80xi32, #tpu.memory_space<vmem>> -> memref<80xi32, #tpu.memory_space<vmem>>
      %dma_start3A_1806 = arith.constant 0 : i32
      %dma_start3A_1807 = arith.constant 0 : i32
      %dma_start3A_1808 = tpu.memref_slice %arg8[%dma_start3A_1806, %dma_start3A_1807] : memref<10000x64xf32, #tpu.memory_space<vmem_shared>> -> memref<10000x64xf32, #tpu.memory_space<vmem_shared>>
      tpu.enqueue_indirect_dma source(%dma_start3A_1802 : memref<80x64xf32, #tpu.memory_space<vmem>>) target(%dma_start3A_1808 : memref<10000x64xf32, #tpu.memory_space<vmem_shared>>) offsets(%dma_start3A_1805 : memref<80xi32, #tpu.memory_space<vmem>>) semaphore(%arg20 : memref<!tpu.dma_semaphore, #tpu.memory_space<semaphore_mem>>) {add = true}
    }
    %scan3A_460 = arith.constant 41 : i32
    %dma_wait3A = arith.constant 240 : i32
    %dma_wait3A_461 = arith.constant 0 : i32
    %dma_wait3A_462 = tpu.memref_slice %arg7[%dma_wait3A, %dma_wait3A_461] : memref<480x64xf32, #tpu.memory_space<vmem>> -> memref<80x64xf32, #tpu.memory_space<vmem>>
    %dma_wait3A_463 = arith.constant 0 : i32
    %dma_wait3A_464 = arith.constant 0 : i32
    %dma_wait3A_465 = tpu.memref_slice %arg2[%dma_wait3A_463, %dma_wait3A_464] : memref<20000x64xf32, #tpu.memory_space<hbm>> -> memref<80x64xf32, #tpu.memory_space<hbm>>
    %dma_wait3A_466 = arith.constant 240 : i32
    %dma_wait3A_467 = arith.constant 0 : i32
    %dma_wait3A_468 = tpu.memref_slice %arg7[%dma_wait3A_466, %dma_wait3A_467] : memref<480x64xf32, #tpu.memory_space<vmem>> -> memref<80x64xf32, #tpu.memory_space<vmem>>
    %dma_wait3A_469 = arith.constant 0 : i32
    %dma_wait3A_470 = arith.constant 0 : i32
    %dma_wait3A_471 = tpu.memref_slice %arg2[%dma_wait3A_469, %dma_wait3A_470] : memref<20000x64xf32, #tpu.memory_space<hbm>> -> memref<80x64xf32, #tpu.memory_space<hbm>>
    tpu.wait_dma2 semaphore(%arg18 : memref<!tpu.dma_semaphore, #tpu.memory_space<semaphore_mem>>) src(%dma_wait3A_471 : memref<80x64xf32, #tpu.memory_space<hbm>>) dst(%dma_wait3A_468 : memref<80x64xf32, #tpu.memory_space<vmem>>)
    %get3A_472 = arith.constant 249 : i32
    %get3A_473 = arith.index_cast %get3A_472 : i32 to index
    %get3A_474 = arith.constant 0 : index
    %get3A_475 = tpu.vector_load %arg5[%get3A_473, %get3A_474] {strides = array<i32>} : memref<250x80xi32, #tpu.memory_space<vmem>>, vector<1x16xi32>,
    %get3A_476 = vector.shape_cast %get3A_475 : vector<1x16xi32> to vector<16xi32>
    %and3A_477 = arith.constant 16383 : i32
    %and3A_478 = vector.broadcast %and3A_477 : i32 to vector<16xi32>
    %and3A_479 = arith.andi %get3A_476, %and3A_478 : vector<16xi32>
    %swap3A_480 = arith.constant 3 : i32
    %swap3A_481 = arith.index_cast %swap3A_480 : i32 to index
    %swap3A_482 = arith.constant 0 : index
    %swap3A_483 = tpu.vector_load %arg6[%swap3A_481, %swap3A_482] {strides = array<i32>} : memref<6x80xi32, #tpu.memory_space<vmem>>, vector<1x16xi32>,
    %swap3A_484 = vector.shape_cast %swap3A_483 : vector<1x16xi32> to vector<16xi32>
    %swap3A_485 = vector.shape_cast %and3A_479 : vector<16xi32> to vector<1x16xi32>
    tpu.vector_store %arg6[%swap3A_481, %swap3A_482], %swap3A_485 {strides = array<i32>} : memref<6x80xi32, #tpu.memory_space<vmem>>, vector<1x16xi32>,
    %shift_right_arithmetic3A_486 = arith.constant 14 : i32
    %shift_right_arithmetic3A_487 = vector.broadcast %shift_right_arithmetic3A_486 : i32 to vector<16xi32>
    %shift_right_arithmetic3A_488 = arith.shrsi %get3A_476, %shift_right_arithmetic3A_487 : vector<16xi32>
    %mul3A_489 = arith.constant 2 : i32
    %mul3A_490 = vector.broadcast %mul3A_489 : i32 to vector<16xi32>
    %mul3A_491 = arith.muli %shift_right_arithmetic3A_488, %mul3A_490 : vector<16xi32>
    %add3A_492 = vector.broadcast %arg0 : i32 to vector<16xi32>
    %add3A_493 = arith.addi %mul3A_491, %add3A_492 : vector<16xi32>
    %swap3A_494 = arith.constant 249 : i32
    %swap3A_495 = arith.index_cast %swap3A_494 : i32 to index
    %swap3A_496 = arith.constant 0 : index
    %swap3A_497 = tpu.vector_load %arg5[%swap3A_495, %swap3A_496] {strides = array<i32>} : memref<250x80xi32, #tpu.memory_space<vmem>>, vector<1x16xi32>,
    %swap3A_498 = vector.shape_cast %swap3A_497 : vector<1x16xi32> to vector<16xi32>
    %swap3A_499 = vector.shape_cast %add3A_493 : vector<16xi32> to vector<1x16xi32>
    tpu.vector_store %arg5[%swap3A_495, %swap3A_496], %swap3A_499 {strides = array<i32>} : memref<250x80xi32, #tpu.memory_space<vmem>>, vector<1x16xi32>,
    %get3A_500 = arith.constant 249 : i32
    %get3A_501 = arith.index_cast %get3A_500 : i32 to index
    %get3A_502 = arith.constant 16 : index
    %get3A_503 = tpu.vector_load %arg5[%get3A_501, %get3A_502] {strides = array<i32>} : memref<250x80xi32, #tpu.memory_space<vmem>>, vector<1x16xi32>,
    %get3A_504 = vector.shape_cast %get3A_503 : vector<1x16xi32> to vector<16xi32>
    %and3A_505 = arith.constant 16383 : i32
    %and3A_506 = vector.broadcast %and3A_505 : i32 to vector<16xi32>
    %and3A_507 = arith.andi %get3A_504, %and3A_506 : vector<16xi32>
    %swap3A_508 = arith.constant 3 : i32
    %swap3A_509 = arith.index_cast %swap3A_508 : i32 to index
    %swap3A_510 = arith.constant 16 : index
    %swap3A_511 = tpu.vector_load %arg6[%swap3A_509, %swap3A_510] {strides = array<i32>} : memref<6x80xi32, #tpu.memory_space<vmem>>, vector<1x16xi32>,
    %swap3A_512 = vector.shape_cast %swap3A_511 : vector<1x16xi32> to vector<16xi32>
    %swap3A_513 = vector.shape_cast %and3A_507 : vector<16xi32> to vector<1x16xi32>
    tpu.vector_store %arg6[%swap3A_509, %swap3A_510], %swap3A_513 {strides = array<i32>} : memref<6x80xi32, #tpu.memory_space<vmem>>, vector<1x16xi32>,
    %shift_right_arithmetic3A_514 = arith.constant 14 : i32
    %shift_right_arithmetic3A_515 = vector.broadcast %shift_right_arithmetic3A_514 : i32 to vector<16xi32>
    %shift_right_arithmetic3A_516 = arith.shrsi %get3A_504, %shift_right_arithmetic3A_515 : vector<16xi32>
    %mul3A_517 = arith.constant 2 : i32
    %mul3A_518 = vector.broadcast %mul3A_517 : i32 to vector<16xi32>
    %mul3A_519 = arith.muli %shift_right_arithmetic3A_516, %mul3A_518 : vector<16xi32>
    %add3A_520 = vector.broadcast %arg0 : i32 to vector<16xi32>
    %add3A_521 = arith.addi %mul3A_519, %add3A_520 : vector<16xi32>
    %swap3A_522 = arith.constant 249 : i32
    %swap3A_523 = arith.index_cast %swap3A_522 : i32 to index
    %swap3A_524 = arith.constant 16 : index
    %swap3A_525 = tpu.vector_load %arg5[%swap3A_523, %swap3A_524] {strides = array<i32>} : memref<250x80xi32, #tpu.memory_space<vmem>>, vector<1x16xi32>,
    %swap3A_526 = vector.shape_cast %swap3A_525 : vector<1x16xi32> to vector<16xi32>
    %swap3A_527 = vector.shape_cast %add3A_521 : vector<16xi32> to vector<1x16xi32>
    tpu.vector_store %arg5[%swap3A_523, %swap3A_524], %swap3A_527 {strides = array<i32>} : memref<250x80xi32, #tpu.memory_space<vmem>>, vector<1x16xi32>,
    %get3A_528 = arith.constant 249 : i32
    %get3A_529 = arith.index_cast %get3A_528 : i32 to index
    %get3A_530 = arith.constant 32 : index
    %get3A_531 = tpu.vector_load %arg5[%get3A_529, %get3A_530] {strides = array<i32>} : memref<250x80xi32, #tpu.memory_space<vmem>>, vector<1x16xi32>,
    %get3A_532 = vector.shape_cast %get3A_531 : vector<1x16xi32> to vector<16xi32>
    %and3A_533 = arith.constant 16383 : i32
    %and3A_534 = vector.broadcast %and3A_533 : i32 to vector<16xi32>
    %and3A_535 = arith.andi %get3A_532, %and3A_534 : vector<16xi32>
    %swap3A_536 = arith.constant 3 : i32
    %swap3A_537 = arith.index_cast %swap3A_536 : i32 to index
    %swap3A_538 = arith.constant 32 : index
    %swap3A_539 = tpu.vector_load %arg6[%swap3A_537, %swap3A_538] {strides = array<i32>} : memref<6x80xi32, #tpu.memory_space<vmem>>, vector<1x16xi32>,
    %swap3A_540 = vector.shape_cast %swap3A_539 : vector<1x16xi32> to vector<16xi32>
    %swap3A_541 = vector.shape_cast %and3A_535 : vector<16xi32> to vector<1x16xi32>
    tpu.vector_store %arg6[%swap3A_537, %swap3A_538], %swap3A_541 {strides = array<i32>} : memref<6x80xi32, #tpu.memory_space<vmem>>, vector<1x16xi32>,
    %shift_right_arithmetic3A_542 = arith.constant 14 : i32
    %shift_right_arithmetic3A_543 = vector.broadcast %shift_right_arithmetic3A_542 : i32 to vector<16xi32>
    %shift_right_arithmetic3A_544 = arith.shrsi %get3A_532, %shift_right_arithmetic3A_543 : vector<16xi32>
    %mul3A_545 = arith.constant 2 : i32
    %mul3A_546 = vector.broadcast %mul3A_545 : i32 to vector<16xi32>
    %mul3A_547 = arith.muli %shift_right_arithmetic3A_544, %mul3A_546 : vector<16xi32>
    %add3A_548 = vector.broadcast %arg0 : i32 to vector<16xi32>
    %add3A_549 = arith.addi %mul3A_547, %add3A_548 : vector<16xi32>
    %swap3A_550 = arith.constant 249 : i32
    %swap3A_551 = arith.index_cast %swap3A_550 : i32 to index
    %swap3A_552 = arith.constant 32 : index
    %swap3A_553 = tpu.vector_load %arg5[%swap3A_551, %swap3A_552] {strides = array<i32>} : memref<250x80xi32, #tpu.memory_space<vmem>>, vector<1x16xi32>,
    %swap3A_554 = vector.shape_cast %swap3A_553 : vector<1x16xi32> to vector<16xi32>
    %swap3A_555 = vector.shape_cast %add3A_549 : vector<16xi32> to vector<1x16xi32>
    tpu.vector_store %arg5[%swap3A_551, %swap3A_552], %swap3A_555 {strides = array<i32>} : memref<250x80xi32, #tpu.memory_space<vmem>>, vector<1x16xi32>,
    %get3A_556 = arith.constant 249 : i32
    %get3A_557 = arith.index_cast %get3A_556 : i32 to index
    %get3A_558 = arith.constant 48 : index
    %get3A_559 = tpu.vector_load %arg5[%get3A_557, %get3A_558] {strides = array<i32>} : memref<250x80xi32, #tpu.memory_space<vmem>>, vector<1x16xi32>,
    %get3A_560 = vector.shape_cast %get3A_559 : vector<1x16xi32> to vector<16xi32>
    %and3A_561 = arith.constant 16383 : i32
    %and3A_562 = vector.broadcast %and3A_561 : i32 to vector<16xi32>
    %and3A_563 = arith.andi %get3A_560, %and3A_562 : vector<16xi32>
    %swap3A_564 = arith.constant 3 : i32
    %swap3A_565 = arith.index_cast %swap3A_564 : i32 to index
    %swap3A_566 = arith.constant 48 : index
    %swap3A_567 = tpu.vector_load %arg6[%swap3A_565, %swap3A_566] {strides = array<i32>} : memref<6x80xi32, #tpu.memory_space<vmem>>, vector<1x16xi32>,
    %swap3A_568 = vector.shape_cast %swap3A_567 : vector<1x16xi32> to vector<16xi32>
    %swap3A_569 = vector.shape_cast %and3A_563 : vector<16xi32> to vector<1x16xi32>
    tpu.vector_store %arg6[%swap3A_565, %swap3A_566], %swap3A_569 {strides = array<i32>} : memref<6x80xi32, #tpu.memory_space<vmem>>, vector<1x16xi32>,
    %shift_right_arithmetic3A_570 = arith.constant 14 : i32
    %shift_right_arithmetic3A_571 = vector.broadcast %shift_right_arithmetic3A_570 : i32 to vector<16xi32>
    %shift_right_arithmetic3A_572 = arith.shrsi %get3A_560, %shift_right_arithmetic3A_571 : vector<16xi32>
    %mul3A_573 = arith.constant 2 : i32
    %mul3A_574 = vector.broadcast %mul3A_573 : i32 to vector<16xi32>
    %mul3A_575 = arith.muli %shift_right_arithmetic3A_572, %mul3A_574 : vector<16xi32>
    %add3A_576 = vector.broadcast %arg0 : i32 to vector<16xi32>
    %add3A_577 = arith.addi %mul3A_575, %add3A_576 : vector<16xi32>
    %swap3A_578 = arith.constant 249 : i32
    %swap3A_579 = arith.index_cast %swap3A_578 : i32 to index
    %swap3A_580 = arith.constant 48 : index
    %swap3A_581 = tpu.vector_load %arg5[%swap3A_579, %swap3A_580] {strides = array<i32>} : memref<250x80xi32, #tpu.memory_space<vmem>>, vector<1x16xi32>,
    %swap3A_582 = vector.shape_cast %swap3A_581 : vector<1x16xi32> to vector<16xi32>
    %swap3A_583 = vector.shape_cast %add3A_577 : vector<16xi32> to vector<1x16xi32>
    tpu.vector_store %arg5[%swap3A_579, %swap3A_580], %swap3A_583 {strides = array<i32>} : memref<250x80xi32, #tpu.memory_space<vmem>>, vector<1x16xi32>,
    %get3A_584 = arith.constant 249 : i32
    %get3A_585 = arith.index_cast %get3A_584 : i32 to index
    %get3A_586 = arith.constant 64 : index
    %get3A_587 = tpu.vector_load %arg5[%get3A_585, %get3A_586] {strides = array<i32>} : memref<250x80xi32, #tpu.memory_space<vmem>>, vector<1x16xi32>,
    %get3A_588 = vector.shape_cast %get3A_587 : vector<1x16xi32> to vector<16xi32>
    %and3A_589 = arith.constant 16383 : i32
    %and3A_590 = vector.broadcast %and3A_589 : i32 to vector<16xi32>
    %and3A_591 = arith.andi %get3A_588, %and3A_590 : vector<16xi32>
    %swap3A_592 = arith.constant 3 : i32
    %swap3A_593 = arith.index_cast %swap3A_592 : i32 to index
    %swap3A_594 = arith.constant 64 : index
    %swap3A_595 = tpu.vector_load %arg6[%swap3A_593, %swap3A_594] {strides = array<i32>} : memref<6x80xi32, #tpu.memory_space<vmem>>, vector<1x16xi32>,
    %swap3A_596 = vector.shape_cast %swap3A_595 : vector<1x16xi32> to vector<16xi32>
    %swap3A_597 = vector.shape_cast %and3A_591 : vector<16xi32> to vector<1x16xi32>
    tpu.vector_store %arg6[%swap3A_593, %swap3A_594], %swap3A_597 {strides = array<i32>} : memref<6x80xi32, #tpu.memory_space<vmem>>, vector<1x16xi32>,
    %shift_right_arithmetic3A_598 = arith.constant 14 : i32
    %shift_right_arithmetic3A_599 = vector.broadcast %shift_right_arithmetic3A_598 : i32 to vector<16xi32>
    %shift_right_arithmetic3A_600 = arith.shrsi %get3A_588, %shift_right_arithmetic3A_599 : vector<16xi32>
    %mul3A_601 = arith.constant 2 : i32
    %mul3A_602 = vector.broadcast %mul3A_601 : i32 to vector<16xi32>
    %mul3A_603 = arith.muli %shift_right_arithmetic3A_600, %mul3A_602 : vector<16xi32>
    %add3A_604 = vector.broadcast %arg0 : i32 to vector<16xi32>
    %add3A_605 = arith.addi %mul3A_603, %add3A_604 : vector<16xi32>
    %swap3A_606 = arith.constant 249 : i32
    %swap3A_607 = arith.index_cast %swap3A_606 : i32 to index
    %swap3A_608 = arith.constant 64 : index
    %swap3A_609 = tpu.vector_load %arg5[%swap3A_607, %swap3A_608] {strides = array<i32>} : memref<250x80xi32, #tpu.memory_space<vmem>>, vector<1x16xi32>,
    %swap3A_610 = vector.shape_cast %swap3A_609 : vector<1x16xi32> to vector<16xi32>
    %swap3A_611 = vector.shape_cast %add3A_605 : vector<16xi32> to vector<1x16xi32>
    tpu.vector_store %arg5[%swap3A_607, %swap3A_608], %swap3A_611 {strides = array<i32>} : memref<250x80xi32, #tpu.memory_space<vmem>>, vector<1x16xi32>,
    %dma_start3A_612 = arith.constant 249 : i32
    %dma_start3A_613 = arith.constant 240 : i32
    %dma_start3A_614 = arith.constant 0 : i32
    %dma_start3A_615 = tpu.memref_slice %arg7[%dma_start3A_613, %dma_start3A_614] : memref<480x64xf32, #tpu.memory_space<vmem>> -> memref<80x64xf32, #tpu.memory_space<vmem>>
    %dma_start3A_616 = arith.constant 0 : i32
    %dma_start3A_617 = tpu.memref_slice %arg5[%dma_start3A_612, %dma_start3A_616] : memref<250x80xi32, #tpu.memory_space<vmem>> -> memref<1x80xi32, #tpu.memory_space<vmem>>
    %dma_start3A_618 = tpu.memref_squeeze %dma_start3A_617 : memref<1x80xi32, #tpu.memory_space<vmem>> -> memref<80xi32, #tpu.memory_space<vmem>>
    %dma_start3A_619 = arith.constant 0 : i32
    %dma_start3A_620 = arith.constant 0 : i32
    %dma_start3A_621 = tpu.memref_slice %arg2[%dma_start3A_619, %dma_start3A_620] : memref<20000x64xf32, #tpu.memory_space<hbm>> -> memref<20000x64xf32, #tpu.memory_space<hbm>>
    tpu.enqueue_indirect_dma source(%dma_start3A_621 : memref<20000x64xf32, #tpu.memory_space<hbm>>) target(%dma_start3A_615 : memref<80x64xf32, #tpu.memory_space<vmem>>) offsets(%dma_start3A_618 : memref<80xi32, #tpu.memory_space<vmem>>) semaphore(%arg12 : memref<!tpu.dma_semaphore, #tpu.memory_space<semaphore_mem>>)
    %dma_wait3A_622 = arith.constant 246 : i32
    %dma_wait3A_623 = arith.constant 0 : i32
    %dma_wait3A_624 = arith.constant 0 : i32
    %dma_wait3A_625 = tpu.memref_slice %arg7[%dma_wait3A_623, %dma_wait3A_624] : memref<480x64xf32, #tpu.memory_space<vmem>> -> memref<80x64xf32, #tpu.memory_space<vmem>>
    %dma_wait3A_626 = arith.constant 0 : i32
    %dma_wait3A_627 = tpu.memref_slice %arg5[%dma_wait3A_622, %dma_wait3A_626] : memref<250x80xi32, #tpu.memory_space<vmem>> -> memref<1x80xi32, #tpu.memory_space<vmem>>
    %dma_wait3A_628 = tpu.memref_squeeze %dma_wait3A_627 : memref<1x80xi32, #tpu.memory_space<vmem>> -> memref<80xi32, #tpu.memory_space<vmem>>
    %dma_wait3A_629 = arith.constant 0 : i32
    %dma_wait3A_630 = arith.constant 0 : i32
    %dma_wait3A_631 = tpu.memref_slice %arg2[%dma_wait3A_629, %dma_wait3A_630] : memref<20000x64xf32, #tpu.memory_space<hbm>> -> memref<20000x64xf32, #tpu.memory_space<hbm>>
    tpu.wait_indirect_dma semaphore(%arg9 : memref<!tpu.dma_semaphore, #tpu.memory_space<semaphore_mem>>) src(%dma_wait3A_631 : memref<20000x64xf32, #tpu.memory_space<hbm>>) dst(%dma_wait3A_625 : memref<80x64xf32, #tpu.memory_space<vmem>>)
    %dma_start3A_632 = arith.constant 0 : i32
    %dma_start3A_633 = arith.constant 0 : i32
    %dma_start3A_634 = arith.constant 0 : i32
    %dma_start3A_635 = tpu.memref_slice %arg7[%dma_start3A_633, %dma_start3A_634] : memref<480x64xf32, #tpu.memory_space<vmem>> -> memref<80x64xf32, #tpu.memory_space<vmem>>
    %dma_start3A_636 = arith.constant 0 : i32
    %dma_start3A_637 = tpu.memref_slice %arg6[%dma_start3A_632, %dma_start3A_636] : memref<6x80xi32, #tpu.memory_space<vmem>> -> memref<1x80xi32, #tpu.memory_space<vmem>>
    %dma_start3A_638 = tpu.memref_squeeze %dma_start3A_637 : memref<1x80xi32, #tpu.memory_space<vmem>> -> memref<80xi32, #tpu.memory_space<vmem>>
    %dma_start3A_639 = arith.constant 0 : i32
    %dma_start3A_640 = arith.constant 0 : i32
    %dma_start3A_641 = tpu.memref_slice %arg8[%dma_start3A_639, %dma_start3A_640] : memref<10000x64xf32, #tpu.memory_space<vmem_shared>> -> memref<10000x64xf32, #tpu.memory_space<vmem_shared>>
    tpu.enqueue_indirect_dma source(%dma_start3A_635 : memref<80x64xf32, #tpu.memory_space<vmem>>) target(%dma_start3A_641 : memref<10000x64xf32, #tpu.memory_space<vmem_shared>>) offsets(%dma_start3A_638 : memref<80xi32, #tpu.memory_space<vmem>>) semaphore(%arg15 : memref<!tpu.dma_semaphore, #tpu.memory_space<semaphore_mem>>) {add = true}
    %dma_wait3A_642 = arith.constant 247 : i32
    %dma_wait3A_643 = arith.constant 80 : i32
    %dma_wait3A_644 = arith.constant 0 : i32
    %dma_wait3A_645 = tpu.memref_slice %arg7[%dma_wait3A_643, %dma_wait3A_644] : memref<480x64xf32, #tpu.memory_space<vmem>> -> memref<80x64xf32, #tpu.memory_space<vmem>>
    %dma_wait3A_646 = arith.constant 0 : i32
    %dma_wait3A_647 = tpu.memref_slice %arg5[%dma_wait3A_642, %dma_wait3A_646] : memref<250x80xi32, #tpu.memory_space<vmem>> -> memref<1x80xi32, #tpu.memory_space<vmem>>
    %dma_wait3A_648 = tpu.memref_squeeze %dma_wait3A_647 : memref<1x80xi32, #tpu.memory_space<vmem>> -> memref<80xi32, #tpu.memory_space<vmem>>
    %dma_wait3A_649 = arith.constant 0 : i32
    %dma_wait3A_650 = arith.constant 0 : i32
    %dma_wait3A_651 = tpu.memref_slice %arg2[%dma_wait3A_649, %dma_wait3A_650] : memref<20000x64xf32, #tpu.memory_space<hbm>> -> memref<20000x64xf32, #tpu.memory_space<hbm>>
    tpu.wait_indirect_dma semaphore(%arg10 : memref<!tpu.dma_semaphore, #tpu.memory_space<semaphore_mem>>) src(%dma_wait3A_651 : memref<20000x64xf32, #tpu.memory_space<hbm>>) dst(%dma_wait3A_645 : memref<80x64xf32, #tpu.memory_space<vmem>>)
    %dma_start3A_652 = arith.constant 1 : i32
    %dma_start3A_653 = arith.constant 80 : i32
    %dma_start3A_654 = arith.constant 0 : i32
    %dma_start3A_655 = tpu.memref_slice %arg7[%dma_start3A_653, %dma_start3A_654] : memref<480x64xf32, #tpu.memory_space<vmem>> -> memref<80x64xf32, #tpu.memory_space<vmem>>
    %dma_start3A_656 = arith.constant 0 : i32
    %dma_start3A_657 = tpu.memref_slice %arg6[%dma_start3A_652, %dma_start3A_656] : memref<6x80xi32, #tpu.memory_space<vmem>> -> memref<1x80xi32, #tpu.memory_space<vmem>>
    %dma_start3A_658 = tpu.memref_squeeze %dma_start3A_657 : memref<1x80xi32, #tpu.memory_space<vmem>> -> memref<80xi32, #tpu.memory_space<vmem>>
    %dma_start3A_659 = arith.constant 0 : i32
    %dma_start3A_660 = arith.constant 0 : i32
    %dma_start3A_661 = tpu.memref_slice %arg8[%dma_start3A_659, %dma_start3A_660] : memref<10000x64xf32, #tpu.memory_space<vmem_shared>> -> memref<10000x64xf32, #tpu.memory_space<vmem_shared>>
    tpu.enqueue_indirect_dma source(%dma_start3A_655 : memref<80x64xf32, #tpu.memory_space<vmem>>) target(%dma_start3A_661 : memref<10000x64xf32, #tpu.memory_space<vmem_shared>>) offsets(%dma_start3A_658 : memref<80xi32, #tpu.memory_space<vmem>>) semaphore(%arg16 : memref<!tpu.dma_semaphore, #tpu.memory_space<semaphore_mem>>) {add = true}
    %dma_wait3A_662 = arith.constant 248 : i32
    %dma_wait3A_663 = arith.constant 160 : i32
    %dma_wait3A_664 = arith.constant 0 : i32
    %dma_wait3A_665 = tpu.memref_slice %arg7[%dma_wait3A_663, %dma_wait3A_664] : memref<480x64xf32, #tpu.memory_space<vmem>> -> memref<80x64xf32, #tpu.memory_space<vmem>>
    %dma_wait3A_666 = arith.constant 0 : i32
    %dma_wait3A_667 = tpu.memref_slice %arg5[%dma_wait3A_662, %dma_wait3A_666] : memref<250x80xi32, #tpu.memory_space<vmem>> -> memref<1x80xi32, #tpu.memory_space<vmem>>
    %dma_wait3A_668 = tpu.memref_squeeze %dma_wait3A_667 : memref<1x80xi32, #tpu.memory_space<vmem>> -> memref<80xi32, #tpu.memory_space<vmem>>
    %dma_wait3A_669 = arith.constant 0 : i32
    %dma_wait3A_670 = arith.constant 0 : i32
    %dma_wait3A_671 = tpu.memref_slice %arg2[%dma_wait3A_669, %dma_wait3A_670] : memref<20000x64xf32, #tpu.memory_space<hbm>> -> memref<20000x64xf32, #tpu.memory_space<hbm>>
    tpu.wait_indirect_dma semaphore(%arg11 : memref<!tpu.dma_semaphore, #tpu.memory_space<semaphore_mem>>) src(%dma_wait3A_671 : memref<20000x64xf32, #tpu.memory_space<hbm>>) dst(%dma_wait3A_665 : memref<80x64xf32, #tpu.memory_space<vmem>>)
    %dma_start3A_672 = arith.constant 2 : i32
    %dma_start3A_673 = arith.constant 160 : i32
    %dma_start3A_674 = arith.constant 0 : i32
    %dma_start3A_675 = tpu.memref_slice %arg7[%dma_start3A_673, %dma_start3A_674] : memref<480x64xf32, #tpu.memory_space<vmem>> -> memref<80x64xf32, #tpu.memory_space<vmem>>
    %dma_start3A_676 = arith.constant 0 : i32
    %dma_start3A_677 = tpu.memref_slice %arg6[%dma_start3A_672, %dma_start3A_676] : memref<6x80xi32, #tpu.memory_space<vmem>> -> memref<1x80xi32, #tpu.memory_space<vmem>>
    %dma_start3A_678 = tpu.memref_squeeze %dma_start3A_677 : memref<1x80xi32, #tpu.memory_space<vmem>> -> memref<80xi32, #tpu.memory_space<vmem>>
    %dma_start3A_679 = arith.constant 0 : i32
    %dma_start3A_680 = arith.constant 0 : i32
    %dma_start3A_681 = tpu.memref_slice %arg8[%dma_start3A_679, %dma_start3A_680] : memref<10000x64xf32, #tpu.memory_space<vmem_shared>> -> memref<10000x64xf32, #tpu.memory_space<vmem_shared>>
    tpu.enqueue_indirect_dma source(%dma_start3A_675 : memref<80x64xf32, #tpu.memory_space<vmem>>) target(%dma_start3A_681 : memref<10000x64xf32, #tpu.memory_space<vmem_shared>>) offsets(%dma_start3A_678 : memref<80xi32, #tpu.memory_space<vmem>>) semaphore(%arg17 : memref<!tpu.dma_semaphore, #tpu.memory_space<semaphore_mem>>) {add = true}
    %dma_wait3A_682 = arith.constant 249 : i32
    %dma_wait3A_683 = arith.constant 240 : i32
    %dma_wait3A_684 = arith.constant 0 : i32
    %dma_wait3A_685 = tpu.memref_slice %arg7[%dma_wait3A_683, %dma_wait3A_684] : memref<480x64xf32, #tpu.memory_space<vmem>> -> memref<80x64xf32, #tpu.memory_space<vmem>>
    %dma_wait3A_686 = arith.constant 0 : i32
    %dma_wait3A_687 = tpu.memref_slice %arg5[%dma_wait3A_682, %dma_wait3A_686] : memref<250x80xi32, #tpu.memory_space<vmem>> -> memref<1x80xi32, #tpu.memory_space<vmem>>
    %dma_wait3A_688 = tpu.memref_squeeze %dma_wait3A_687 : memref<1x80xi32, #tpu.memory_space<vmem>> -> memref<80xi32, #tpu.memory_space<vmem>>
    %dma_wait3A_689 = arith.constant 0 : i32
    %dma_wait3A_690 = arith.constant 0 : i32
    %dma_wait3A_691 = tpu.memref_slice %arg2[%dma_wait3A_689, %dma_wait3A_690] : memref<20000x64xf32, #tpu.memory_space<hbm>> -> memref<20000x64xf32, #tpu.memory_space<hbm>>
    tpu.wait_indirect_dma semaphore(%arg12 : memref<!tpu.dma_semaphore, #tpu.memory_space<semaphore_mem>>) src(%dma_wait3A_691 : memref<20000x64xf32, #tpu.memory_space<hbm>>) dst(%dma_wait3A_685 : memref<80x64xf32, #tpu.memory_space<vmem>>)
    %dma_start3A_692 = arith.constant 3 : i32
    %dma_start3A_693 = arith.constant 240 : i32
    %dma_start3A_694 = arith.constant 0 : i32
    %dma_start3A_695 = tpu.memref_slice %arg7[%dma_start3A_693, %dma_start3A_694] : memref<480x64xf32, #tpu.memory_space<vmem>> -> memref<80x64xf32, #tpu.memory_space<vmem>>
    %dma_start3A_696 = arith.constant 0 : i32
    %dma_start3A_697 = tpu.memref_slice %arg6[%dma_start3A_692, %dma_start3A_696] : memref<6x80xi32, #tpu.memory_space<vmem>> -> memref<1x80xi32, #tpu.memory_space<vmem>>
    %dma_start3A_698 = tpu.memref_squeeze %dma_start3A_697 : memref<1x80xi32, #tpu.memory_space<vmem>> -> memref<80xi32, #tpu.memory_space<vmem>>
    %dma_start3A_699 = arith.constant 0 : i32
    %dma_start3A_700 = arith.constant 0 : i32
    %dma_start3A_701 = tpu.memref_slice %arg8[%dma_start3A_699, %dma_start3A_700] : memref<10000x64xf32, #tpu.memory_space<vmem_shared>> -> memref<10000x64xf32, #tpu.memory_space<vmem_shared>>
    tpu.enqueue_indirect_dma source(%dma_start3A_695 : memref<80x64xf32, #tpu.memory_space<vmem>>) target(%dma_start3A_701 : memref<10000x64xf32, #tpu.memory_space<vmem_shared>>) offsets(%dma_start3A_698 : memref<80xi32, #tpu.memory_space<vmem>>) semaphore(%arg18 : memref<!tpu.dma_semaphore, #tpu.memory_space<semaphore_mem>>) {add = true}
    %dma_wait3A_702 = arith.constant 320 : i32
    %dma_wait3A_703 = arith.constant 0 : i32
    %dma_wait3A_704 = tpu.memref_slice %arg7[%dma_wait3A_702, %dma_wait3A_703] : memref<480x64xf32, #tpu.memory_space<vmem>> -> memref<80x64xf32, #tpu.memory_space<vmem>>
    %dma_wait3A_705 = arith.constant 0 : i32
    %dma_wait3A_706 = arith.constant 0 : i32
    %dma_wait3A_707 = tpu.memref_slice %arg2[%dma_wait3A_705, %dma_wait3A_706] : memref<20000x64xf32, #tpu.memory_space<hbm>> -> memref<80x64xf32, #tpu.memory_space<hbm>>
    %dma_wait3A_708 = arith.constant 320 : i32
    %dma_wait3A_709 = arith.constant 0 : i32
    %dma_wait3A_710 = tpu.memref_slice %arg7[%dma_wait3A_708, %dma_wait3A_709] : memref<480x64xf32, #tpu.memory_space<vmem>> -> memref<80x64xf32, #tpu.memory_space<vmem>>
    %dma_wait3A_711 = arith.constant 0 : i32
    %dma_wait3A_712 = arith.constant 0 : i32
    %dma_wait3A_713 = tpu.memref_slice %arg2[%dma_wait3A_711, %dma_wait3A_712] : memref<20000x64xf32, #tpu.memory_space<hbm>> -> memref<80x64xf32, #tpu.memory_space<hbm>>
    tpu.wait_dma2 semaphore(%arg19 : memref<!tpu.dma_semaphore, #tpu.memory_space<semaphore_mem>>) src(%dma_wait3A_713 : memref<80x64xf32, #tpu.memory_space<hbm>>) dst(%dma_wait3A_710 : memref<80x64xf32, #tpu.memory_space<vmem>>)
    %dma_wait3A_714 = arith.constant 400 : i32
    %dma_wait3A_715 = arith.constant 0 : i32
    %dma_wait3A_716 = tpu.memref_slice %arg7[%dma_wait3A_714, %dma_wait3A_715] : memref<480x64xf32, #tpu.memory_space<vmem>> -> memref<80x64xf32, #tpu.memory_space<vmem>>
    %dma_wait3A_717 = arith.constant 0 : i32
    %dma_wait3A_718 = arith.constant 0 : i32
    %dma_wait3A_719 = tpu.memref_slice %arg2[%dma_wait3A_717, %dma_wait3A_718] : memref<20000x64xf32, #tpu.memory_space<hbm>> -> memref<80x64xf32, #tpu.memory_space<hbm>>
    %dma_wait3A_720 = arith.constant 400 : i32
    %dma_wait3A_721 = arith.constant 0 : i32
    %dma_wait3A_722 = tpu.memref_slice %arg7[%dma_wait3A_720, %dma_wait3A_721] : memref<480x64xf32, #tpu.memory_space<vmem>> -> memref<80x64xf32, #tpu.memory_space<vmem>>
    %dma_wait3A_723 = arith.constant 0 : i32
    %dma_wait3A_724 = arith.constant 0 : i32
    %dma_wait3A_725 = tpu.memref_slice %arg2[%dma_wait3A_723, %dma_wait3A_724] : memref<20000x64xf32, #tpu.memory_space<hbm>> -> memref<80x64xf32, #tpu.memory_space<hbm>>
    tpu.wait_dma2 semaphore(%arg20 : memref<!tpu.dma_semaphore, #tpu.memory_space<semaphore_mem>>) src(%dma_wait3A_725 : memref<80x64xf32, #tpu.memory_space<hbm>>) dst(%dma_wait3A_722 : memref<80x64xf32, #tpu.memory_space<vmem>>)
    %dma_wait3A_726 = arith.constant 0 : i32
    %dma_wait3A_727 = arith.constant 0 : i32
    %dma_wait3A_728 = tpu.memref_slice %arg7[%dma_wait3A_726, %dma_wait3A_727] : memref<480x64xf32, #tpu.memory_space<vmem>> -> memref<80x64xf32, #tpu.memory_space<vmem>>
    %dma_wait3A_729 = arith.constant 0 : i32
    %dma_wait3A_730 = arith.constant 0 : i32
    %dma_wait3A_731 = tpu.memref_slice %arg2[%dma_wait3A_729, %dma_wait3A_730] : memref<20000x64xf32, #tpu.memory_space<hbm>> -> memref<80x64xf32, #tpu.memory_space<hbm>>
    %dma_wait3A_732 = arith.constant 0 : i32
    %dma_wait3A_733 = arith.constant 0 : i32
    %dma_wait3A_734 = tpu.memref_slice %arg7[%dma_wait3A_732, %dma_wait3A_733] : memref<480x64xf32, #tpu.memory_space<vmem>> -> memref<80x64xf32, #tpu.memory_space<vmem>>
    %dma_wait3A_735 = arith.constant 0 : i32
    %dma_wait3A_736 = arith.constant 0 : i32
    %dma_wait3A_737 = tpu.memref_slice %arg2[%dma_wait3A_735, %dma_wait3A_736] : memref<20000x64xf32, #tpu.memory_space<hbm>> -> memref<80x64xf32, #tpu.memory_space<hbm>>
    tpu.wait_dma2 semaphore(%arg15 : memref<!tpu.dma_semaphore, #tpu.memory_space<semaphore_mem>>) src(%dma_wait3A_737 : memref<80x64xf32, #tpu.memory_space<hbm>>) dst(%dma_wait3A_734 : memref<80x64xf32, #tpu.memory_space<vmem>>)
    %dma_wait3A_738 = arith.constant 80 : i32
    %dma_wait3A_739 = arith.constant 0 : i32
    %dma_wait3A_740 = tpu.memref_slice %arg7[%dma_wait3A_738, %dma_wait3A_739] : memref<480x64xf32, #tpu.memory_space<vmem>> -> memref<80x64xf32, #tpu.memory_space<vmem>>
    %dma_wait3A_741 = arith.constant 0 : i32
    %dma_wait3A_742 = arith.constant 0 : i32
    %dma_wait3A_743 = tpu.memref_slice %arg2[%dma_wait3A_741, %dma_wait3A_742] : memref<20000x64xf32, #tpu.memory_space<hbm>> -> memref<80x64xf32, #tpu.memory_space<hbm>>
    %dma_wait3A_744 = arith.constant 80 : i32
    %dma_wait3A_745 = arith.constant 0 : i32
    %dma_wait3A_746 = tpu.memref_slice %arg7[%dma_wait3A_744, %dma_wait3A_745] : memref<480x64xf32, #tpu.memory_space<vmem>> -> memref<80x64xf32, #tpu.memory_space<vmem>>
    %dma_wait3A_747 = arith.constant 0 : i32
    %dma_wait3A_748 = arith.constant 0 : i32
    %dma_wait3A_749 = tpu.memref_slice %arg2[%dma_wait3A_747, %dma_wait3A_748] : memref<20000x64xf32, #tpu.memory_space<hbm>> -> memref<80x64xf32, #tpu.memory_space<hbm>>
    tpu.wait_dma2 semaphore(%arg16 : memref<!tpu.dma_semaphore, #tpu.memory_space<semaphore_mem>>) src(%dma_wait3A_749 : memref<80x64xf32, #tpu.memory_space<hbm>>) dst(%dma_wait3A_746 : memref<80x64xf32, #tpu.memory_space<vmem>>)
    %dma_wait3A_750 = arith.constant 160 : i32
    %dma_wait3A_751 = arith.constant 0 : i32
    %dma_wait3A_752 = tpu.memref_slice %arg7[%dma_wait3A_750, %dma_wait3A_751] : memref<480x64xf32, #tpu.memory_space<vmem>> -> memref<80x64xf32, #tpu.memory_space<vmem>>
    %dma_wait3A_753 = arith.constant 0 : i32
    %dma_wait3A_754 = arith.constant 0 : i32
    %dma_wait3A_755 = tpu.memref_slice %arg2[%dma_wait3A_753, %dma_wait3A_754] : memref<20000x64xf32, #tpu.memory_space<hbm>> -> memref<80x64xf32, #tpu.memory_space<hbm>>
    %dma_wait3A_756 = arith.constant 160 : i32
    %dma_wait3A_757 = arith.constant 0 : i32
    %dma_wait3A_758 = tpu.memref_slice %arg7[%dma_wait3A_756, %dma_wait3A_757] : memref<480x64xf32, #tpu.memory_space<vmem>> -> memref<80x64xf32, #tpu.memory_space<vmem>>
    %dma_wait3A_759 = arith.constant 0 : i32
    %dma_wait3A_760 = arith.constant 0 : i32
    %dma_wait3A_761 = tpu.memref_slice %arg2[%dma_wait3A_759, %dma_wait3A_760] : memref<20000x64xf32, #tpu.memory_space<hbm>> -> memref<80x64xf32, #tpu.memory_space<hbm>>
    tpu.wait_dma2 semaphore(%arg17 : memref<!tpu.dma_semaphore, #tpu.memory_space<semaphore_mem>>) src(%dma_wait3A_761 : memref<80x64xf32, #tpu.memory_space<hbm>>) dst(%dma_wait3A_758 : memref<80x64xf32, #tpu.memory_space<vmem>>)
    %dma_wait3A_762 = arith.constant 240 : i32
    %dma_wait3A_763 = arith.constant 0 : i32
    %dma_wait3A_764 = tpu.memref_slice %arg7[%dma_wait3A_762, %dma_wait3A_763] : memref<480x64xf32, #tpu.memory_space<vmem>> -> memref<80x64xf32, #tpu.memory_space<vmem>>
    %dma_wait3A_765 = arith.constant 0 : i32
    %dma_wait3A_766 = arith.constant 0 : i32
    %dma_wait3A_767 = tpu.memref_slice %arg2[%dma_wait3A_765, %dma_wait3A_766] : memref<20000x64xf32, #tpu.memory_space<hbm>> -> memref<80x64xf32, #tpu.memory_space<hbm>>
    %dma_wait3A_768 = arith.constant 240 : i32
    %dma_wait3A_769 = arith.constant 0 : i32
    %dma_wait3A_770 = tpu.memref_slice %arg7[%dma_wait3A_768, %dma_wait3A_769] : memref<480x64xf32, #tpu.memory_space<vmem>> -> memref<80x64xf32, #tpu.memory_space<vmem>>
    %dma_wait3A_771 = arith.constant 0 : i32
    %dma_wait3A_772 = arith.constant 0 : i32
    %dma_wait3A_773 = tpu.memref_slice %arg2[%dma_wait3A_771, %dma_wait3A_772] : memref<20000x64xf32, #tpu.memory_space<hbm>> -> memref<80x64xf32, #tpu.memory_space<hbm>>
    tpu.wait_dma2 semaphore(%arg18 : memref<!tpu.dma_semaphore, #tpu.memory_space<semaphore_mem>>) src(%dma_wait3A_773 : memref<80x64xf32, #tpu.memory_space<hbm>>) dst(%dma_wait3A_770 : memref<80x64xf32, #tpu.memory_space<vmem>>)
    %barrier3A_774 = arith.constant 0 : index
    tpu.barrier barrier_id(%barrier3A_774)
    %mul3A_775 = arith.constant 64 : i32
    %mul3A_776 = arith.muli %arg0, %mul3A_775 : i32
    "tpu.region"() ({
      %run_scoped3A = tpu.sem_alloc : memref<!tpu.dma_semaphore, #tpu.memory_space<semaphore_mem>>
      %dma_start3A_782 = tpu.memref_slice %arg4[%mul3A_0, %mul3A_776] : memref<10000x128xf32, #tpu.memory_space<hbm>> -> memref<624x64xf32, #tpu.memory_space<hbm>>
      %dma_start3A_783 = arith.constant 0 : i32
      %dma_start3A_784 = tpu.memref_slice %arg8[%mul3A_0, %dma_start3A_783] : memref<10000x64xf32, #tpu.memory_space<vmem_shared>> -> memref<624x64xf32, #tpu.memory_space<vmem_shared>>
      tpu.enqueue_dma source(%dma_start3A_784 : memref<624x64xf32, #tpu.memory_space<vmem_shared>>) target(%dma_start3A_782 : memref<624x64xf32, #tpu.memory_space<hbm>>) target_semaphore(%run_scoped3A : memref<!tpu.dma_semaphore, #tpu.memory_space<semaphore_mem>>)
      %dma_wait3A_785 = tpu.memref_slice %arg4[%mul3A_0, %mul3A_776] : memref<10000x128xf32, #tpu.memory_space<hbm>> -> memref<624x64xf32, #tpu.memory_space<hbm>>
      %dma_wait3A_786 = arith.constant 0 : i32
      %dma_wait3A_787 = tpu.memref_slice %arg8[%mul3A_0, %dma_wait3A_786] : memref<10000x64xf32, #tpu.memory_space<vmem_shared>> -> memref<624x64xf32, #tpu.memory_space<vmem_shared>>
      tpu.wait_dma2 semaphore(%run_scoped3A : memref<!tpu.dma_semaphore, #tpu.memory_space<semaphore_mem>>) src(%dma_wait3A_787 : memref<624x64xf32, #tpu.memory_space<vmem_shared>>) dst(%dma_wait3A_785 : memref<624x64xf32, #tpu.memory_space<hbm>>)
      tpu.yield
    }) : () -> ()
    %eq3A_777 = arith.constant 0 : i32
    %eq3A_778 = arith.cmpi eq, %arg1, %eq3A_777 : i32
    %convert_element_type3A_779 = arith.extui %eq3A_778 : i1 to i32
    %cond3A_780 = arith.constant 0 : i32
    %cond3A_781 = arith.cmpi ne, %convert_element_type3A_779, %cond3A_780 : i32
    scf.if %cond3A_781 {
      %mul3A_782 = arith.constant 64 : i32
      %mul3A_783 = arith.muli %arg0, %mul3A_782 : i32
      "tpu.region"() ({
        %run_scoped3A = tpu.sem_alloc : memref<!tpu.dma_semaphore, #tpu.memory_space<semaphore_mem>>
        %dma_start3A_784 = arith.constant 9984 : i32
        %dma_start3A_785 = tpu.memref_slice %arg4[%dma_start3A_784, %mul3A_783] : memref<10000x128xf32, #tpu.memory_space<hbm>> -> memref<16x64xf32, #tpu.memory_space<hbm>>
        %dma_start3A_786 = arith.constant 9984 : i32
        %dma_start3A_787 = arith.constant 0 : i32
        %dma_start3A_788 = tpu.memref_slice %arg8[%dma_start3A_786, %dma_start3A_787] : memref<10000x64xf32, #tpu.memory_space<vmem_shared>> -> memref<16x64xf32, #tpu.memory_space<vmem_shared>>
        tpu.enqueue_dma source(%dma_start3A_788 : memref<16x64xf32, #tpu.memory_space<vmem_shared>>) target(%dma_start3A_785 : memref<16x64xf32, #tpu.memory_space<hbm>>) target_semaphore(%run_scoped3A : memref<!tpu.dma_semaphore, #tpu.memory_space<semaphore_mem>>)
        %dma_wait3A_789 = arith.constant 9984 : i32
        %dma_wait3A_790 = tpu.memref_slice %arg4[%dma_wait3A_789, %mul3A_783] : memref<10000x128xf32, #tpu.memory_space<hbm>> -> memref<16x64xf32, #tpu.memory_space<hbm>>
        %dma_wait3A_791 = arith.constant 9984 : i32
        %dma_wait3A_792 = arith.constant 0 : i32
        %dma_wait3A_793 = tpu.memref_slice %arg8[%dma_wait3A_791, %dma_wait3A_792] : memref<10000x64xf32, #tpu.memory_space<vmem_shared>> -> memref<16x64xf32, #tpu.memory_space<vmem_shared>>
        tpu.wait_dma2 semaphore(%run_scoped3A : memref<!tpu.dma_semaphore, #tpu.memory_space<semaphore_mem>>) src(%dma_wait3A_793 : memref<16x64xf32, #tpu.memory_space<vmem_shared>>) dst(%dma_wait3A_790 : memref<16x64xf32, #tpu.memory_space<hbm>>)
        tpu.yield
      }) : () -> ()
    } else {
    }
    return
  }
}

</mosaic_0001>

<sc_bundles>
// kernel: kernel.3.cloned.1.call-start
scs
__scs_entry_jumppad:
0x0: {  	(pc) =	sbr.rel $0x88, $3  }
0x1: {  	(tag) =	ssettag $0x0;
	lr =	simm.s32 $0x1  }
0x2: {  	[smem:$0x3F9F] =	sst lr;
	_ =	strace $0xD0000000  }
0x3: {  	_ = 	snop  }
0x4: {  	_ = 	snop  }
0x5: {  	_ = 	snop  }
0x6: {  	_ = 	snop  }
0x7: {  	_ = 	snop  }
__scs_overlays_trampoline_lowered:
0x8: {  	[smem:$0x3FAE] =	sst s0  }
0x9: {  	[smem:$0x3FAF] =	sst s1  }
0xa: {  	[smem:$0x3FB0] =	sst s2  }
0xb: {  	[smem:$0x3FB1] =	sst s3  }
0xc: {  	[smem:$0x3FB2] =	sst s4  }
0xd: {  	[smem:$0x3FB3] =	sst s5  }
0xe: {  	[smem:$0x3FB4] =	sst s6  }
0xf: {  	[smem:$0x3FB5] =	sst s7  }
0x10: {  	[smem:$0x3FB6] =	sst s8  }
0x11: {  	[smem:$0x3FB7] =	sst s9;
	s0 =	simm.s32 @!p0 $0x0  }
0x12: {  	s1 =	sld [smem:$0x3F9D];
	s0 =	simm.s32 @p0 $0x1  }
0x13: {  	[smem:$0x3FB8] =	sst s0;
	s0 =	simm.s32 @!p1 $0x0  }
0x14: {  	s2 =	sld [smem:$0x3F9C];
	s0 =	simm.s32 @p1 $0x1  }
0x15: {  	[smem:$0x3FB9] =	sst s0;
	s0 =	simm.s32 @!p2 $0x0  }
0x16: {  	s3 =	sld [smem:$0x3FDB];
	s0 =	simm.s32 @p2 $0x1  }
0x17: {  	s4 =	simm.s32 $0x1BF5;
	[smem:$0x3FBB] =	sst s0  }
0x18: {  	s0 =	sld [smem:$0x3F9E];
	_ =	swait.ge [sflag:s4], $0x0  }
0x19: {  	s7 =	sld [smem:$0x3F9F]  }
0x1a: {  	s8 =	sadd.s32 $0xFFFFE003, lr  }
0x1b: {  	s9 =	sadd.s32 $0xFFFFFEF7, lr;
	s5 =	simm.s32 $0xFFFFFFFF;
	p2 =	slt.u32 s8, $0xFFFFF086  }
0x1c: {  	p1 =	slt.u32 s9, $0xF7A;
	s5 =	simm.s32 @!p2 $0x0  }
0x1d: {  	s5 =	simm.s32 @p1 $0x1;
	p0 =	seq.s32 s7, s2  }
0x1e: {  	s7 =	smul.u32 @!p0 $0xF7A, s2;
	p2 =	seq.s32 @!p0 s5, $0x0  }
0x1f: {  	s9 =	smul.u32 $0xF7A, s1;
	s8 =	simm.s32 @!p0 $0x1BF5;
	p2 =	por !p2, p0  }
0x20: {  	[sflag:s8] =	ssyncset.s32 @!p0 $0xFFFFF086;
	s6 =	sadd.s32 @!p0 s3, s7;
	s7 =	simm.s32 @!p0 $0x108  }
0x21: {  	s3 =	sadd.s32 s3, s9;
	s6 =	sadd.s32 @!p0 $0x88, s6;
	s7 =	simm.s32 @p2 $0x1082  }
0x22: {  	[simem:s7], [sflag:s8] =	dma.local @!p0 [hbm:s6], $0xF7A  }
0x23: {  	s9 =	sor.u32 $0xD0000000, s2;
	s6 =	simm.s32 $0x108;
	_ =	swait.ge @!p0 [sflag:s8], $0x0  }
0x24: {  	s3 =	sadd.s32 $0x88, s3;
	s6 =	simm.s32 @!p1 $0x1082;
	[sflag:s4] =	ssyncset.s32 $0xFFFFF086  }
0x25: {  	[simem:s6], [sflag:s4] =	dma.local [hbm:s3], $0xF7A  }
0x26: {  	[smem:$0x3F9F] =	sst s1;
	(tag) =	ssettag s2;
	_ =	strace s9  }
0x27: {  	s1 =	sld [smem:$0x3FAF]  }
0x28: {  	s2 =	sld [smem:$0x3FB0]  }
0x29: {  	s4 =	sld [smem:$0x3FB2]  }
0x2a: {  	p0 =	seq.s32 s5, $0x0;
	s5 =	sld [smem:$0x3FB3]  }
0x2b: {  	s6 =	sld [smem:$0x3FB4]  }
0x2c: {  	s7 =	sld [smem:$0x3FB5]  }
0x2d: {  	s3 =	simm.s32 $0x108;
	s8 =	sld [smem:$0x3FB6]  }
0x2e: {  	s3 =	simm.s32 @!p0 $0x1082;
	s9 =	sld [smem:$0x3FB7]  }
0x2f: {  	lr =	sadd.s32 s0, s3;
	s0 =	sld [smem:$0x3FAE]  }
0x30: {  	s3 =	sld [smem:$0x3FB1]  }
0x31: {  	[smem:$0x3FBA] =	sst s10  }
0x32: {  	s10 =	sld [smem:$0x3FB8];
	_ =	sdelay $0x3  }
0x33: {  	p0 =	seq.s32 s10, $0x1;
	s10 =	sld [smem:$0x3FBA];
	_ =	sdelay $0x3  }
0x34: {  	[smem:$0x3FBA] =	sst s10  }
0x35: {  	s10 =	sld [smem:$0x3FB9];
	_ =	sdelay $0x3  }
0x36: {  	p1 =	seq.s32 s10, $0x1;
	s10 =	sld [smem:$0x3FBA];
	_ =	sdelay $0x3  }
0x37: {  	[smem:$0x3FBA] =	sst s10  }
0x38: {  	s10 =	sld [smem:$0x3FBB]  }
0x39: {  	_ = 	snop;
	(pc) =	sbr.ind lr, $3  }
0x3a: {  	_ = 	snop  }
0x3b: {  	_ = 	snop  }
0x3c: {  	p2 =	seq.s32 s10, $0x1;
	s10 =	sld [smem:$0x3FBA]  }
0x3d: {  	_ =	shalt  }
0x3e: {  	_ =	shalt  }
0x3f: {  	_ =	shalt  }
0x40: {  	_ =	shalt  }
0x41: {  	_ =	shalt  }
0x42: {  	_ =	shalt  }
0x43: {  	_ =	shalt  }
0x44: {  	_ =	shalt  }
0x45: {  	_ =	shalt  }
0x46: {  	_ =	shalt  }
0x47: {  	_ =	shalt  }
0x48: {  	_ =	shalt  }
0x49: {  	_ =	shalt  }
0x4a: {  	_ =	shalt  }
0x4b: {  	_ =	shalt  }
0x4c: {  	_ =	shalt  }
0x4d: {  	_ =	shalt  }
0x4e: {  	_ =	shalt  }
0x4f: {  	_ =	shalt  }
0x50: {  	_ =	shalt  }
0x51: {  	_ =	shalt  }
0x52: {  	_ =	shalt  }
0x53: {  	_ =	shalt  }
0x54: {  	_ =	shalt  }
0x55: {  	_ =	shalt  }
0x56: {  	_ =	shalt  }
0x57: {  	_ =	shalt  }
0x58: {  	_ =	shalt  }
0x59: {  	_ =	shalt  }
0x5a: {  	_ =	shalt  }
0x5b: {  	_ =	shalt  }
0x5c: {  	_ =	shalt  }
0x5d: {  	_ =	shalt  }
0x5e: {  	_ =	shalt  }
0x5f: {  	_ =	shalt  }
0x60: {  	_ =	shalt  }
0x61: {  	_ =	shalt  }
0x62: {  	_ =	shalt  }
0x63: {  	_ =	shalt  }
0x64: {  	_ =	shalt  }
0x65: {  	_ =	shalt  }
0x66: {  	_ =	shalt  }
0x67: {  	_ =	shalt  }
0x68: {  	_ =	shalt  }
0x69: {  	_ =	shalt  }
0x6a: {  	_ =	shalt  }
0x6b: {  	_ =	shalt  }
0x6c: {  	_ =	shalt  }
0x6d: {  	_ =	shalt  }
0x6e: {  	_ =	shalt  }
0x6f: {  	_ =	shalt  }
0x70: {  	_ =	shalt  }
0x71: {  	_ =	shalt  }
0x72: {  	_ =	shalt  }
0x73: {  	_ =	shalt  }
0x74: {  	_ =	shalt  }
0x75: {  	_ =	shalt  }
0x76: {  	_ =	shalt  }
0x77: {  	_ =	shalt  }
0x78: {  	_ =	shalt  }
0x79: {  	_ =	shalt  }
0x7a: {  	_ =	shalt  }
0x7b: {  	_ =	shalt  }
0x7c: {  	_ =	shalt  }
0x7d: {  	_ =	shalt  }
0x7e: {  	_ =	shalt  }
0x7f: {  	_ =	shalt  }
0x80: {  	_ =	shalt  }
0x81: {  	_ =	shalt  }
0x82: {  	_ =	shalt  }
0x83: {  	_ =	shalt  }
0x84: {  	_ =	shalt  }
0x85: {  	_ =	shalt  }
0x86: {  	_ =	shalt  }
0x87: {  	_ =	shalt  }
.Lfunc_end0:
.L_simem_size_0:
called_computation_lowered:
.L_overlay_start_0:
0x88: {  	s2 =	sld [smem:$0x3FD9]  }
0x89: {  	s3 =	sld [smem:$0x3FFE];
	_ =	sdelay $0x1  }
0x8a: {  	s1 =	srdreg.scid  }
0x8b: {  	s0 =	sand.u32 $0x1, s1  }
0x8c: {  	s17 =	sshll.u32 s0, $0xA;
	s2 =	sadd.s32 s3, s2  }
0x8d: {  	s2 =	sadd.s32 s2, s17  }
0x8e: {  	[smem:$0x3FC6] =	sst s2  }
0x8f: {  	_ = 	snop  }
0x90: {  	s2 =	sld [smem:$0x3FC9]  }
0x91: {  	s18 =	sld [smem:$0x3FD0];
	(tm) =	ssettm $0x1  }
0x92: {  	s4 =	sld [smem:$0x3FFB];
	_ =	sdelay $0x3  }
0x93: {  	_ =	strace s4  }
0x94: {  	s4 =	sld [smem:$0x3FFC];
	_ =	sdelay $0x3  }
0x95: {  	_ =	strace s4  }
0x96: {  	s4 =	sld [smem:$0x3FFD];
	_ =	sdelay $0x3  }
0x97: {  	_ =	strace s4  }
0x98: {  	_ =	strace $0x8FFFFFFF  }
0x99: {  	s19 =	sld [smem:$0x3FDB];
	_ =	sdelay $0x1  }
0x9a: {  	s5 =	simm.s32 $_scs_section_size  }
0x9b: {  	s6 =	simm.s32 $_size__tile_overlayer_lowered;
	s7 =	simm.s32 $_tile_overlayer_lowered  }
0x9c: {  	s22 =	simm.s32 $0x1BFF;
	s21 =	sshll.u32 s7, $0x1;
	s4 =	sadd.s32 s5, s19  }
0x9d: {  	s8 =	simm.s32 $0x0;
	s20 =	sshll.u32 s6, $0x1;
	s6 =	sadd.s32 s21, s4  }
0x9e: {  	[timem:s8], [sflag:s22] =	dma.local [hbm:s6], s20  }
0x9f: {  	_ =	swait.ge [sflag:s22], s20  }
0xa0: {  	s5 =	ssub.s32 $0x0, s20;
	[sflag:s22] =	ssyncset.done $0x0  }
0xa1: {  	[sflag:s22] =	ssyncadd.s32 s5;
	_ =	sdelay $0x1  }
0xa2: {  	s23 =	simm.s32 $0x1B8B  }
0xa3: {  	_ =	swait.ge [sflag:s23], $0x1  }
0xa4: {  	[sflag:s23] =	ssyncset.done $0x0  }
0xa5: {  	s25 =	simm.s32 $0x1B8E;
	s24 =	sld [smem:$0x3FFE];
	[sflag:s23] =	ssyncadd.s32 $0xFFFFFFFF  }
0xa6: {  	s26 =	simm.s32 $execute0_lowered;
	[smem:$0x3FD2] =	sst s25  }
0xa7: {  	s6 =	sshll.u32 s26, $0x1;
	_ =	strace $0x80000046;
	[dreg:$0x1] =	wrdreg $0xFFFFFFFF  }
0xa8: {  	s28 =	simm.s32 $_size_execute0_lowered;
	s4 =	sadd.s32 s4, s6;
	[dreg:$0x0] =	wrdreg $0x0  }
0xa9: {  	s6 =	sshll.u32 s28, $0x1;
	[dreg:$0x2] =	wrdreg s4  }
0xaa: {  	[dreg:$0x3] =	wrdreg s6  }
0xab: {  	[dreg:$0x4] =	wrdreg $0xC0  }
0xac: {  	_ =	task [dreg:s8], $0x5FFFF  }
0xad: {  	[dreg:$0x1] =	wrdreg $0xFFFFFFFF  }
0xae: {  	[dreg:$0x0] =	wrdreg $0x60  }
0xaf: {  	[dreg:$0x2] =	wrdreg s2  }
0xb0: {  	[dreg:$0x3] =	wrdreg s24  }
0xb1: {  	[dreg:$0x4] =	wrdreg s18  }
0xb2: {  	[dreg:$0x5] =	wrdreg $0xC8000  }
0xb3: {  	[dreg:$0x6] =	wrdreg $0x9  }
0xb4: {  	_ =	task.clear_ibuf [dreg:s8], $0x7FFFF;
	_ =	strace $0x90000046  }
0xb5: {  	s29 =	simm.s32 $0x9;
	_ =	strace $0x80000048  }
0xb6: {  	_ =	swait.ge [sflag:s29], $0x1  }
0xb7: {  	[sflag:s29] =	ssyncadd.s32 $0xFFFFFFFF  }
0xb8: {  	_ =	strace $0x90000048  }
0xb9: {  	_ =	sfence  }
0xba: {  	s30 =	sld [smem:$0x0];
	_ =	sdelay $0x2  }
0xbb: {  	s31 =	sshll.u32 s1, $0xD;
	s1 =	sshrl.u32 s1, $0x2  }
0xbc: {  	s3 =	sand.u32 $0x4000, s31;
	s1 =	sadd.s32 s1, s30  }
0xbd: {  	s0 =	sor.u32 s3, s0;
	s1 =	sshll.u32 s1, $0x11  }
0xbe: {  	s0 =	sor.u32 s1, s0  }
0xbf: {  	s0 =	sadd.s32 $0x8F2B, s0  }
0xc0: {  	[sflag:s0] =	ssyncadd.remote.s32 $0x1  }
0xc1: {  	_ =	sfence.sel $0xFFFF  }
0xc2: {  	[dreg:$0x0] =	wrdreg $0xFFFFFFFF;
	(pc) =	sbr.abs _section_cstart, $3  }
0xc3: {  	[dreg:$0x1] =	wrdreg $0xFFFFFFFF  }
0xc4: {  	_ =	task.clear_ibuf [dreg:s8], $0x2FFFF;
	_ =	strace $0x9FFFFFFF  }
0xc5: {  	(tm) =	ssettm $0x7FFFFFFF  }
tec
execute0_lowered:
.L_overlay_start_1:
0x0: {  	(tag) =	ssettag $0x1  }
0x1: {  	s1 =	rddreg [dreg:$0x0]  }
0x2: {  	s0 =	rddreg [dreg:$0x1]  }
0x3: {  	s3 =	rddreg [dreg:$0x2]  }
0x4: {  	s2 =	rddreg [dreg:$0x3];
	s12 =	stileid.u32;
	s4 =	simm.s32 $0x0  }
0x5: {  	s5 =	srdreg.scid;
	s13 =	simm.s32 $0xD;
	s14 =	simm.s32 $0x50  }
0x6: {  	s15 =	simm.s32 $0x6400;
	s25 =	simm.s32 $0x4F60;
	s26 =	simm.s32 $0x4FB0  }
0x7: {  	s28 =	simm.s32 $0x7;
	s29 =	simm.s32 $0x4;
	s30 =	simm.s32 $0x4F10  }
0x8: {  	s31 =	simm.s32 $0x8;
	s16 =	simm.s32 $0x9;
	s6 =	smul.u32 $0x27000, s12  }
0x9: {  	[smem:$0x7FF] =	sst s4;
	s8 =	sand.u32 $0x1, s5;
	s9 =	smul.u32 $0x13800, s12  }
0xa: {  	s10 =	smul.u32 $0x9C4, s12;
	s21 =	sadd.s32 $0x9C000, s2;
	p0 =	sne.s32 s12, $0x0  }
0xb: {  	s12 =	simm.s32 $0x5000;
	_ =	strace $0x80000047;
	[dreg:$0x8] =	wrdreg s21  }
0xc: {  	s7 =	ssub.s32 $0x2, s8;
	s20 =	sshll.u32 s8, $0x6;
	[dreg:$0x5] =	wrdreg s25  }
0xd: {  	s11 =	sshll.u32 s8, $0x3;
	s21 =	simm.s32 $0xA000;
	[dreg:$0x6] =	wrdreg s26  }
0xe: {  	s25 =	simm.s32 $0x3;
	s26 =	simm.s32 $0x4EC0;
	s17 =	sshrl.u32 s6, $0x2  }
0xf: {  	s18 =	sshrl.u32 s7, $0x1;
	s9 =	sor.u32 s20, s9;
	s11 =	sadd.s32 s11, s3  }
0x10: {  	s0 =	sadd.s32 s0, s10;
	s20 =	simm.s32 $0x4E20;
	s5 =	sadd.s32 s17, s2  }
0x11: {  	s6 =	ssub.s32 s7, s18;
	s9 =	sshrl.u32 s9, $0x3;
	[dreg:$0x9] =	wrdreg s0  }
0x12: {  	s23 =	sadd.s32 $0x27000, s11;
	s17 =	simm.s32 $0x7800;
	[dreg:$0xc] =	wrdreg s5  }
0x13: {  	s18 =	simm.s32 $0x8C00;
	s19 =	sadd.s32 $0x4E00, s5;
	[dreg:$0xb] =	wrdreg s23  }
0x14: {  	s0 =	simm.s32 $0x5;
	s22 =	sadd.s32 s3, s9;
	[dreg:$0x7] =	wrdreg s19  }
0x15: {  	s24 =	smax.u32 s6, $0x1;
	s23 =	simm.s32 $0x4E70;
	[dreg:$0xa] =	wrdreg s22  }
0x16: {  	s3 =	simm.s32 $0x6;
	s6 =	simm.s32 $0xA;
	[dreg:$0xd] =	wrdreg s24  }
0x17: {  	v1 =	vimm.f32 $0.0e+00;
	v0 =	vmov s8;
	s19 =	simm.s32 $0x1;
	s22 =	simm.s32 $0x2;
	s24 =	simm.s32 $0xB400  }
.LBB2_1:
0x18: {  	s10 =	simm.s32 $0x100;
	s8 =	simm.s32 $0x0  }
.LBB2_2:
0x19: {  	p1 =	sne.s32 s10, $0x1DF00;
	[tilespmem:s8+$0x5030] =	vst v1;
	s11 =	smov.u32 s10;
	s10 =	sadd.s32 $0x100, s10  }
.Ltmp0:
0x1a: {  	[tilespmem:s8+$0x5020] =	vst v1;
	(pc) =	sbr.rel @p1 .LBB2_2-.Ltmp0, $3  }
0x1b: {  	[tilespmem:s8+$0x5000] =	vst v1  }
0x1c: {  	[tilespmem:s8+$0x5010] =	vst v1;
	_ =	sdelay $0x1  }
0x1d: {  	s8 =	sshra.s32 s11, $0x2  }
0x1e: {  	[tilespmem:s8+$0x5030] =	vst v1  }
0x1f: {  	[tilespmem:s8+$0x5020] =	vst v1  }
0x20: {  	[tilespmem:s8+$0x5000] =	vst v1  }
0x21: {  	[tilespmem:s8+$0x5010] =	vst v1;
	s5 =	rddreg [dreg:$0xc]  }
0x22: {  	[spmem:s5] =	stream.linear.scatter [tilespmem:s12], [sflag:$0xD], $0x4E00, $0x38;
	[tilespmem:$0x16440] =	vst v63  }
0x23: {  	_ =	swait.ge [sflag:s13], $0x4E00  }
0x24: {  	[sflag:s13] =	ssyncset.done $0x0  }
0x25: {  	s7 =	rddreg [dreg:$0x7];
	[sflag:s13] =	ssyncadd.s32 $0xFFFFB200  }
0x26: {  	[spmem:s7] =	stream.linear.scatter [tilespmem:s12], [sflag:$0xD], $0x4E00, $0x38;
	[tilespmem:$0x16440] =	vst v63  }
0x27: {  	_ =	swait.ge [sflag:s13], $0x4E00  }
0x28: {  	[sflag:s13] =	ssyncset.done $0x0  }
0x29: {  	s8 =	simm.s32 @!p0 $0x5000;
	s7 =	rddreg [dreg:$0x8];
	[sflag:s13] =	ssyncadd.s32 $0xFFFFB200  }
0x2a: {  	[spmem:s7] =	stream.linear.scatter @!p0 [tilespmem:s8], [sflag:$0xD], $0x400, $0x38;
	[tilespmem:$0x16440] =	vst v63  }
0x2b: {  	s8 =	simm.s32 @!p0 $0xD  }
0x2c: {  	_ =	swait.ge @!p0 [sflag:s8], $0x400  }
0x2d: {  	[sflag:s8] =	ssyncset.done @!p0 $0x0  }
0x2e: {  	[sflag:s8] =	ssyncadd.s32 @!p0 $0xFFFFFC00  }
0x2f: {  	[bflag:$0x0] =	sbarrier.arrive $0xFFFF  }
0x30: {  	s11 =	simm.s32 $0x0;
	s5 =	rddreg [dreg:$0x9]  }
0x31: {  	[tilespmem:s11], [sflag:$0xD] =	stream.linear.gather [hbm4b:s5+s11], $0x4E20, $0x38;
	[tilespmem:$0x16440] =	vst v63  }
0x32: {  	_ =	swait.ge [sflag:s13], $0x4E20  }
0x33: {  	[sflag:s13] =	ssyncset.done $0x0  }
0x34: {  	[sflag:s13] =	ssyncadd.s32 $0xFFFFB1E0  }
0x35: {  	v2 =	vld [tilespmem:$0x0];
	_ =	sdelay $0x1  }
0x36: {  	v3 =	vld [tilespmem:$0x10];
	_ =	sdelay $0x1  }
0x37: {  	v4 =	vld [tilespmem:$0x20]  }
0x38: {  	v5 =	vshra.s32 v2, $0xD  }
0x39: {  	v6 =	vld [tilespmem:$0x30];
	v2 =	vand.u32 $0x3FFF, v2;
	v5 =	vand.u32 $0xFFFFFFFE, v5  }
0x3a: {  	v46 =	vshra.s32 v3, $0xD;
	[tilespmem:$0x4E20] =	vst v2;
	v2 =	vor.u32 v0, v5  }
0x3b: {  	v47 =	vld [tilespmem:$0x40];
	[tilespmem:$0x0] =	vst v2;
	v2 =	vand.u32 $0x3FFF, v3;
	v3 =	vand.u32 $0xFFFFFFFE, v46  }
0x3c: {  	[tilespmem:$0x4E30] =	vst v2;
	v2 =	vor.u32 v0, v3;
	v3 =	vshra.s32 v4, $0xD  }
0x3d: {  	[tilespmem:$0x10] =	vst v2;
	v2 =	vand.u32 $0x3FFF, v4;
	v3 =	vand.u32 $0xFFFFFFFE, v3  }
0x3e: {  	[tilespmem:$0x4E40] =	vst v2;
	v2 =	vor.u32 v0, v3;
	v3 =	vshra.s32 v6, $0xD  }
0x3f: {  	[tilespmem:$0x20] =	vst v2;
	v2 =	vand.u32 $0x3FFF, v6;
	v3 =	vand.u32 $0xFFFFFFFE, v3  }
0x40: {  	[tilespmem:$0x4E50] =	vst v2;
	v2 =	vor.u32 v0, v3;
	v3 =	vshra.s32 v47, $0xD  }
0x41: {  	[tilespmem:$0x30] =	vst v2;
	v2 =	vand.u32 $0x3FFF, v47;
	v3 =	vand.u32 $0xFFFFFFFE, v3  }
0x42: {  	[tilespmem:$0x4E60] =	vst v2;
	v2 =	vor.u32 v0, v3  }
0x43: {  	[tilespmem:$0x40] =	vst v2  }
0x44: {  	[tilespmem:s12], [sflag:$0x1] =	stream.indirect.gather [hbm4b:s1+s14], $0x40, s11, s14, $0xb8;
	[tilespmem:$0x16440] =	vst v63  }
0x45: {  	v2 =	vld [tilespmem:$0x50];
	_ =	sdelay $0x1  }
0x46: {  	v3 =	vld [tilespmem:$0x60];
	_ =	sdelay $0x1  }
0x47: {  	v48 =	vld [tilespmem:$0x70]  }
0x48: {  	v49 =	vshra.s32 v2, $0xD  }
0x49: {  	v50 =	vld [tilespmem:$0x80];
	v2 =	vand.u32 $0x3FFF, v2;
	v5 =	vand.u32 $0xFFFFFFFE, v49  }
0x4a: {  	v51 =	vshra.s32 v3, $0xD;
	[tilespmem:$0x4E70] =	vst v2;
	v2 =	vor.u32 v0, v5  }
0x4b: {  	v52 =	vld [tilespmem:$0x90];
	[tilespmem:$0x50] =	vst v2;
	v2 =	vand.u32 $0x3FFF, v3;
	v3 =	vand.u32 $0xFFFFFFFE, v51  }
0x4c: {  	[tilespmem:$0x4E80] =	vst v2;
	v2 =	vor.u32 v0, v3;
	v3 =	vshra.s32 v48, $0xD  }
0x4d: {  	[tilespmem:$0x60] =	vst v2;
	v2 =	vand.u32 $0x3FFF, v48;
	v3 =	vand.u32 $0xFFFFFFFE, v3  }
0x4e: {  	[tilespmem:$0x4E90] =	vst v2;
	v2 =	vor.u32 v0, v3;
	v3 =	vshra.s32 v50, $0xD  }
0x4f: {  	[tilespmem:$0x70] =	vst v2;
	v2 =	vand.u32 $0x3FFF, v50;
	v3 =	vand.u32 $0xFFFFFFFE, v3  }
0x50: {  	[tilespmem:$0x4EA0] =	vst v2;
	v2 =	vor.u32 v0, v3;
	v3 =	vshra.s32 v52, $0xD  }
0x51: {  	[tilespmem:$0x80] =	vst v2;
	v2 =	vand.u32 $0x3FFF, v52;
	v3 =	vand.u32 $0xFFFFFFFE, v3  }
0x52: {  	[tilespmem:$0x4EB0] =	vst v2;
	v2 =	vor.u32 v0, v3  }
0x53: {  	[tilespmem:$0x90] =	vst v2  }
0x54: {  	[tilespmem:s15], [sflag:$0x2] =	stream.indirect.gather [hbm4b:s1+s14], $0x40, s14, s14, $0xb8;
	[tilespmem:$0x16440] =	vst v63  }
0x55: {  	v2 =	vld [tilespmem:$0xA0];
	_ =	sdelay $0x1  }
0x56: {  	v3 =	vld [tilespmem:$0xB0];
	_ =	sdelay $0x1  }
0x57: {  	v53 =	vld [tilespmem:$0xC0]  }
0x58: {  	v54 =	vshra.s32 v2, $0xD  }
0x59: {  	v55 =	vld [tilespmem:$0xD0];
	v2 =	vand.u32 $0x3FFF, v2;
	v5 =	vand.u32 $0xFFFFFFFE, v54  }
0x5a: {  	v56 =	vshra.s32 v3, $0xD;
	[tilespmem:$0x4EC0] =	vst v2;
	v2 =	vor.u32 v0, v5  }
0x5b: {  	v57 =	vld [tilespmem:$0xE0];
	[tilespmem:$0xA0] =	vst v2;
	v2 =	vand.u32 $0x3FFF, v3;
	v3 =	vand.u32 $0xFFFFFFFE, v56  }
0x5c: {  	[tilespmem:$0x4ED0] =	vst v2;
	v2 =	vor.u32 v0, v3;
	v3 =	vshra.s32 v53, $0xD  }
0x5d: {  	[tilespmem:$0xB0] =	vst v2;
	v2 =	vand.u32 $0x3FFF, v53;
	v3 =	vand.u32 $0xFFFFFFFE, v3  }
0x5e: {  	[tilespmem:$0x4EE0] =	vst v2;
	v2 =	vor.u32 v0, v3;
	v3 =	vshra.s32 v55, $0xD  }
0x5f: {  	[tilespmem:$0xC0] =	vst v2;
	v2 =	vand.u32 $0x3FFF, v55;
	v3 =	vand.u32 $0xFFFFFFFE, v3  }
0x60: {  	[tilespmem:$0x4EF0] =	vst v2;
	v2 =	vor.u32 v0, v3;
	v3 =	vshra.s32 v57, $0xD  }
0x61: {  	[tilespmem:$0xD0] =	vst v2;
	v2 =	vand.u32 $0x3FFF, v57;
	v3 =	vand.u32 $0xFFFFFFFE, v3  }
0x62: {  	p1 =	por $0x1, $0x1;
	[tilespmem:$0x4F00] =	vst v2;
	v2 =	vor.u32 v0, v3  }
0x63: {  	p1 =	por p1, p1;
	s8 =	simm.s32 $0xA0;
	[tilespmem:$0xE0] =	vst v2  }
0x64: {  	[tilespmem:s17], [sflag:$0x3] =	stream.indirect.gather [hbm4b:s1+s14], $0x40, s8, s14, $0xb8;
	[tilespmem:$0x16440] =	vst v63  }
0x65: {  	s8 =	simm.s32 @!p1 $0xA  }
0x66: {  	_ =	swait.ge @!p1 [sflag:s8], $0x1400  }
0x67: {  	[sflag:s8] =	ssyncset.done @!p1 $0x0  }
0x68: {  	[sflag:s8] =	ssyncadd.s32 @!p1 $0xFFFFEC00;
	s8 =	simm.s32 $0x0  }
0x69: {  	v2 =	vld [tilespmem:s8+$0xF0];
	_ =	sdelay $0x4  }
0x6a: {  	v3 =	vand.u32 $0x3FFF, v2  }
0x6b: {  	[tilespmem:$0x4F10] =	vst v3  }
0x6c: {  	v3 =	vld [tilespmem:s8+$0x100];
	_ =	sdelay $0x1  }
0x6d: {  	v2 =	vshra.s32 v2, $0xD  }
0x6e: {  	v2 =	vand.u32 $0xFFFFFFFE, v2  }
0x6f: {  	v2 =	vor.u32 v0, v2  }
0x70: {  	[tilespmem:s8+$0xF0] =	vst v2;
	v2 =	vand.u32 $0x3FFF, v3  }
0x71: {  	[tilespmem:$0x4F20] =	vst v2  }
0x72: {  	v2 =	vld [tilespmem:s8+$0x110];
	_ =	sdelay $0x1  }
0x73: {  	v3 =	vshra.s32 v3, $0xD  }
0x74: {  	v3 =	vand.u32 $0xFFFFFFFE, v3  }
0x75: {  	v3 =	vor.u32 v0, v3  }
0x76: {  	[tilespmem:s8+$0x100] =	vst v3;
	v3 =	vand.u32 $0x3FFF, v2  }
0x77: {  	[tilespmem:$0x4F30] =	vst v3  }
0x78: {  	v3 =	vld [tilespmem:s8+$0x120];
	_ =	sdelay $0x1  }
0x79: {  	v2 =	vshra.s32 v2, $0xD  }
0x7a: {  	v2 =	vand.u32 $0xFFFFFFFE, v2  }
0x7b: {  	v2 =	vor.u32 v0, v2  }
0x7c: {  	[tilespmem:s8+$0x110] =	vst v2;
	v2 =	vand.u32 $0x3FFF, v3  }
0x7d: {  	[tilespmem:$0x4F40] =	vst v2  }
0x7e: {  	v2 =	vld [tilespmem:s8+$0x130];
	_ =	sdelay $0x2  }
0x7f: {  	v3 =	vshra.s32 v3, $0xD  }
0x80: {  	v3 =	vand.u32 $0xFFFFFFFE, v3  }
0x81: {  	v3 =	vor.u32 v0, v3;
	v58 =	vshra.s32 v2, $0xD  }
0x82: {  	[tilespmem:s8+$0x120] =	vst v3;
	v2 =	vand.u32 $0x3FFF, v2;
	v3 =	vand.u32 $0xFFFFFFFE, v58  }
0x83: {  	[tilespmem:$0x4F50] =	vst v2;
	v2 =	vor.u32 v0, v3  }
0x84: {  	s10 =	simm.s32 $0xF0;
	[tilespmem:s8+$0x130] =	vst v2  }
0x85: {  	[tilespmem:s18], [sflag:$0x4] =	stream.indirect.gather [hbm4b:s1+s14], $0x40, s10, s14, $0xb8;
	[tilespmem:$0x16440] =	vst v63  }
0x86: {  	_ =	swait.ge [sflag:s19], $0x1400  }
0x87: {  	[sflag:s19] =	ssyncset.done $0x0  }
0x88: {  	s10 =	simm.s32 @!p1 $0xB;
	[sflag:s19] =	ssyncadd.s32 $0xFFFFEC00  }
0x89: {  	[spmem:s2] =	stream.indirect.scatter.add.f32 [tilespmem:s12], [sflag:$0x7], $0x40, s20, s14, $0xb8;
	[tilespmem:$0x16440] =	vst v63  }
0x8a: {  	_ =	swait.ge @!p1 [sflag:s10], $0x1400  }
0x8b: {  	[sflag:s10] =	ssyncset.done @!p1 $0x0  }
0x8c: {  	[sflag:s10] =	ssyncadd.s32 @!p1 $0xFFFFEC00  }
0x8d: {  	v2 =	vld [tilespmem:s8+$0x140];
	_ =	sdelay $0x4  }
0x8e: {  	v3 =	vand.u32 $0x3FFF, v2  }
0x8f: {  	[tilespmem:$0x4F60] =	vst v3  }
0x90: {  	v3 =	vld [tilespmem:s8+$0x150];
	_ =	sdelay $0x1  }
0x91: {  	v2 =	vshra.s32 v2, $0xD  }
0x92: {  	v2 =	vand.u32 $0xFFFFFFFE, v2  }
0x93: {  	v2 =	vor.u32 v0, v2  }
0x94: {  	[tilespmem:s8+$0x140] =	vst v2;
	v2 =	vand.u32 $0x3FFF, v3  }
0x95: {  	[tilespmem:$0x4F70] =	vst v2  }
0x96: {  	v2 =	vld [tilespmem:s8+$0x160];
	_ =	sdelay $0x1  }
0x97: {  	v3 =	vshra.s32 v3, $0xD  }
0x98: {  	v3 =	vand.u32 $0xFFFFFFFE, v3  }
0x99: {  	v3 =	vor.u32 v0, v3  }
0x9a: {  	[tilespmem:s8+$0x150] =	vst v3;
	v3 =	vand.u32 $0x3FFF, v2  }
0x9b: {  	[tilespmem:$0x4F80] =	vst v3  }
0x9c: {  	v3 =	vld [tilespmem:s8+$0x170];
	_ =	sdelay $0x1  }
0x9d: {  	v2 =	vshra.s32 v2, $0xD  }
0x9e: {  	v2 =	vand.u32 $0xFFFFFFFE, v2  }
0x9f: {  	v2 =	vor.u32 v0, v2  }
0xa0: {  	[tilespmem:s8+$0x160] =	vst v2;
	v2 =	vand.u32 $0x3FFF, v3  }
0xa1: {  	[tilespmem:$0x4F90] =	vst v2  }
0xa2: {  	v2 =	vld [tilespmem:s8+$0x180];
	_ =	sdelay $0x2  }
0xa3: {  	v3 =	vshra.s32 v3, $0xD  }
0xa4: {  	v3 =	vand.u32 $0xFFFFFFFE, v3  }
0xa5: {  	v3 =	vor.u32 v0, v3;
	v59 =	vshra.s32 v2, $0xD  }
0xa6: {  	[tilespmem:s8+$0x170] =	vst v3;
	v2 =	vand.u32 $0x3FFF, v2;
	v3 =	vand.u32 $0xFFFFFFFE, v59  }
0xa7: {  	[tilespmem:$0x4FA0] =	vst v2;
	v2 =	vor.u32 v0, v3  }
0xa8: {  	s9 =	simm.s32 $0x140;
	[tilespmem:s8+$0x180] =	vst v2  }
0xa9: {  	[tilespmem:s21], [sflag:$0x5] =	stream.indirect.gather [hbm4b:s1+s14], $0x40, s9, s14, $0xb8;
	[tilespmem:$0x16440] =	vst v63  }
0xaa: {  	_ =	swait.ge [sflag:s22], $0x1400  }
0xab: {  	[sflag:s22] =	ssyncset.done $0x0  }
0xac: {  	s10 =	simm.s32 @!p1 $0xC;
	[sflag:s22] =	ssyncadd.s32 $0xFFFFEC00  }
0xad: {  	[spmem:s2] =	stream.indirect.scatter.add.f32 [tilespmem:s15], [sflag:$0x8], $0x40, s23, s14, $0xb8;
	[tilespmem:$0x16440] =	vst v63  }
0xae: {  	_ =	swait.ge @!p1 [sflag:s10], $0x1400  }
0xaf: {  	[sflag:s10] =	ssyncset.done @!p1 $0x0  }
0xb0: {  	[sflag:s10] =	ssyncadd.s32 @!p1 $0xFFFFEC00  }
0xb1: {  	v2 =	vld [tilespmem:s8+$0x190];
	_ =	sdelay $0x4  }
0xb2: {  	v3 =	vand.u32 $0x3FFF, v2  }
0xb3: {  	[tilespmem:$0x4FB0] =	vst v3  }
0xb4: {  	v3 =	vld [tilespmem:s8+$0x1A0];
	_ =	sdelay $0x1  }
0xb5: {  	v2 =	vshra.s32 v2, $0xD  }
0xb6: {  	v2 =	vand.u32 $0xFFFFFFFE, v2  }
0xb7: {  	v2 =	vor.u32 v0, v2  }
0xb8: {  	[tilespmem:s8+$0x190] =	vst v2;
	v2 =	vand.u32 $0x3FFF, v3  }
0xb9: {  	[tilespmem:$0x4FC0] =	vst v2  }
0xba: {  	v2 =	vld [tilespmem:s8+$0x1B0];
	_ =	sdelay $0x1  }
0xbb: {  	v3 =	vshra.s32 v3, $0xD  }
0xbc: {  	v3 =	vand.u32 $0xFFFFFFFE, v3  }
0xbd: {  	v3 =	vor.u32 v0, v3  }
0xbe: {  	[tilespmem:s8+$0x1A0] =	vst v3;
	v3 =	vand.u32 $0x3FFF, v2  }
0xbf: {  	[tilespmem:$0x4FD0] =	vst v3  }
0xc0: {  	v3 =	vld [tilespmem:s8+$0x1C0];
	_ =	sdelay $0x1  }
0xc1: {  	v2 =	vshra.s32 v2, $0xD  }
0xc2: {  	v2 =	vand.u32 $0xFFFFFFFE, v2  }
0xc3: {  	v2 =	vor.u32 v0, v2  }
0xc4: {  	[tilespmem:s8+$0x1B0] =	vst v2;
	v2 =	vand.u32 $0x3FFF, v3  }
0xc5: {  	[tilespmem:$0x4FE0] =	vst v2  }
0xc6: {  	v2 =	vld [tilespmem:s8+$0x1D0];
	_ =	sdelay $0x2  }
0xc7: {  	v3 =	vshra.s32 v3, $0xD  }
0xc8: {  	v3 =	vand.u32 $0xFFFFFFFE, v3  }
0xc9: {  	v3 =	vor.u32 v0, v3;
	v60 =	vshra.s32 v2, $0xD  }
0xca: {  	[tilespmem:s8+$0x1C0] =	vst v3;
	v2 =	vand.u32 $0x3FFF, v2;
	v3 =	vand.u32 $0xFFFFFFFE, v60  }
0xcb: {  	[tilespmem:$0x4FF0] =	vst v2;
	v2 =	vor.u32 v0, v3  }
0xcc: {  	s11 =	simm.s32 $0x190;
	[tilespmem:s8+$0x1D0] =	vst v2  }
0xcd: {  	[tilespmem:s24], [sflag:$0x6] =	stream.indirect.gather [hbm4b:s1+s14], $0x40, s11, s14, $0xb8;
	[tilespmem:$0x16440] =	vst v63  }
0xce: {  	_ =	swait.ge [sflag:s25], $0x1400  }
0xcf: {  	[sflag:s25] =	ssyncset.done $0x0  }
0xd0: {  	[sflag:s25] =	ssyncadd.s32 $0xFFFFEC00  }
0xd1: {  	[spmem:s2] =	stream.indirect.scatter.add.f32 [tilespmem:s17], [sflag:$0x9], $0x40, s26, s14, $0xb8;
	[tilespmem:$0x16440] =	vst v63  }
0xd2: {  	_ =	swait.ge [sflag:s28], $0x1400  }
0xd3: {  	[sflag:s28] =	ssyncset.done $0x0  }
0xd4: {  	[sflag:s28] =	ssyncadd.s32 $0xFFFFEC00  }
0xd5: {  	v2 =	vld [tilespmem:s8+$0x1E0];
	_ =	sdelay $0x4  }
0xd6: {  	v3 =	vand.u32 $0x3FFF, v2  }
0xd7: {  	[tilespmem:$0x4E20] =	vst v3  }
0xd8: {  	v3 =	vld [tilespmem:s8+$0x1F0];
	_ =	sdelay $0x1  }
0xd9: {  	v2 =	vshra.s32 v2, $0xD  }
0xda: {  	v2 =	vand.u32 $0xFFFFFFFE, v2  }
0xdb: {  	v2 =	vor.u32 v0, v2  }
0xdc: {  	[tilespmem:s8+$0x1E0] =	vst v2;
	v2 =	vand.u32 $0x3FFF, v3  }
0xdd: {  	[tilespmem:$0x4E30] =	vst v2  }
0xde: {  	v2 =	vld [tilespmem:s8+$0x200];
	_ =	sdelay $0x1  }
0xdf: {  	v3 =	vshra.s32 v3, $0xD  }
0xe0: {  	v3 =	vand.u32 $0xFFFFFFFE, v3  }
0xe1: {  	v3 =	vor.u32 v0, v3  }
0xe2: {  	[tilespmem:s8+$0x1F0] =	vst v3;
	v3 =	vand.u32 $0x3FFF, v2  }
0xe3: {  	[tilespmem:$0x4E40] =	vst v3  }
0xe4: {  	v3 =	vld [tilespmem:s8+$0x210];
	_ =	sdelay $0x1  }
0xe5: {  	v2 =	vshra.s32 v2, $0xD  }
0xe6: {  	v2 =	vand.u32 $0xFFFFFFFE, v2  }
0xe7: {  	v2 =	vor.u32 v0, v2  }
0xe8: {  	[tilespmem:s8+$0x200] =	vst v2;
	v2 =	vand.u32 $0x3FFF, v3  }
0xe9: {  	[tilespmem:$0x4E50] =	vst v2  }
0xea: {  	v2 =	vld [tilespmem:s8+$0x220];
	_ =	sdelay $0x2  }
0xeb: {  	v3 =	vshra.s32 v3, $0xD  }
0xec: {  	v3 =	vand.u32 $0xFFFFFFFE, v3  }
0xed: {  	v3 =	vor.u32 v0, v3;
	v61 =	vshra.s32 v2, $0xD  }
0xee: {  	[tilespmem:s8+$0x210] =	vst v3;
	v2 =	vand.u32 $0x3FFF, v2;
	v3 =	vand.u32 $0xFFFFFFFE, v61  }
0xef: {  	[tilespmem:$0x4E60] =	vst v2;
	v2 =	vor.u32 v0, v3  }
0xf0: {  	s5 =	simm.s32 $0x1E0;
	[tilespmem:s8+$0x220] =	vst v2  }
0xf1: {  	[tilespmem:s12], [sflag:$0x1] =	stream.indirect.gather [hbm4b:s1+s14], $0x40, s5, s14, $0xb8;
	[tilespmem:$0x16440] =	vst v63  }
0xf2: {  	_ =	swait.ge [sflag:s29], $0x1400  }
0xf3: {  	[sflag:s29] =	ssyncset.done $0x0  }
0xf4: {  	[sflag:s29] =	ssyncadd.s32 $0xFFFFEC00  }
0xf5: {  	[spmem:s2] =	stream.indirect.scatter.add.f32 [tilespmem:s18], [sflag:$0xA], $0x40, s30, s14, $0xb8;
	[tilespmem:$0x16440] =	vst v63  }
0xf6: {  	_ =	swait.ge [sflag:s31], $0x1400  }
0xf7: {  	[sflag:s31] =	ssyncset.done $0x0  }
0xf8: {  	[sflag:s31] =	ssyncadd.s32 $0xFFFFEC00  }
0xf9: {  	v2 =	vld [tilespmem:s8+$0x230];
	_ =	sdelay $0x4  }
0xfa: {  	v3 =	vand.u32 $0x3FFF, v2  }
0xfb: {  	[tilespmem:$0x4E70] =	vst v3  }
0xfc: {  	v3 =	vld [tilespmem:s8+$0x240];
	_ =	sdelay $0x1  }
0xfd: {  	v2 =	vshra.s32 v2, $0xD  }
0xfe: {  	v2 =	vand.u32 $0xFFFFFFFE, v2  }
0xff: {  	v2 =	vor.u32 v0, v2  }
0x100: {  	[tilespmem:s8+$0x230] =	vst v2;
	v2 =	vand.u32 $0x3FFF, v3  }
0x101: {  	[tilespmem:$0x4E80] =	vst v2  }
0x102: {  	v2 =	vld [tilespmem:s8+$0x250];
	_ =	sdelay $0x1  }
0x103: {  	v3 =	vshra.s32 v3, $0xD  }
0x104: {  	v3 =	vand.u32 $0xFFFFFFFE, v3  }
0x105: {  	v3 =	vor.u32 v0, v3  }
0x106: {  	[tilespmem:s8+$0x240] =	vst v3;
	v3 =	vand.u32 $0x3FFF, v2  }
0x107: {  	[tilespmem:$0x4E90] =	vst v3  }
0x108: {  	v3 =	vld [tilespmem:s8+$0x260];
	_ =	sdelay $0x1  }
0x109: {  	v2 =	vshra.s32 v2, $0xD  }
0x10a: {  	v2 =	vand.u32 $0xFFFFFFFE, v2  }
0x10b: {  	v2 =	vor.u32 v0, v2  }
0x10c: {  	[tilespmem:s8+$0x250] =	vst v2;
	v2 =	vand.u32 $0x3FFF, v3  }
0x10d: {  	[tilespmem:$0x4EA0] =	vst v2  }
0x10e: {  	v2 =	vld [tilespmem:s8+$0x270];
	_ =	sdelay $0x2  }
0x10f: {  	v3 =	vshra.s32 v3, $0xD  }
0x110: {  	v3 =	vand.u32 $0xFFFFFFFE, v3  }
0x111: {  	v3 =	vor.u32 v0, v3;
	v62 =	vshra.s32 v2, $0xD  }
0x112: {  	[tilespmem:s8+$0x260] =	vst v3;
	v2 =	vand.u32 $0x3FFF, v2;
	v3 =	vand.u32 $0xFFFFFFFE, v62  }
0x113: {  	[tilespmem:$0x4EB0] =	vst v2;
	v2 =	vor.u32 v0, v3  }
0x114: {  	s7 =	simm.s32 $0x230;
	[tilespmem:s8+$0x270] =	vst v2  }
0x115: {  	[tilespmem:s15], [sflag:$0x2] =	stream.indirect.gather [hbm4b:s1+s14], $0x40, s7, s14, $0xb8;
	[tilespmem:$0x16440] =	vst v63  }
0x116: {  	_ =	swait.ge [sflag:s0], $0x1400  }
0x117: {  	[sflag:s0] =	ssyncset.done $0x0  }
0x118: {  	s9 =	rddreg [dreg:$0x5];
	[sflag:s0] =	ssyncadd.s32 $0xFFFFEC00  }
0x119: {  	[spmem:s2] =	stream.indirect.scatter.add.f32 [tilespmem:s21], [sflag:$0xB], $0x40, s9, s14, $0xb8;
	[tilespmem:$0x16440] =	vst v63  }
0x11a: {  	_ =	swait.ge [sflag:s16], $0x1400  }
0x11b: {  	[sflag:s16] =	ssyncset.done $0x0  }
0x11c: {  	[sflag:s16] =	ssyncadd.s32 $0xFFFFEC00  }
0x11d: {  	v2 =	vld [tilespmem:s8+$0x280];
	_ =	sdelay $0x4  }
0x11e: {  	v3 =	vand.u32 $0x3FFF, v2  }
0x11f: {  	[tilespmem:$0x4EC0] =	vst v3  }
0x120: {  	v3 =	vld [tilespmem:s8+$0x290];
	_ =	sdelay $0x1  }
0x121: {  	v2 =	vshra.s32 v2, $0xD  }
0x122: {  	v2 =	vand.u32 $0xFFFFFFFE, v2  }
0x123: {  	v2 =	vor.u32 v0, v2  }
0x124: {  	[tilespmem:s8+$0x280] =	vst v2;
	v2 =	vand.u32 $0x3FFF, v3  }
0x125: {  	[tilespmem:$0x4ED0] =	vst v2  }
0x126: {  	v2 =	vld [tilespmem:s8+$0x2A0];
	_ =	sdelay $0x1  }
0x127: {  	v3 =	vshra.s32 v3, $0xD  }
0x128: {  	v3 =	vand.u32 $0xFFFFFFFE, v3  }
0x129: {  	v3 =	vor.u32 v0, v3  }
0x12a: {  	[tilespmem:s8+$0x290] =	vst v3;
	v3 =	vand.u32 $0x3FFF, v2  }
0x12b: {  	[tilespmem:$0x4EE0] =	vst v3  }
0x12c: {  	v3 =	vld [tilespmem:s8+$0x2B0];
	_ =	sdelay $0x1  }
0x12d: {  	v2 =	vshra.s32 v2, $0xD  }
0x12e: {  	v2 =	vand.u32 $0xFFFFFFFE, v2  }
0x12f: {  	v2 =	vor.u32 v0, v2  }
0x130: {  	[tilespmem:s8+$0x2A0] =	vst v2;
	v2 =	vand.u32 $0x3FFF, v3  }
0x131: {  	[tilespmem:$0x4EF0] =	vst v2  }
0x132: {  	v2 =	vld [tilespmem:s8+$0x2C0];
	_ =	sdelay $0x2  }
0x133: {  	v3 =	vshra.s32 v3, $0xD  }
0x134: {  	v3 =	vand.u32 $0xFFFFFFFE, v3  }
0x135: {  	v3 =	vor.u32 v0, v3;
	v63 =	vshra.s32 v2, $0xD  }
0x136: {  	[tilespmem:s8+$0x2B0] =	vst v3;
	v2 =	vand.u32 $0x3FFF, v2;
	v3 =	vand.u32 $0xFFFFFFFE, v63  }
0x137: {  	[tilespmem:$0x4F00] =	vst v2;
	v2 =	vor.u32 v0, v3  }
0x138: {  	s11 =	simm.s32 $0x280;
	[tilespmem:s8+$0x2C0] =	vst v2  }
0x139: {  	[tilespmem:s17], [sflag:$0x3] =	stream.indirect.gather [hbm4b:s1+s14], $0x40, s11, s14, $0xb8;
	[tilespmem:$0x16440] =	vst v63  }
0x13a: {  	p6 =	por $0x0, $0x0;
	_ =	swait.ge [sflag:s3], $0x1400  }
0x13b: {  	s10 =	simm.s32 $0x780;
	p1 =	por p6, p6;
	[sflag:s3] =	ssyncset.done $0x0  }
0x13c: {  	s11 =	simm.s32 $0xF00;
	s8 =	rddreg [dreg:$0x6];
	[sflag:s3] =	ssyncadd.s32 $0xFFFFEC00  }
.LBB2_4:
0x13d: {  	[spmem:s2] =	stream.indirect.scatter.add.f32 [tilespmem:s24], [sflag:$0xC], $0x40, s8, s14, $0xb8;
	[tilespmem:$0x16440] =	vst v63  }
0x13e: {  	s8 =	simm.s32 @!p1 $0xA  }
0x13f: {  	_ =	swait.ge @!p1 [sflag:s8], $0x1400  }
0x140: {  	[sflag:s8] =	ssyncset.done @!p1 $0x0  }
0x141: {  	[sflag:s8] =	ssyncadd.s32 @!p1 $0xFFFFEC00;
	s8 =	sshra.s32 s10, $0x2  }
0x142: {  	v2 =	vld [tilespmem:s8+$0xF0];
	_ =	sdelay $0x4  }
0x143: {  	v3 =	vand.u32 $0x3FFF, v2  }
0x144: {  	[tilespmem:$0x4F10] =	vst v3  }
0x145: {  	v3 =	vld [tilespmem:s8+$0x100];
	_ =	sdelay $0x1  }
0x146: {  	v2 =	vshra.s32 v2, $0xD  }
0x147: {  	v2 =	vand.u32 $0xFFFFFFFE, v2  }
0x148: {  	v2 =	vor.u32 v0, v2  }
0x149: {  	[tilespmem:s8+$0xF0] =	vst v2;
	v2 =	vand.u32 $0x3FFF, v3  }
0x14a: {  	v3 =	vshra.s32 v3, $0xD;
	[tilespmem:$0x4F20] =	vst v2  }
0x14b: {  	v2 =	vand.u32 $0xFFFFFFFE, v3;
	v3 =	vld [tilespmem:s8+$0x110];
	_ =	sdelay $0x3  }
0x14c: {  	v2 =	vor.u32 v0, v2  }
0x14d: {  	[tilespmem:s8+$0x100] =	vst v2;
	v2 =	vand.u32 $0x3FFF, v3  }
0x14e: {  	v3 =	vshra.s32 v3, $0xD;
	[tilespmem:$0x4F30] =	vst v2  }
0x14f: {  	v2 =	vand.u32 $0xFFFFFFFE, v3;
	v3 =	vld [tilespmem:s8+$0x120];
	_ =	sdelay $0x3  }
0x150: {  	v2 =	vor.u32 v0, v2  }
0x151: {  	[tilespmem:s8+$0x110] =	vst v2;
	v2 =	vand.u32 $0x3FFF, v3  }
0x152: {  	v3 =	vshra.s32 v3, $0xD;
	[tilespmem:$0x4F40] =	vst v2  }
0x153: {  	v2 =	vand.u32 $0xFFFFFFFE, v3;
	v3 =	vld [tilespmem:s8+$0x130];
	_ =	sdelay $0x3  }
0x154: {  	v2 =	vor.u32 v0, v2  }
0x155: {  	[tilespmem:s8+$0x120] =	vst v2;
	v2 =	vand.u32 $0x3FFF, v3;
	v3 =	vshra.s32 v3, $0xD  }
0x156: {  	[tilespmem:$0x4F50] =	vst v2;
	v2 =	vand.u32 $0xFFFFFFFE, v3  }
0x157: {  	v2 =	vor.u32 v0, v2  }
0x158: {  	s7 =	sadd.s32 $0xF0, s8;
	[tilespmem:s8+$0x130] =	vst v2  }
0x159: {  	[tilespmem:s18], [sflag:$0x4] =	stream.indirect.gather [hbm4b:s1+s14], $0x40, s7, s14, $0xb8;
	[tilespmem:$0x16440] =	vst v63  }
0x15a: {  	s9 =	smov.u32 s11;
	_ =	swait.ge [sflag:s19], $0x1400  }
0x15b: {  	p3 =	seq.s32 s9, $0x0;
	[sflag:s19] =	ssyncset.done $0x0  }
0x15c: {  	s10 =	smov.u32 s9;
	s9 =	simm.s32 @!p1 $0xB;
	[sflag:s19] =	ssyncadd.s32 $0xFFFFEC00  }
0x15d: {  	[spmem:s2] =	stream.indirect.scatter.add.f32 [tilespmem:s12], [sflag:$0x7], $0x40, s20, s14, $0xb8;
	[tilespmem:$0x16440] =	vst v63  }
0x15e: {  	_ =	swait.ge @!p1 [sflag:s9], $0x1400  }
0x15f: {  	[sflag:s9] =	ssyncset.done @!p1 $0x0  }
0x160: {  	[sflag:s9] =	ssyncadd.s32 @!p1 $0xFFFFEC00  }
0x161: {  	v2 =	vld [tilespmem:s8+$0x140];
	_ =	sdelay $0x4  }
0x162: {  	v3 =	vand.u32 $0x3FFF, v2  }
0x163: {  	[tilespmem:$0x4F60] =	vst v3  }
0x164: {  	v3 =	vld [tilespmem:s8+$0x150];
	_ =	sdelay $0x1  }
0x165: {  	v2 =	vshra.s32 v2, $0xD  }
0x166: {  	v2 =	vand.u32 $0xFFFFFFFE, v2  }
0x167: {  	v2 =	vor.u32 v0, v2  }
0x168: {  	[tilespmem:s8+$0x140] =	vst v2;
	v2 =	vand.u32 $0x3FFF, v3  }
0x169: {  	v3 =	vshra.s32 v3, $0xD;
	[tilespmem:$0x4F70] =	vst v2  }
0x16a: {  	v2 =	vand.u32 $0xFFFFFFFE, v3;
	v3 =	vld [tilespmem:s8+$0x160];
	_ =	sdelay $0x3  }
0x16b: {  	v2 =	vor.u32 v0, v2  }
0x16c: {  	[tilespmem:s8+$0x150] =	vst v2;
	v2 =	vand.u32 $0x3FFF, v3  }
0x16d: {  	v3 =	vshra.s32 v3, $0xD;
	[tilespmem:$0x4F80] =	vst v2  }
0x16e: {  	v2 =	vand.u32 $0xFFFFFFFE, v3;
	v3 =	vld [tilespmem:s8+$0x170];
	_ =	sdelay $0x3  }
0x16f: {  	v2 =	vor.u32 v0, v2  }
0x170: {  	[tilespmem:s8+$0x160] =	vst v2;
	v2 =	vand.u32 $0x3FFF, v3  }
0x171: {  	v3 =	vshra.s32 v3, $0xD;
	[tilespmem:$0x4F90] =	vst v2  }
0x172: {  	v2 =	vand.u32 $0xFFFFFFFE, v3;
	v3 =	vld [tilespmem:s8+$0x180];
	_ =	sdelay $0x3  }
0x173: {  	v2 =	vor.u32 v0, v2  }
0x174: {  	[tilespmem:s8+$0x170] =	vst v2;
	v2 =	vand.u32 $0x3FFF, v3;
	v3 =	vshra.s32 v3, $0xD  }
0x175: {  	[tilespmem:$0x4FA0] =	vst v2;
	v2 =	vand.u32 $0xFFFFFFFE, v3  }
0x176: {  	v2 =	vor.u32 v0, v2  }
0x177: {  	s5 =	sadd.s32 $0x140, s8;
	[tilespmem:s8+$0x180] =	vst v2  }
0x178: {  	[tilespmem:s21], [sflag:$0x5] =	stream.indirect.gather [hbm4b:s1+s14], $0x40, s5, s14, $0xb8;
	[tilespmem:$0x16440] =	vst v63  }
0x179: {  	_ =	swait.ge [sflag:s22], $0x1400  }
0x17a: {  	[sflag:s22] =	ssyncset.done $0x0  }
0x17b: {  	s9 =	simm.s32 @!p1 $0xC;
	[sflag:s22] =	ssyncadd.s32 $0xFFFFEC00  }
0x17c: {  	[spmem:s2] =	stream.indirect.scatter.add.f32 [tilespmem:s15], [sflag:$0x8], $0x40, s23, s14, $0xb8;
	[tilespmem:$0x16440] =	vst v63  }
0x17d: {  	_ =	swait.ge @!p1 [sflag:s9], $0x1400  }
0x17e: {  	[sflag:s9] =	ssyncset.done @!p1 $0x0  }
0x17f: {  	[sflag:s9] =	ssyncadd.s32 @!p1 $0xFFFFEC00  }
0x180: {  	v2 =	vld [tilespmem:s8+$0x190];
	_ =	sdelay $0x4  }
0x181: {  	v3 =	vand.u32 $0x3FFF, v2  }
0x182: {  	[tilespmem:$0x4FB0] =	vst v3  }
0x183: {  	v3 =	vld [tilespmem:s8+$0x1A0];
	_ =	sdelay $0x1  }
0x184: {  	v2 =	vshra.s32 v2, $0xD  }
0x185: {  	v2 =	vand.u32 $0xFFFFFFFE, v2  }
0x186: {  	v2 =	vor.u32 v0, v2  }
0x187: {  	[tilespmem:s8+$0x190] =	vst v2;
	v2 =	vand.u32 $0x3FFF, v3  }
0x188: {  	v3 =	vshra.s32 v3, $0xD;
	[tilespmem:$0x4FC0] =	vst v2  }
0x189: {  	v2 =	vand.u32 $0xFFFFFFFE, v3;
	v3 =	vld [tilespmem:s8+$0x1B0];
	_ =	sdelay $0x3  }
0x18a: {  	v2 =	vor.u32 v0, v2  }
0x18b: {  	[tilespmem:s8+$0x1A0] =	vst v2;
	v2 =	vand.u32 $0x3FFF, v3  }
0x18c: {  	v3 =	vshra.s32 v3, $0xD;
	[tilespmem:$0x4FD0] =	vst v2  }
0x18d: {  	v2 =	vand.u32 $0xFFFFFFFE, v3;
	v3 =	vld [tilespmem:s8+$0x1C0];
	_ =	sdelay $0x3  }
0x18e: {  	v2 =	vor.u32 v0, v2  }
0x18f: {  	[tilespmem:s8+$0x1B0] =	vst v2;
	v2 =	vand.u32 $0x3FFF, v3  }
0x190: {  	v3 =	vshra.s32 v3, $0xD;
	[tilespmem:$0x4FE0] =	vst v2  }
0x191: {  	v2 =	vand.u32 $0xFFFFFFFE, v3;
	v3 =	vld [tilespmem:s8+$0x1D0];
	_ =	sdelay $0x3  }
0x192: {  	v2 =	vor.u32 v0, v2  }
0x193: {  	[tilespmem:s8+$0x1C0] =	vst v2;
	v2 =	vand.u32 $0x3FFF, v3;
	v3 =	vshra.s32 v3, $0xD  }
0x194: {  	[tilespmem:$0x4FF0] =	vst v2;
	v2 =	vand.u32 $0xFFFFFFFE, v3  }
0x195: {  	v2 =	vor.u32 v0, v2  }
0x196: {  	s7 =	sadd.s32 $0x190, s8;
	[tilespmem:s8+$0x1D0] =	vst v2  }
0x197: {  	[tilespmem:s24], [sflag:$0x6] =	stream.indirect.gather [hbm4b:s1+s14], $0x40, s7, s14, $0xb8;
	[tilespmem:$0x16440] =	vst v63  }
0x198: {  	_ =	swait.ge [sflag:s25], $0x1400  }
0x199: {  	[sflag:s25] =	ssyncset.done $0x0  }
0x19a: {  	[sflag:s25] =	ssyncadd.s32 $0xFFFFEC00  }
0x19b: {  	[spmem:s2] =	stream.indirect.scatter.add.f32 [tilespmem:s17], [sflag:$0x9], $0x40, s26, s14, $0xb8;
	[tilespmem:$0x16440] =	vst v63  }
0x19c: {  	_ =	swait.ge [sflag:s28], $0x1400  }
0x19d: {  	[sflag:s28] =	ssyncset.done $0x0  }
0x19e: {  	[sflag:s28] =	ssyncadd.s32 $0xFFFFEC00  }
0x19f: {  	v2 =	vld [tilespmem:s8+$0x1E0];
	_ =	sdelay $0x4  }
0x1a0: {  	v3 =	vand.u32 $0x3FFF, v2  }
0x1a1: {  	[tilespmem:$0x4E20] =	vst v3  }
0x1a2: {  	v3 =	vld [tilespmem:s8+$0x1F0];
	_ =	sdelay $0x1  }
0x1a3: {  	v2 =	vshra.s32 v2, $0xD  }
0x1a4: {  	v2 =	vand.u32 $0xFFFFFFFE, v2  }
0x1a5: {  	v2 =	vor.u32 v0, v2  }
0x1a6: {  	[tilespmem:s8+$0x1E0] =	vst v2;
	v2 =	vand.u32 $0x3FFF, v3  }
0x1a7: {  	v3 =	vshra.s32 v3, $0xD;
	[tilespmem:$0x4E30] =	vst v2  }
0x1a8: {  	v2 =	vand.u32 $0xFFFFFFFE, v3;
	v3 =	vld [tilespmem:s8+$0x200];
	_ =	sdelay $0x3  }
0x1a9: {  	v2 =	vor.u32 v0, v2  }
0x1aa: {  	[tilespmem:s8+$0x1F0] =	vst v2;
	v2 =	vand.u32 $0x3FFF, v3  }
0x1ab: {  	v3 =	vshra.s32 v3, $0xD;
	[tilespmem:$0x4E40] =	vst v2  }
0x1ac: {  	v2 =	vand.u32 $0xFFFFFFFE, v3;
	v3 =	vld [tilespmem:s8+$0x210];
	_ =	sdelay $0x3  }
0x1ad: {  	v2 =	vor.u32 v0, v2  }
0x1ae: {  	[tilespmem:s8+$0x200] =	vst v2;
	v2 =	vand.u32 $0x3FFF, v3  }
0x1af: {  	v3 =	vshra.s32 v3, $0xD;
	[tilespmem:$0x4E50] =	vst v2  }
0x1b0: {  	v2 =	vand.u32 $0xFFFFFFFE, v3;
	v3 =	vld [tilespmem:s8+$0x220];
	_ =	sdelay $0x3  }
0x1b1: {  	v2 =	vor.u32 v0, v2  }
0x1b2: {  	[tilespmem:s8+$0x210] =	vst v2;
	v2 =	vand.u32 $0x3FFF, v3;
	v3 =	vshra.s32 v3, $0xD  }
0x1b3: {  	[tilespmem:$0x4E60] =	vst v2;
	v2 =	vand.u32 $0xFFFFFFFE, v3  }
0x1b4: {  	v2 =	vor.u32 v0, v2  }
0x1b5: {  	s5 =	sadd.s32 $0x1E0, s8;
	[tilespmem:s8+$0x220] =	vst v2  }
0x1b6: {  	[tilespmem:s12], [sflag:$0x1] =	stream.indirect.gather [hbm4b:s1+s14], $0x40, s5, s14, $0xb8;
	[tilespmem:$0x16440] =	vst v63  }
0x1b7: {  	_ =	swait.ge [sflag:s29], $0x1400  }
0x1b8: {  	[sflag:s29] =	ssyncset.done $0x0  }
0x1b9: {  	[sflag:s29] =	ssyncadd.s32 $0xFFFFEC00  }
0x1ba: {  	[spmem:s2] =	stream.indirect.scatter.add.f32 [tilespmem:s18], [sflag:$0xA], $0x40, s30, s14, $0xb8;
	[tilespmem:$0x16440] =	vst v63  }
0x1bb: {  	_ =	swait.ge [sflag:s31], $0x1400  }
0x1bc: {  	[sflag:s31] =	ssyncset.done $0x0  }
0x1bd: {  	[sflag:s31] =	ssyncadd.s32 $0xFFFFEC00  }
0x1be: {  	v2 =	vld [tilespmem:s8+$0x230];
	_ =	sdelay $0x4  }
0x1bf: {  	v3 =	vand.u32 $0x3FFF, v2  }
0x1c0: {  	[tilespmem:$0x4E70] =	vst v3  }
0x1c1: {  	v3 =	vld [tilespmem:s8+$0x240];
	_ =	sdelay $0x1  }
0x1c2: {  	v2 =	vshra.s32 v2, $0xD  }
0x1c3: {  	v2 =	vand.u32 $0xFFFFFFFE, v2  }
0x1c4: {  	v2 =	vor.u32 v0, v2  }
0x1c5: {  	[tilespmem:s8+$0x230] =	vst v2;
	v2 =	vand.u32 $0x3FFF, v3  }
0x1c6: {  	v3 =	vshra.s32 v3, $0xD;
	[tilespmem:$0x4E80] =	vst v2  }
0x1c7: {  	v2 =	vand.u32 $0xFFFFFFFE, v3;
	v3 =	vld [tilespmem:s8+$0x250];
	_ =	sdelay $0x3  }
0x1c8: {  	v2 =	vor.u32 v0, v2  }
0x1c9: {  	[tilespmem:s8+$0x240] =	vst v2;
	v2 =	vand.u32 $0x3FFF, v3  }
0x1ca: {  	v3 =	vshra.s32 v3, $0xD;
	[tilespmem:$0x4E90] =	vst v2  }
0x1cb: {  	v2 =	vand.u32 $0xFFFFFFFE, v3;
	v3 =	vld [tilespmem:s8+$0x260];
	_ =	sdelay $0x3  }
0x1cc: {  	v2 =	vor.u32 v0, v2  }
0x1cd: {  	[tilespmem:s8+$0x250] =	vst v2;
	v2 =	vand.u32 $0x3FFF, v3  }
0x1ce: {  	v3 =	vshra.s32 v3, $0xD;
	[tilespmem:$0x4EA0] =	vst v2  }
0x1cf: {  	v2 =	vand.u32 $0xFFFFFFFE, v3;
	v3 =	vld [tilespmem:s8+$0x270];
	_ =	sdelay $0x3  }
0x1d0: {  	v2 =	vor.u32 v0, v2  }
0x1d1: {  	[tilespmem:s8+$0x260] =	vst v2;
	v2 =	vand.u32 $0x3FFF, v3;
	v3 =	vshra.s32 v3, $0xD  }
0x1d2: {  	[tilespmem:$0x4EB0] =	vst v2;
	v2 =	vand.u32 $0xFFFFFFFE, v3  }
0x1d3: {  	v2 =	vor.u32 v0, v2  }
0x1d4: {  	s7 =	sadd.s32 $0x230, s8;
	[tilespmem:s8+$0x270] =	vst v2  }
0x1d5: {  	[tilespmem:s15], [sflag:$0x2] =	stream.indirect.gather [hbm4b:s1+s14], $0x40, s7, s14, $0xb8;
	[tilespmem:$0x16440] =	vst v63  }
0x1d6: {  	_ =	swait.ge [sflag:s0], $0x1400  }
0x1d7: {  	[sflag:s0] =	ssyncset.done $0x0  }
0x1d8: {  	s5 =	rddreg [dreg:$0x5];
	[sflag:s0] =	ssyncadd.s32 $0xFFFFEC00  }
0x1d9: {  	[spmem:s2] =	stream.indirect.scatter.add.f32 [tilespmem:s21], [sflag:$0xB], $0x40, s5, s14, $0xb8;
	[tilespmem:$0x16440] =	vst v63  }
0x1da: {  	_ =	swait.ge [sflag:s16], $0x1400  }
0x1db: {  	[sflag:s16] =	ssyncset.done $0x0  }
0x1dc: {  	[sflag:s16] =	ssyncadd.s32 $0xFFFFEC00  }
0x1dd: {  	v2 =	vld [tilespmem:s8+$0x280];
	_ =	sdelay $0x4  }
0x1de: {  	v3 =	vand.u32 $0x3FFF, v2  }
0x1df: {  	[tilespmem:$0x4EC0] =	vst v3  }
0x1e0: {  	v3 =	vld [tilespmem:s8+$0x290];
	_ =	sdelay $0x1  }
0x1e1: {  	v2 =	vshra.s32 v2, $0xD  }
0x1e2: {  	v2 =	vand.u32 $0xFFFFFFFE, v2  }
0x1e3: {  	v2 =	vor.u32 v0, v2  }
0x1e4: {  	[tilespmem:s8+$0x280] =	vst v2;
	v2 =	vand.u32 $0x3FFF, v3  }
0x1e5: {  	v3 =	vshra.s32 v3, $0xD;
	[tilespmem:$0x4ED0] =	vst v2  }
0x1e6: {  	v2 =	vand.u32 $0xFFFFFFFE, v3;
	v3 =	vld [tilespmem:s8+$0x2A0];
	_ =	sdelay $0x3  }
0x1e7: {  	v2 =	vor.u32 v0, v2  }
0x1e8: {  	[tilespmem:s8+$0x290] =	vst v2;
	v2 =	vand.u32 $0x3FFF, v3  }
0x1e9: {  	v3 =	vshra.s32 v3, $0xD;
	[tilespmem:$0x4EE0] =	vst v2  }
0x1ea: {  	v2 =	vand.u32 $0xFFFFFFFE, v3;
	v3 =	vld [tilespmem:s8+$0x2B0];
	_ =	sdelay $0x3  }
0x1eb: {  	v2 =	vor.u32 v0, v2  }
0x1ec: {  	[tilespmem:s8+$0x2A0] =	vst v2;
	v2 =	vand.u32 $0x3FFF, v3  }
0x1ed: {  	v3 =	vshra.s32 v3, $0xD;
	[tilespmem:$0x4EF0] =	vst v2  }
0x1ee: {  	v2 =	vand.u32 $0xFFFFFFFE, v3;
	v3 =	vld [tilespmem:s8+$0x2C0];
	_ =	sdelay $0x3  }
0x1ef: {  	v2 =	vor.u32 v0, v2  }
0x1f0: {  	[tilespmem:s8+$0x2B0] =	vst v2;
	v2 =	vand.u32 $0x3FFF, v3;
	v3 =	vshra.s32 v3, $0xD  }
0x1f1: {  	s11 =	sadd.s32 $0x780, s11;
	[tilespmem:$0x4F00] =	vst v2;
	v2 =	vand.u32 $0xFFFFFFFE, v3  }
0x1f2: {  	p2 =	sne.s32 s11, $0x13380;
	v2 =	vor.u32 v0, v2  }
.Ltmp1:
0x1f3: {  	s7 =	sadd.s32 $0x280, s8;
	[tilespmem:s8+$0x2C0] =	vst v2;
	(pc) =	sbr.rel @p2 .LBB2_4-.Ltmp1, $4  }
0x1f4: {  	[tilespmem:s17], [sflag:$0x3] =	stream.indirect.gather [hbm4b:s1+s14], $0x40, s7, s14, $0xb8;
	[tilespmem:$0x16440] =	vst v63  }
0x1f5: {  	_ =	swait.ge [sflag:s3], $0x1400  }
0x1f6: {  	[sflag:s3] =	ssyncset.done $0x0  }
0x1f7: {  	p1 =	por p3, p3;
	s8 =	rddreg [dreg:$0x6];
	[sflag:s3] =	ssyncadd.s32 $0xFFFFEC00  }
0x1f8: {  	[spmem:s2] =	stream.indirect.scatter.add.f32 [tilespmem:s24], [sflag:$0xC], $0x40, s8, s14, $0xb8;
	[tilespmem:$0x16440] =	vst v63  }
0x1f9: {  	s8 =	simm.s32 @!p1 $0xA  }
0x1fa: {  	_ =	swait.ge @!p1 [sflag:s8], $0x1400  }
0x1fb: {  	[sflag:s8] =	ssyncset.done @!p1 $0x0  }
0x1fc: {  	[sflag:s8] =	ssyncadd.s32 @!p1 $0xFFFFEC00;
	s8 =	sshra.s32 s10, $0x2  }
0x1fd: {  	v2 =	vld [tilespmem:s8+$0xF0];
	_ =	sdelay $0x4  }
0x1fe: {  	v3 =	vand.u32 $0x3FFF, v2  }
0x1ff: {  	[tilespmem:$0x4F10] =	vst v3  }
0x200: {  	v3 =	vld [tilespmem:s8+$0x100];
	_ =	sdelay $0x1  }
0x201: {  	v2 =	vshra.s32 v2, $0xD  }
0x202: {  	v2 =	vand.u32 $0xFFFFFFFE, v2  }
0x203: {  	v2 =	vor.u32 v0, v2  }
0x204: {  	[tilespmem:s8+$0xF0] =	vst v2;
	v2 =	vand.u32 $0x3FFF, v3  }
0x205: {  	[tilespmem:$0x4F20] =	vst v2  }
0x206: {  	v2 =	vld [tilespmem:s8+$0x110];
	_ =	sdelay $0x1  }
0x207: {  	v3 =	vshra.s32 v3, $0xD  }
0x208: {  	v3 =	vand.u32 $0xFFFFFFFE, v3  }
0x209: {  	v3 =	vor.u32 v0, v3  }
0x20a: {  	[tilespmem:s8+$0x100] =	vst v3;
	v3 =	vand.u32 $0x3FFF, v2  }
0x20b: {  	[tilespmem:$0x4F30] =	vst v3  }
0x20c: {  	v3 =	vld [tilespmem:s8+$0x120];
	_ =	sdelay $0x1  }
0x20d: {  	v2 =	vshra.s32 v2, $0xD  }
0x20e: {  	v2 =	vand.u32 $0xFFFFFFFE, v2  }
0x20f: {  	v2 =	vor.u32 v0, v2  }
0x210: {  	[tilespmem:s8+$0x110] =	vst v2;
	v2 =	vand.u32 $0x3FFF, v3  }
0x211: {  	[tilespmem:$0x4F40] =	vst v2  }
0x212: {  	v2 =	vld [tilespmem:s8+$0x130];
	_ =	sdelay $0x2  }
0x213: {  	v3 =	vshra.s32 v3, $0xD  }
0x214: {  	v3 =	vand.u32 $0xFFFFFFFE, v3  }
0x215: {  	v3 =	vor.u32 v0, v3;
	v4 =	vshra.s32 v2, $0xD  }
0x216: {  	[tilespmem:s8+$0x120] =	vst v3;
	v2 =	vand.u32 $0x3FFF, v2;
	v3 =	vand.u32 $0xFFFFFFFE, v4  }
0x217: {  	[tilespmem:$0x4F50] =	vst v2;
	v2 =	vor.u32 v0, v3  }
0x218: {  	s9 =	sadd.s32 $0xF0, s8;
	[tilespmem:s8+$0x130] =	vst v2  }
0x219: {  	[tilespmem:s18], [sflag:$0x4] =	stream.indirect.gather [hbm4b:s1+s14], $0x40, s9, s14, $0xb8;
	[tilespmem:$0x16440] =	vst v63  }
0x21a: {  	_ =	swait.ge [sflag:s19], $0x1400  }
0x21b: {  	[sflag:s19] =	ssyncset.done $0x0  }
0x21c: {  	s9 =	simm.s32 @!p1 $0xB;
	[sflag:s19] =	ssyncadd.s32 $0xFFFFEC00  }
0x21d: {  	[spmem:s2] =	stream.indirect.scatter.add.f32 [tilespmem:s12], [sflag:$0x7], $0x40, s20, s14, $0xb8;
	[tilespmem:$0x16440] =	vst v63  }
0x21e: {  	_ =	swait.ge @!p1 [sflag:s9], $0x1400  }
0x21f: {  	[sflag:s9] =	ssyncset.done @!p1 $0x0  }
0x220: {  	[sflag:s9] =	ssyncadd.s32 @!p1 $0xFFFFEC00  }
0x221: {  	v2 =	vld [tilespmem:s8+$0x140];
	_ =	sdelay $0x4  }
0x222: {  	v3 =	vand.u32 $0x3FFF, v2  }
0x223: {  	[tilespmem:$0x4F60] =	vst v3  }
0x224: {  	v3 =	vld [tilespmem:s8+$0x150];
	_ =	sdelay $0x1  }
0x225: {  	v2 =	vshra.s32 v2, $0xD  }
0x226: {  	v2 =	vand.u32 $0xFFFFFFFE, v2  }
0x227: {  	v2 =	vor.u32 v0, v2  }
0x228: {  	[tilespmem:s8+$0x140] =	vst v2;
	v2 =	vand.u32 $0x3FFF, v3  }
0x229: {  	[tilespmem:$0x4F70] =	vst v2  }
0x22a: {  	v2 =	vld [tilespmem:s8+$0x160];
	_ =	sdelay $0x1  }
0x22b: {  	v3 =	vshra.s32 v3, $0xD  }
0x22c: {  	v3 =	vand.u32 $0xFFFFFFFE, v3  }
0x22d: {  	v3 =	vor.u32 v0, v3  }
0x22e: {  	[tilespmem:s8+$0x150] =	vst v3;
	v3 =	vand.u32 $0x3FFF, v2  }
0x22f: {  	[tilespmem:$0x4F80] =	vst v3  }
0x230: {  	v3 =	vld [tilespmem:s8+$0x170];
	_ =	sdelay $0x1  }
0x231: {  	v2 =	vshra.s32 v2, $0xD  }
0x232: {  	v2 =	vand.u32 $0xFFFFFFFE, v2  }
0x233: {  	v2 =	vor.u32 v0, v2  }
0x234: {  	[tilespmem:s8+$0x160] =	vst v2;
	v2 =	vand.u32 $0x3FFF, v3  }
0x235: {  	[tilespmem:$0x4F90] =	vst v2  }
0x236: {  	v2 =	vld [tilespmem:s8+$0x180];
	_ =	sdelay $0x2  }
0x237: {  	v3 =	vshra.s32 v3, $0xD  }
0x238: {  	v3 =	vand.u32 $0xFFFFFFFE, v3  }
0x239: {  	v3 =	vor.u32 v0, v3;
	v56 =	vshra.s32 v2, $0xD  }
0x23a: {  	[tilespmem:s8+$0x170] =	vst v3;
	v2 =	vand.u32 $0x3FFF, v2;
	v3 =	vand.u32 $0xFFFFFFFE, v56  }
0x23b: {  	[tilespmem:$0x4FA0] =	vst v2;
	v2 =	vor.u32 v0, v3  }
0x23c: {  	s10 =	sadd.s32 $0x140, s8;
	[tilespmem:s8+$0x180] =	vst v2  }
0x23d: {  	[tilespmem:s21], [sflag:$0x5] =	stream.indirect.gather [hbm4b:s1+s14], $0x40, s10, s14, $0xb8;
	[tilespmem:$0x16440] =	vst v63  }
0x23e: {  	_ =	swait.ge [sflag:s22], $0x1400  }
0x23f: {  	[sflag:s22] =	ssyncset.done $0x0  }
0x240: {  	s9 =	simm.s32 @!p1 $0xC;
	[sflag:s22] =	ssyncadd.s32 $0xFFFFEC00  }
0x241: {  	[spmem:s2] =	stream.indirect.scatter.add.f32 [tilespmem:s15], [sflag:$0x8], $0x40, s23, s14, $0xb8;
	[tilespmem:$0x16440] =	vst v63  }
0x242: {  	_ =	swait.ge @!p1 [sflag:s9], $0x1400  }
0x243: {  	[sflag:s9] =	ssyncset.done @!p1 $0x0  }
0x244: {  	[sflag:s9] =	ssyncadd.s32 @!p1 $0xFFFFEC00  }
0x245: {  	v2 =	vld [tilespmem:s8+$0x190];
	_ =	sdelay $0x4  }
0x246: {  	v3 =	vand.u32 $0x3FFF, v2  }
0x247: {  	[tilespmem:$0x4FB0] =	vst v3  }
0x248: {  	v3 =	vld [tilespmem:s8+$0x1A0];
	_ =	sdelay $0x1  }
0x249: {  	v2 =	vshra.s32 v2, $0xD  }
0x24a: {  	v2 =	vand.u32 $0xFFFFFFFE, v2  }
0x24b: {  	v2 =	vor.u32 v0, v2  }
0x24c: {  	[tilespmem:s8+$0x190] =	vst v2;
	v2 =	vand.u32 $0x3FFF, v3  }
0x24d: {  	[tilespmem:$0x4FC0] =	vst v2  }
0x24e: {  	v2 =	vld [tilespmem:s8+$0x1B0];
	_ =	sdelay $0x1  }
0x24f: {  	v3 =	vshra.s32 v3, $0xD  }
0x250: {  	v3 =	vand.u32 $0xFFFFFFFE, v3  }
0x251: {  	v3 =	vor.u32 v0, v3  }
0x252: {  	[tilespmem:s8+$0x1A0] =	vst v3;
	v3 =	vand.u32 $0x3FFF, v2  }
0x253: {  	[tilespmem:$0x4FD0] =	vst v3  }
0x254: {  	v3 =	vld [tilespmem:s8+$0x1C0];
	_ =	sdelay $0x1  }
0x255: {  	v2 =	vshra.s32 v2, $0xD  }
0x256: {  	v2 =	vand.u32 $0xFFFFFFFE, v2  }
0x257: {  	v2 =	vor.u32 v0, v2  }
0x258: {  	[tilespmem:s8+$0x1B0] =	vst v2;
	v2 =	vand.u32 $0x3FFF, v3  }
0x259: {  	[tilespmem:$0x4FE0] =	vst v2  }
0x25a: {  	v2 =	vld [tilespmem:s8+$0x1D0];
	_ =	sdelay $0x2  }
0x25b: {  	v3 =	vshra.s32 v3, $0xD  }
0x25c: {  	v3 =	vand.u32 $0xFFFFFFFE, v3  }
0x25d: {  	v3 =	vor.u32 v0, v3;
	v57 =	vshra.s32 v2, $0xD  }
0x25e: {  	[tilespmem:s8+$0x1C0] =	vst v3;
	v2 =	vand.u32 $0x3FFF, v2;
	v3 =	vand.u32 $0xFFFFFFFE, v57  }
0x25f: {  	[tilespmem:$0x4FF0] =	vst v2;
	v2 =	vor.u32 v0, v3  }
0x260: {  	s11 =	sadd.s32 $0x190, s8;
	[tilespmem:s8+$0x1D0] =	vst v2  }
0x261: {  	[tilespmem:s24], [sflag:$0x6] =	stream.indirect.gather [hbm4b:s1+s14], $0x40, s11, s14, $0xb8;
	[tilespmem:$0x16440] =	vst v63  }
0x262: {  	_ =	swait.ge [sflag:s25], $0x1400  }
0x263: {  	[sflag:s25] =	ssyncset.done $0x0  }
0x264: {  	[sflag:s25] =	ssyncadd.s32 $0xFFFFEC00  }
0x265: {  	[spmem:s2] =	stream.indirect.scatter.add.f32 [tilespmem:s17], [sflag:$0x9], $0x40, s26, s14, $0xb8;
	[tilespmem:$0x16440] =	vst v63  }
0x266: {  	_ =	swait.ge [sflag:s28], $0x1400  }
0x267: {  	[sflag:s28] =	ssyncset.done $0x0  }
0x268: {  	[sflag:s28] =	ssyncadd.s32 $0xFFFFEC00  }
0x269: {  	v2 =	vld [tilespmem:s8+$0x1E0];
	_ =	sdelay $0x4  }
0x26a: {  	v3 =	vand.u32 $0x3FFF, v2  }
0x26b: {  	[tilespmem:$0x4E20] =	vst v3  }
0x26c: {  	v3 =	vld [tilespmem:s8+$0x1F0];
	_ =	sdelay $0x1  }
0x26d: {  	v2 =	vshra.s32 v2, $0xD  }
0x26e: {  	v2 =	vand.u32 $0xFFFFFFFE, v2  }
0x26f: {  	v2 =	vor.u32 v0, v2  }
0x270: {  	[tilespmem:s8+$0x1E0] =	vst v2;
	v2 =	vand.u32 $0x3FFF, v3  }
0x271: {  	[tilespmem:$0x4E30] =	vst v2  }
0x272: {  	v2 =	vld [tilespmem:s8+$0x200];
	_ =	sdelay $0x1  }
0x273: {  	v3 =	vshra.s32 v3, $0xD  }
0x274: {  	v3 =	vand.u32 $0xFFFFFFFE, v3  }
0x275: {  	v3 =	vor.u32 v0, v3  }
0x276: {  	[tilespmem:s8+$0x1F0] =	vst v3;
	v3 =	vand.u32 $0x3FFF, v2  }
0x277: {  	[tilespmem:$0x4E40] =	vst v3  }
0x278: {  	v3 =	vld [tilespmem:s8+$0x210];
	_ =	sdelay $0x1  }
0x279: {  	v2 =	vshra.s32 v2, $0xD  }
0x27a: {  	v2 =	vand.u32 $0xFFFFFFFE, v2  }
0x27b: {  	v2 =	vor.u32 v0, v2  }
0x27c: {  	[tilespmem:s8+$0x200] =	vst v2;
	v2 =	vand.u32 $0x3FFF, v3  }
0x27d: {  	[tilespmem:$0x4E50] =	vst v2  }
0x27e: {  	v2 =	vld [tilespmem:s8+$0x220];
	_ =	sdelay $0x2  }
0x27f: {  	v3 =	vshra.s32 v3, $0xD  }
0x280: {  	v3 =	vand.u32 $0xFFFFFFFE, v3  }
0x281: {  	v3 =	vor.u32 v0, v3;
	v58 =	vshra.s32 v2, $0xD  }
0x282: {  	[tilespmem:s8+$0x210] =	vst v3;
	v2 =	vand.u32 $0x3FFF, v2;
	v3 =	vand.u32 $0xFFFFFFFE, v58  }
0x283: {  	[tilespmem:$0x4E60] =	vst v2;
	v2 =	vor.u32 v0, v3  }
0x284: {  	s5 =	sadd.s32 $0x1E0, s8;
	[tilespmem:s8+$0x220] =	vst v2  }
0x285: {  	[tilespmem:s12], [sflag:$0x1] =	stream.indirect.gather [hbm4b:s1+s14], $0x40, s5, s14, $0xb8;
	[tilespmem:$0x16440] =	vst v63  }
0x286: {  	_ =	swait.ge [sflag:s29], $0x1400  }
0x287: {  	[sflag:s29] =	ssyncset.done $0x0  }
0x288: {  	[sflag:s29] =	ssyncadd.s32 $0xFFFFEC00  }
0x289: {  	[spmem:s2] =	stream.indirect.scatter.add.f32 [tilespmem:s18], [sflag:$0xA], $0x40, s30, s14, $0xb8;
	[tilespmem:$0x16440] =	vst v63  }
0x28a: {  	_ =	swait.ge [sflag:s31], $0x1400  }
0x28b: {  	[sflag:s31] =	ssyncset.done $0x0  }
0x28c: {  	[sflag:s31] =	ssyncadd.s32 $0xFFFFEC00  }
0x28d: {  	v2 =	vld [tilespmem:s8+$0x230];
	_ =	sdelay $0x4  }
0x28e: {  	v3 =	vand.u32 $0x3FFF, v2  }
0x28f: {  	[tilespmem:$0x4E70] =	vst v3  }
0x290: {  	v3 =	vld [tilespmem:s8+$0x240];
	_ =	sdelay $0x1  }
0x291: {  	v2 =	vshra.s32 v2, $0xD  }
0x292: {  	v2 =	vand.u32 $0xFFFFFFFE, v2  }
0x293: {  	v2 =	vor.u32 v0, v2  }
0x294: {  	[tilespmem:s8+$0x230] =	vst v2;
	v2 =	vand.u32 $0x3FFF, v3  }
0x295: {  	[tilespmem:$0x4E80] =	vst v2  }
0x296: {  	v2 =	vld [tilespmem:s8+$0x250];
	_ =	sdelay $0x1  }
0x297: {  	v3 =	vshra.s32 v3, $0xD  }
0x298: {  	v3 =	vand.u32 $0xFFFFFFFE, v3  }
0x299: {  	v3 =	vor.u32 v0, v3  }
0x29a: {  	[tilespmem:s8+$0x240] =	vst v3;
	v3 =	vand.u32 $0x3FFF, v2  }
0x29b: {  	[tilespmem:$0x4E90] =	vst v3  }
0x29c: {  	v3 =	vld [tilespmem:s8+$0x260];
	_ =	sdelay $0x1  }
0x29d: {  	v2 =	vshra.s32 v2, $0xD  }
0x29e: {  	v2 =	vand.u32 $0xFFFFFFFE, v2  }
0x29f: {  	v2 =	vor.u32 v0, v2  }
0x2a0: {  	[tilespmem:s8+$0x250] =	vst v2;
	v2 =	vand.u32 $0x3FFF, v3  }
0x2a1: {  	[tilespmem:$0x4EA0] =	vst v2  }
0x2a2: {  	v2 =	vld [tilespmem:s8+$0x270];
	_ =	sdelay $0x2  }
0x2a3: {  	v3 =	vshra.s32 v3, $0xD  }
0x2a4: {  	v3 =	vand.u32 $0xFFFFFFFE, v3  }
0x2a5: {  	v3 =	vor.u32 v0, v3;
	v59 =	vshra.s32 v2, $0xD  }
0x2a6: {  	[tilespmem:s8+$0x260] =	vst v3;
	v2 =	vand.u32 $0x3FFF, v2;
	v3 =	vand.u32 $0xFFFFFFFE, v59  }
0x2a7: {  	[tilespmem:$0x4EB0] =	vst v2;
	v2 =	vor.u32 v0, v3  }
0x2a8: {  	s7 =	sadd.s32 $0x230, s8;
	[tilespmem:s8+$0x270] =	vst v2  }
0x2a9: {  	[tilespmem:s15], [sflag:$0x2] =	stream.indirect.gather [hbm4b:s1+s14], $0x40, s7, s14, $0xb8;
	[tilespmem:$0x16440] =	vst v63  }
0x2aa: {  	_ =	swait.ge [sflag:s0], $0x1400  }
0x2ab: {  	[sflag:s0] =	ssyncset.done $0x0  }
0x2ac: {  	s10 =	rddreg [dreg:$0x5];
	[sflag:s0] =	ssyncadd.s32 $0xFFFFEC00  }
0x2ad: {  	[spmem:s2] =	stream.indirect.scatter.add.f32 [tilespmem:s21], [sflag:$0xB], $0x40, s10, s14, $0xb8;
	[tilespmem:$0x16440] =	vst v63  }
0x2ae: {  	_ =	swait.ge [sflag:s16], $0x1400  }
0x2af: {  	[sflag:s16] =	ssyncset.done $0x0  }
0x2b0: {  	[sflag:s16] =	ssyncadd.s32 $0xFFFFEC00  }
0x2b1: {  	v2 =	vld [tilespmem:s8+$0x280];
	_ =	sdelay $0x4  }
0x2b2: {  	v3 =	vand.u32 $0x3FFF, v2  }
0x2b3: {  	[tilespmem:$0x4EC0] =	vst v3  }
0x2b4: {  	v3 =	vld [tilespmem:s8+$0x290];
	_ =	sdelay $0x1  }
0x2b5: {  	v2 =	vshra.s32 v2, $0xD  }
0x2b6: {  	v2 =	vand.u32 $0xFFFFFFFE, v2  }
0x2b7: {  	v2 =	vor.u32 v0, v2  }
0x2b8: {  	[tilespmem:s8+$0x280] =	vst v2;
	v2 =	vand.u32 $0x3FFF, v3  }
0x2b9: {  	[tilespmem:$0x4ED0] =	vst v2  }
0x2ba: {  	v2 =	vld [tilespmem:s8+$0x2A0];
	_ =	sdelay $0x1  }
0x2bb: {  	v3 =	vshra.s32 v3, $0xD  }
0x2bc: {  	v3 =	vand.u32 $0xFFFFFFFE, v3  }
0x2bd: {  	v3 =	vor.u32 v0, v3  }
0x2be: {  	[tilespmem:s8+$0x290] =	vst v3;
	v3 =	vand.u32 $0x3FFF, v2  }
0x2bf: {  	[tilespmem:$0x4EE0] =	vst v3  }
0x2c0: {  	v3 =	vld [tilespmem:s8+$0x2B0];
	_ =	sdelay $0x1  }
0x2c1: {  	v2 =	vshra.s32 v2, $0xD  }
0x2c2: {  	v2 =	vand.u32 $0xFFFFFFFE, v2  }
0x2c3: {  	v2 =	vor.u32 v0, v2  }
0x2c4: {  	[tilespmem:s8+$0x2A0] =	vst v2;
	v2 =	vand.u32 $0x3FFF, v3  }
0x2c5: {  	[tilespmem:$0x4EF0] =	vst v2  }
0x2c6: {  	v2 =	vld [tilespmem:s8+$0x2C0];
	_ =	sdelay $0x2  }
0x2c7: {  	v3 =	vshra.s32 v3, $0xD  }
0x2c8: {  	v3 =	vand.u32 $0xFFFFFFFE, v3  }
0x2c9: {  	v3 =	vor.u32 v0, v3;
	v60 =	vshra.s32 v2, $0xD  }
0x2ca: {  	[tilespmem:s8+$0x2B0] =	vst v3;
	v2 =	vand.u32 $0x3FFF, v2;
	v3 =	vand.u32 $0xFFFFFFFE, v60  }
0x2cb: {  	[tilespmem:$0x4F00] =	vst v2;
	v2 =	vor.u32 v0, v3  }
0x2cc: {  	s11 =	sadd.s32 $0x280, s8;
	[tilespmem:s8+$0x2C0] =	vst v2  }
0x2cd: {  	[tilespmem:s17], [sflag:$0x3] =	stream.indirect.gather [hbm4b:s1+s14], $0x40, s11, s14, $0xb8;
	[tilespmem:$0x16440] =	vst v63  }
0x2ce: {  	_ =	swait.ge [sflag:s3], $0x1400  }
0x2cf: {  	[sflag:s3] =	ssyncset.done $0x0  }
0x2d0: {  	s5 =	rddreg [dreg:$0x6];
	[sflag:s3] =	ssyncadd.s32 $0xFFFFEC00  }
0x2d1: {  	[spmem:s2] =	stream.indirect.scatter.add.f32 [tilespmem:s24], [sflag:$0xC], $0x40, s5, s14, $0xb8;
	[tilespmem:$0x16440] =	vst v63  }
0x2d2: {  	_ =	swait.ge [sflag:s6], $0x1400  }
0x2d3: {  	[sflag:s6] =	ssyncset.done $0x0  }
0x2d4: {  	[sflag:s6] =	ssyncadd.s32 $0xFFFFEC00  }
0x2d5: {  	v2 =	vld [tilespmem:$0x4DD0];
	_ =	sdelay $0x1  }
0x2d6: {  	v3 =	vld [tilespmem:$0x4DE0];
	_ =	sdelay $0x1  }
0x2d7: {  	v61 =	vld [tilespmem:$0x4DF0]  }
0x2d8: {  	v5 =	vshra.s32 v2, $0xD  }
0x2d9: {  	v6 =	vld [tilespmem:$0x4E00];
	v2 =	vand.u32 $0x3FFF, v2;
	v5 =	vand.u32 $0xFFFFFFFE, v5  }
0x2da: {  	v62 =	vshra.s32 v3, $0xD;
	[tilespmem:$0x4F10] =	vst v2;
	v2 =	vor.u32 v0, v5  }
0x2db: {  	v63 =	vld [tilespmem:$0x4E10];
	[tilespmem:$0x4DD0] =	vst v2;
	v2 =	vand.u32 $0x3FFF, v3;
	v3 =	vand.u32 $0xFFFFFFFE, v62  }
0x2dc: {  	[tilespmem:$0x4F20] =	vst v2;
	v2 =	vor.u32 v0, v3;
	v3 =	vshra.s32 v61, $0xD  }
0x2dd: {  	[tilespmem:$0x4DE0] =	vst v2;
	v2 =	vand.u32 $0x3FFF, v61;
	v3 =	vand.u32 $0xFFFFFFFE, v3  }
0x2de: {  	[tilespmem:$0x4F30] =	vst v2;
	v2 =	vor.u32 v0, v3;
	v3 =	vshra.s32 v6, $0xD  }
0x2df: {  	[tilespmem:$0x4DF0] =	vst v2;
	v2 =	vand.u32 $0x3FFF, v6;
	v3 =	vand.u32 $0xFFFFFFFE, v3  }
0x2e0: {  	[tilespmem:$0x4F40] =	vst v2;
	v2 =	vor.u32 v0, v3;
	v3 =	vshra.s32 v63, $0xD  }
0x2e1: {  	[tilespmem:$0x4E00] =	vst v2;
	v2 =	vand.u32 $0x3FFF, v63;
	v3 =	vand.u32 $0xFFFFFFFE, v3  }
0x2e2: {  	[tilespmem:$0x4F50] =	vst v2;
	v2 =	vor.u32 v0, v3  }
0x2e3: {  	s5 =	simm.s32 $0x4DD0;
	[tilespmem:$0x4E10] =	vst v2  }
0x2e4: {  	[tilespmem:s18], [sflag:$0x4] =	stream.indirect.gather [hbm4b:s1+s14], $0x40, s5, s14, $0xb8;
	[tilespmem:$0x16440] =	vst v63  }
0x2e5: {  	_ =	swait.ge [sflag:s19], $0x1400  }
0x2e6: {  	[sflag:s19] =	ssyncset.done $0x0  }
0x2e7: {  	[sflag:s19] =	ssyncadd.s32 $0xFFFFEC00  }
0x2e8: {  	[spmem:s2] =	stream.indirect.scatter.add.f32 [tilespmem:s12], [sflag:$0x7], $0x40, s20, s14, $0xb8;
	[tilespmem:$0x16440] =	vst v63  }
0x2e9: {  	_ =	swait.ge [sflag:s22], $0x1400  }
0x2ea: {  	[sflag:s22] =	ssyncset.done $0x0  }
0x2eb: {  	[sflag:s22] =	ssyncadd.s32 $0xFFFFEC00  }
0x2ec: {  	[spmem:s2] =	stream.indirect.scatter.add.f32 [tilespmem:s15], [sflag:$0x8], $0x40, s23, s14, $0xb8;
	[tilespmem:$0x16440] =	vst v63  }
0x2ed: {  	_ =	swait.ge [sflag:s25], $0x1400  }
0x2ee: {  	[sflag:s25] =	ssyncset.done $0x0  }
0x2ef: {  	[sflag:s25] =	ssyncadd.s32 $0xFFFFEC00  }
0x2f0: {  	[spmem:s2] =	stream.indirect.scatter.add.f32 [tilespmem:s17], [sflag:$0x9], $0x40, s26, s14, $0xb8;
	[tilespmem:$0x16440] =	vst v63  }
0x2f1: {  	_ =	swait.ge [sflag:s29], $0x1400  }
0x2f2: {  	[sflag:s29] =	ssyncset.done $0x0  }
0x2f3: {  	s7 =	simm.s32 $0xB;
	[sflag:s29] =	ssyncadd.s32 $0xFFFFEC00  }
0x2f4: {  	[spmem:s2] =	stream.indirect.scatter.add.f32 [tilespmem:s18], [sflag:$0xA], $0x40, s30, s14, $0xb8;
	[tilespmem:$0x16440] =	vst v63  }
0x2f5: {  	_ =	swait.ge [sflag:s7], $0x1400  }
0x2f6: {  	[sflag:s7] =	ssyncset.done $0x0  }
0x2f7: {  	s8 =	simm.s32 $0xC;
	[sflag:s7] =	ssyncadd.s32 $0xFFFFEC00  }
0x2f8: {  	_ =	swait.ge [sflag:s8], $0x1400  }
0x2f9: {  	[sflag:s8] =	ssyncset.done $0x0  }
0x2fa: {  	[sflag:s8] =	ssyncadd.s32 $0xFFFFEC00  }
0x2fb: {  	_ =	swait.ge [sflag:s28], $0x1400  }
0x2fc: {  	[sflag:s28] =	ssyncset.done $0x0  }
0x2fd: {  	[sflag:s28] =	ssyncadd.s32 $0xFFFFEC00  }
0x2fe: {  	_ =	swait.ge [sflag:s31], $0x1400  }
0x2ff: {  	[sflag:s31] =	ssyncset.done $0x0  }
0x300: {  	[sflag:s31] =	ssyncadd.s32 $0xFFFFEC00  }
0x301: {  	_ =	swait.ge [sflag:s16], $0x1400  }
0x302: {  	[sflag:s16] =	ssyncset.done $0x0  }
0x303: {  	[sflag:s16] =	ssyncadd.s32 $0xFFFFEC00  }
0x304: {  	_ =	swait.ge [sflag:s6], $0x1400  }
0x305: {  	[sflag:s6] =	ssyncset.done $0x0  }
0x306: {  	s7 =	stileid.u32;
	[sflag:s6] =	ssyncadd.s32 $0xFFFFEC00  }
0x307: {  	s9 =	sshll.u32 s7, $0x6;
	[bflag:$0x0] =	sbarrier.arrive $0xFFFF  }
0x308: {  	s8 =	sor.u32 $0x1C0D, s9;
	s10 =	rddreg [dreg:$0xc]  }
0x309: {  	s5 =	rddreg [dreg:$0xa];
	s11 =	sshrl.u32 s10, $0x3;
	s10 =	simm.s32 $0x10  }
0x30a: {  	[hbm:s5@s10], [sflag:s8] =	dma.strided [spmem:s11@s31], $0x1380, s19, $0x8   }
0x30b: {  	_ =	swait.ge [sflag:s13], $0x1380  }
0x30c: {  	s10 =	simm.s32 @!p0 $0x1;
	s7 =	rddreg [dreg:$0x8]  }
0x30d: {  	s11 =	simm.s32 @!p0 $0x10;
	[sflag:s13] =	ssyncset.done $0x0;
	s5 =	rddreg [dreg:$0xb]  }
0x30e: {  	[sflag:s13] =	ssyncadd.s32 $0xFFFFEC80;
	s9 =	sshrl.u32 @!p0 s7, $0x3;
	s7 =	simm.s32 @!p0 $0x8  }
0x30f: {  	[hbm:s5@s11], [sflag:s8] =	dma.strided @!p0 [spmem:s9@s7], $0x80, s10, $0x8   }
0x310: {  	s7 =	simm.s32 @!p0 $0xD  }
0x311: {  	_ =	swait.ge @!p0 [sflag:s7], $0x80  }
0x312: {  	s4 =	sadd.s32 $0x1, s4;
	s11 =	rddreg [dreg:$0xd]  }
0x313: {  	p1 =	sne.s32 s4, s11  }
.Ltmp2:
0x314: {  	_ = 	snop;
	(pc) =	sbr.rel @p1 .LBB2_1-.Ltmp2, $3  }
0x315: {  	_ =	sdelay $0x1  }
0x316: {  	[sflag:s7] =	ssyncset.done @!p0 $0x0  }
0x317: {  	[sflag:s7] =	ssyncadd.s32 @!p0 $0xFFFFFF80  }
0x318: {  	_ =	sfence.sel $0x180000  }
0x319: {  	[bflag:$0x0] =	sbarrier.arrive $0xFFFF  }
0x31a: {  	_ =	strace $0x90000047  }
0x31b: {  	[bflag:$0x2] =	sbarrier.arrive $0xFFFF  }
0x31c: {  	s0 =	rddreg [dreg:$0x4]  }
0x31d: {  	s0 =	sadd.s32 @!p0 $0x100000, s0  }
0x31e: {  	[sflag:s0] =	ssyncadd.tile.s32 @!p0 $0x1;
	_ =	shalt  }
.Lfunc_end2:
_tile_overlayer_lowered:
.L_overlay_start_2:
0x31f: {  	(tag) =	ssettag $0x2  }
0x320: {  	s0 =	rddreg [dreg:$0x0];
	s2 =	stileid.u32  }
0x321: {  	s1 =	rddreg [dreg:$0x1];
	p0 =	sne.s32 s2, $0x0  }
0x322: {  	s3 =	rddreg [dreg:$0x2];
	[bflag:$0x3] =	sbarrier.arrive $0xFFFF;
	s2 =	simm.s32 @!p0 $0x1C0D  }
0x323: {  	[timem:s3], [sflag:s2] =	dma.local @!p0 [hbm:s0], s1  }
0x324: {  	s0 =	simm.s32 @!p0 $0xD  }
0x325: {  	_ =	swait.ge @!p0 [sflag:s0], s1  }
0x326: {  	s1 =	ssub.s32 @!p0 $0x0, s1;
	[sflag:s0] =	ssyncset.done @!p0 $0x0  }
0x327: {  	[sflag:s0] =	ssyncadd.s32 @!p0 s1  }
0x328: {  	[bflag:$0x3] =	sbarrier.arrive $0xFFFF  }
0x329: {  	_ =	shalt  }

</sc_bundles>
